<compile_context>
chip_gen: v7x
topology: tpu7x:2x2x1
jax: 0.10.2.dev20260603
libtpu: 0.0.44.dev20260713+nightly
codegen_flags: <defaults>
</compile_context>

<pallas_src>
import functools

import jax
import jax.numpy as jnp
from jax import lax
from jax.experimental import pallas as pl
from jax.experimental.pallas import tpu as pltpu
from jax.experimental.pallas import tpu_sc as plsc

_N = 819200
_E = 1000000
_EPAD = 1024000
_IDX_PER_TILE = _N // 32
_ICHUNK = 128
_ICHUNKS = _IDX_PER_TILE // _ICHUNK

_L = 1200
_ROWS = _L // 3
_NCHUNK = (3 * _E) // _L
_DEPTH = 2
_NT3 = _L // 48
_KFULL = _NCHUNK // 16
_GFULL = _KFULL // _DEPTH


def _sc_counts_reduce(eb_input, w0f, w1f, w2f, w3f):
    mesh = plsc.VectorSubcoreMesh(core_axis_name="c", subcore_axis_name="s")

    @functools.partial(
        pl.kernel,
        mesh=mesh,
        compiler_params=pltpu.CompilerParams(
            needs_layout_passes=False, use_tc_tiling_on_sc=False
        ),
        out_type=jax.ShapeDtypeStruct((32, 96), jnp.float32),
        scratch_types=[
            pltpu.VMEM((4, _ICHUNK), jnp.int32),
            pltpu.VMEM((_ICHUNK,), jnp.float32),
            pltpu.VMEM((4000,), jnp.float32),
            pltpu.VMEM((_DEPTH, 4, _ROWS, 3), jnp.float32),
            pltpu.VMEM((_DEPTH, _ROWS), jnp.float32),
            pltpu.VMEM((96,), jnp.float32),
            pltpu.VMEM_SHARED((_EPAD,), jnp.float32),
            pltpu.SemaphoreType.DMA,
            pltpu.SemaphoreType.DMA,
            pltpu.SemaphoreType.DMA,
            pltpu.SemaphoreType.DMA,
        ],
    )
    def k(idx_hbm, w0, w1, w2, w3, out_hbm,
          idx_v, ones_v, zeros_v, wbuf, cbuf, res_v, counts,
          sem_i, sem_s, sem_w, sem_c):
        c = lax.axis_index("c")
        s = lax.axis_index("s")
        wid = s * 2 + c
        lanes = lax.iota(jnp.int32, 16)
        zero16 = jnp.zeros((16,), jnp.float32)
        ws = (w0, w1, w2, w3)

        def zfill(j, carry):
            zeros_v[pl.ds(j * 16, 16)] = zero16
            return carry
        lax.fori_loop(0, 250, zfill, 0)
        for j in range(16):
            pltpu.sync_copy(zeros_v,
                            counts.at[pl.ds(s * 64000 + j * 4000, 4000)])
        for j in range(_ICHUNK // 16):
            ones_v[pl.ds(j * 16, 16)] = jnp.ones((16,), jnp.float32)
        plsc.subcore_barrier()

        pos_base = c * (_N // 2) + s * _IDX_PER_TILE
        for p in range(3):
            pltpu.async_copy(idx_hbm.at[pl.ds(pos_base + p * _ICHUNK, _ICHUNK)],
                             idx_v.at[p], sem_i)

        def scat_quad(i, carry):
            for u in range(4):
                ch = i * 4 + u
                pltpu.make_async_copy(idx_hbm.at[pl.ds(0, _ICHUNK)],
                                      idx_v.at[u], sem_i).wait()
                @pl.when(ch >= 1)
                def _():
                    pltpu.make_async_copy(counts.at[pl.ds(0, _ICHUNK)],
                                          ones_v, sem_s).wait()
                @pl.when(ch + 3 < _ICHUNKS)
                def _():
                    pltpu.async_copy(
                        idx_hbm.at[pl.ds(pos_base + (ch + 3) * _ICHUNK, _ICHUNK)],
                        idx_v.at[(u + 3) % 4], sem_i)
                pltpu.async_copy(ones_v, counts.at[idx_v.at[u]], sem_s, add=True)
            return carry

        lax.fori_loop(0, _ICHUNKS // 4, scat_quad, 0)
        pltpu.make_async_copy(counts.at[pl.ds(0, _ICHUNK)], ones_v, sem_s).wait()
        plsc.subcore_barrier()

        base_pats = [((r * 16 + lanes) // 3).astype(jnp.int32) for r in range(3)]
        col_pats = [((r * 16 + lanes) % 3).astype(jnp.int32) for r in range(3)]

        def fire(slot, cid, guard):
            def issue():
                for t in range(4):
                    pltpu.async_copy(ws[t].at[pl.ds(cid * _ROWS, _ROWS), :],
                                     wbuf.at[slot, t], sem_w)
                pltpu.async_copy(counts.at[pl.ds(cid * _ROWS, _ROWS)],
                                 cbuf.at[slot], sem_c)
            if guard:
                pl.when(cid < _NCHUNK)(issue)
            else:
                issue()

        def drain(slot, cid, guard):
            def waitall():
                for t in range(4):
                    pltpu.make_async_copy(ws[0].at[pl.ds(0, _ROWS), :],
                                          wbuf.at[slot, t], sem_w).wait()
                pltpu.make_async_copy(counts.at[pl.ds(0, _ROWS)],
                                      cbuf.at[slot], sem_c).wait()
            if guard:
                pl.when(cid < _NCHUNK)(waitall)
            else:
                waitall()

        def compute(slot, accs, scale=None):
            def body(t3, carry):
                a = list(carry)
                toff = t3 * 16
                for dj in range(3):
                    rowi = base_pats[dj] + toff
                    coli = col_pats[dj]
                    ce = plsc.load_gather(cbuf.at[slot], [rowi])
                    if scale is not None:
                        ce = ce * scale
                    v0 = plsc.load_gather(wbuf.at[slot, 0], [rowi, coli])
                    v2 = plsc.load_gather(wbuf.at[slot, 2], [rowi, coli])
                    a[dj] = a[dj] + ce * (v0 + v2)
                    v1 = plsc.load_gather(wbuf.at[slot, 1], [rowi, coli])
                    v3 = plsc.load_gather(wbuf.at[slot, 3], [rowi, coli])
                    a[3 + dj] = a[3 + dj] + ce * (v1 + v3)
                return tuple(a)
            return plsc.parallel_loop(0, _NT3, 1, unroll=4,
                                      carry=tuple(accs))(body)

        for p in range(_DEPTH):
            fire(p, s + p * 16, guard=False)

        def group_body(gi, carry):
            accs = carry
            for p in range(_DEPTH):
                kk = gi * _DEPTH + p
                cid = s + kk * 16
                drain(p, cid, guard=False)
                accs = compute(p, accs)
                fire(p, cid + _DEPTH * 16, guard=True)
            return accs

        accs = lax.fori_loop(0, _GFULL, group_body, (zero16,) * 6)

        cid_e = s + _KFULL * 16
        drain(0, cid_e, guard=True)
        valid = jnp.where(cid_e < _NCHUNK, 1.0, 0.0).astype(jnp.float32)
        accs = compute(0, accs, valid)

        for k_, a in enumerate(accs):
            res_v[pl.ds(k_ * 16, 16)] = a
        pltpu.sync_copy(res_v, out_hbm.at[wid])

    return k(eb_input, w0f, w1f, w2f, w3f)


def kernel(eb_input, eb_offset, W0, W1, W2, W3):
    del eb_offset
    partials = _sc_counts_reduce(eb_input, W0, W1, W2, W3)
    accs = partials.sum(axis=0).reshape(2, 3, 16)
    l = jnp.arange(16)
    m = (jnp.arange(3)[:, None] + l[None, :]) % 3
    out = []
    for g in range(2):
        for d in range(3):
            out.append(jnp.sum(jnp.where(m == d, accs[g], 0.0)))
    return jnp.stack(out)

# --- scband reference (transcript-rebuilt; emitter-appended) ---
"""Pipeline reference for scband-custom-model-emb-emb-bag-diff-node-3753801417097 (READ-ONLY COPY).

The authoritative reference and input builder live on the scoring server;
editing this copy changes nothing except your own understanding.
"""

import jax, jax.numpy as jnp
import numpy as np

NUM_EMB = 1000000
DIM = 3
N = 819200
B = 16384


def setup_inputs(seed: int = 0) -> dict:
    key = jax.random.key(seed)
    ks = jax.random.split(key, 6)
    eb_input = jax.random.randint(ks[0], (N,), 0, NUM_EMB, dtype=jnp.int32)
    eb_offset = jnp.sort(jax.random.randint(ks[1], (B,), 0, N, dtype=jnp.int32))
    eb_offset = eb_offset.at[0].set(0)  # torch EmbeddingBag requires offsets[0] == 0
    W0 = jax.random.normal(ks[2], (NUM_EMB, DIM), dtype=jnp.float32)
    W1 = jax.random.normal(ks[3], (NUM_EMB, DIM), dtype=jnp.float32)
    W2 = jax.random.normal(ks[4], (NUM_EMB, DIM), dtype=jnp.float32)
    W3 = jax.random.normal(ks[5], (NUM_EMB, DIM), dtype=jnp.float32)
    return {"eb_input": eb_input, "eb_offset": eb_offset, "W0": W0, "W1": W1, "W2": W2, "W3": W3}


def reference(eb_input, eb_offset, W0, W1, W2, W3):
    n = eb_input.shape[0]
    b = eb_offset.shape[0]
    # bag id for each index position: number of offsets <= i, minus 1
    seg = jnp.searchsorted(eb_offset, jnp.arange(n), side="right") - 1
    # EmbeddingBag(mode='sum') for bags 0 and 2
    bag0 = jax.ops.segment_sum(jnp.take(W0, eb_input, axis=0), seg, num_segments=b)
    bag2 = jax.ops.segment_sum(jnp.take(W2, eb_input, axis=0), seg, num_segments=b)
    # plain Embedding for bags 1 and 3
    emb1 = jnp.take(W1, eb_input, axis=0)
    emb3 = jnp.take(W3, eb_input, axis=0)
    output_0 = jnp.sum(jnp.concatenate([bag0, bag2], axis=0), axis=0)
    output_1 = jnp.sum(jnp.concatenate([emb1, emb3], axis=0), axis=0)
    return jnp.concatenate([output_0, output_1])

if __name__ == "__main__":
    import jax
    _d = setup_inputs()
    print(jax.jit(kernel)(*tuple(_d.values())))

</pallas_src>

<mosaic_0001>
#map = affine_map<(d0, d1) -> (0)>
#map1 = affine_map<(d0, d1) -> (0, 0)>
module attributes {stable_mosaic.version = 14 : i64} {
  func.func @k(%arg0: i32, %arg1: i32, %arg2: memref<819200xi32, #tpu.memory_space<hbm>>, %arg3: memref<1000000x3xf32, #tpu.memory_space<hbm>>, %arg4: memref<1000000x3xf32, #tpu.memory_space<hbm>>, %arg5: memref<1000000x3xf32, #tpu.memory_space<hbm>>, %arg6: memref<1000000x3xf32, #tpu.memory_space<hbm>>, %arg7: memref<32x96xf32, #tpu.memory_space<hbm>>, %arg8: memref<4x128xi32, #tpu.memory_space<vmem>>, %arg9: memref<128xf32, #tpu.memory_space<vmem>>, %arg10: memref<4000xf32, #tpu.memory_space<vmem>>, %arg11: memref<2x4x400x3xf32, #tpu.memory_space<vmem>>, %arg12: memref<2x400xf32, #tpu.memory_space<vmem>>, %arg13: memref<96xf32, #tpu.memory_space<vmem>>, %arg14: memref<1024000xf32, #tpu.memory_space<vmem_shared>>, %arg15: memref<!tpu.dma_semaphore, #tpu.memory_space<semaphore_mem>>, %arg16: memref<!tpu.dma_semaphore, #tpu.memory_space<semaphore_mem>>, %arg17: memref<!tpu.dma_semaphore, #tpu.memory_space<semaphore_mem>>, %arg18: memref<!tpu.dma_semaphore, #tpu.memory_space<semaphore_mem>>) attributes {dimension_semantics = [#tpu.dimension_semantics<core_parallel>, #tpu.dimension_semantics<subcore_parallel>], iteration_bounds = array<i64: 2, 16>, scalar_prefetch = 0 : i64, scratch_operands = 11 : i64, tpu.core_type = #tpu.core_type<sc_vector_subcore>, window_params = [{transform_indices = #map}, {transform_indices = #map1}, {transform_indices = #map1}, {transform_indices = #map1}, {transform_indices = #map1}, {transform_indices = #map1}]} {
    %mul3A = arith.constant 2 : i32
    %mul3A_0 = arith.muli %arg1, %mul3A : i32
    %add3A = arith.addi %mul3A_0, %arg0 : i32
    %iota3A = tpu.iota {dimensions = array<i32: 0>} : vector<16xi32>
    %broadcast_in_dim3A = arith.constant 0.000000e+00 : f32
    %broadcast_in_dim3A_1 = vector.broadcast %broadcast_in_dim3A : f32 to vector<16xf32>
    %scan3A = arith.constant 0 : i32
    %scan3A_2 = arith.constant 0 : i32
    %scan3A_3 = arith.constant 250 : i32
    %scan3A_4 = arith.addi %scan3A_2, %scan3A_3 : i32
    %scan3A_5 = arith.constant 1 : i32
    scf.for %scan3A_501 = %scan3A_2 to %scan3A_4 step %scan3A_5  : i32 {
      %mul3A_502 = arith.constant 16 : i32
      %mul3A_503 = arith.muli %scan3A_501, %mul3A_502 : i32
      %swap3A_504 = arith.index_cast %mul3A_503 : i32 to index
      %swap3A_505 = tpu.vector_load %arg10[%swap3A_504] {strides = array<i32>} : memref<4000xf32, #tpu.memory_space<vmem>>, vector<16xf32>,
      tpu.vector_store %arg10[%swap3A_504], %broadcast_in_dim3A_1 {strides = array<i32>} : memref<4000xf32, #tpu.memory_space<vmem>>, vector<16xf32>,
    }
    %scan3A_6 = arith.constant 250 : i32
    %mul3A_7 = arith.constant 64000 : i32
    %mul3A_8 = arith.muli %arg1, %mul3A_7 : i32
    %add3A_9 = arith.constant 0 : i32
    %add3A_10 = arith.addi %mul3A_8, %add3A_9 : i32
    "tpu.region"() ({
      %run_scoped3A = tpu.sem_alloc : memref<!tpu.dma_semaphore, #tpu.memory_space<semaphore_mem>>
      %dma_start3A_501 = tpu.memref_slice %arg14[%add3A_10] : memref<1024000xf32, #tpu.memory_space<vmem_shared>> -> memref<4000xf32, #tpu.memory_space<vmem_shared>>
      %dma_start3A_502 = tpu.memref_slice %arg14[%add3A_10] : memref<1024000xf32, #tpu.memory_space<vmem_shared>> -> memref<4000xf32, #tpu.memory_space<vmem_shared>>
      tpu.enqueue_dma source(%arg10 : memref<4000xf32, #tpu.memory_space<vmem>>) target(%dma_start3A_502 : memref<4000xf32, #tpu.memory_space<vmem_shared>>) target_semaphore(%run_scoped3A : memref<!tpu.dma_semaphore, #tpu.memory_space<semaphore_mem>>)
      %dma_wait3A_503 = tpu.memref_slice %arg14[%add3A_10] : memref<1024000xf32, #tpu.memory_space<vmem_shared>> -> memref<4000xf32, #tpu.memory_space<vmem_shared>>
      %dma_wait3A_504 = tpu.memref_slice %arg14[%add3A_10] : memref<1024000xf32, #tpu.memory_space<vmem_shared>> -> memref<4000xf32, #tpu.memory_space<vmem_shared>>
      tpu.wait_dma2 semaphore(%run_scoped3A : memref<!tpu.dma_semaphore, #tpu.memory_space<semaphore_mem>>) src(%arg10 : memref<4000xf32, #tpu.memory_space<vmem>>) dst(%dma_wait3A_504 : memref<4000xf32, #tpu.memory_space<vmem_shared>>)
      tpu.yield
    }) : () -> ()
    %mul3A_11 = arith.constant 64000 : i32
    %mul3A_12 = arith.muli %arg1, %mul3A_11 : i32
    %add3A_13 = arith.constant 4000 : i32
    %add3A_14 = arith.addi %mul3A_12, %add3A_13 : i32
    "tpu.region"() ({
      %run_scoped3A = tpu.sem_alloc : memref<!tpu.dma_semaphore, #tpu.memory_space<semaphore_mem>>
      %dma_start3A_501 = tpu.memref_slice %arg14[%add3A_14] : memref<1024000xf32, #tpu.memory_space<vmem_shared>> -> memref<4000xf32, #tpu.memory_space<vmem_shared>>
      %dma_start3A_502 = tpu.memref_slice %arg14[%add3A_14] : memref<1024000xf32, #tpu.memory_space<vmem_shared>> -> memref<4000xf32, #tpu.memory_space<vmem_shared>>
      tpu.enqueue_dma source(%arg10 : memref<4000xf32, #tpu.memory_space<vmem>>) target(%dma_start3A_502 : memref<4000xf32, #tpu.memory_space<vmem_shared>>) target_semaphore(%run_scoped3A : memref<!tpu.dma_semaphore, #tpu.memory_space<semaphore_mem>>)
      %dma_wait3A_503 = tpu.memref_slice %arg14[%add3A_14] : memref<1024000xf32, #tpu.memory_space<vmem_shared>> -> memref<4000xf32, #tpu.memory_space<vmem_shared>>
      %dma_wait3A_504 = tpu.memref_slice %arg14[%add3A_14] : memref<1024000xf32, #tpu.memory_space<vmem_shared>> -> memref<4000xf32, #tpu.memory_space<vmem_shared>>
      tpu.wait_dma2 semaphore(%run_scoped3A : memref<!tpu.dma_semaphore, #tpu.memory_space<semaphore_mem>>) src(%arg10 : memref<4000xf32, #tpu.memory_space<vmem>>) dst(%dma_wait3A_504 : memref<4000xf32, #tpu.memory_space<vmem_shared>>)
      tpu.yield
    }) : () -> ()
    %mul3A_15 = arith.constant 64000 : i32
    %mul3A_16 = arith.muli %arg1, %mul3A_15 : i32
    %add3A_17 = arith.constant 8000 : i32
    %add3A_18 = arith.addi %mul3A_16, %add3A_17 : i32
    "tpu.region"() ({
      %run_scoped3A = tpu.sem_alloc : memref<!tpu.dma_semaphore, #tpu.memory_space<semaphore_mem>>
      %dma_start3A_501 = tpu.memref_slice %arg14[%add3A_18] : memref<1024000xf32, #tpu.memory_space<vmem_shared>> -> memref<4000xf32, #tpu.memory_space<vmem_shared>>
      %dma_start3A_502 = tpu.memref_slice %arg14[%add3A_18] : memref<1024000xf32, #tpu.memory_space<vmem_shared>> -> memref<4000xf32, #tpu.memory_space<vmem_shared>>
      tpu.enqueue_dma source(%arg10 : memref<4000xf32, #tpu.memory_space<vmem>>) target(%dma_start3A_502 : memref<4000xf32, #tpu.memory_space<vmem_shared>>) target_semaphore(%run_scoped3A : memref<!tpu.dma_semaphore, #tpu.memory_space<semaphore_mem>>)
      %dma_wait3A_503 = tpu.memref_slice %arg14[%add3A_18] : memref<1024000xf32, #tpu.memory_space<vmem_shared>> -> memref<4000xf32, #tpu.memory_space<vmem_shared>>
      %dma_wait3A_504 = tpu.memref_slice %arg14[%add3A_18] : memref<1024000xf32, #tpu.memory_space<vmem_shared>> -> memref<4000xf32, #tpu.memory_space<vmem_shared>>
      tpu.wait_dma2 semaphore(%run_scoped3A : memref<!tpu.dma_semaphore, #tpu.memory_space<semaphore_mem>>) src(%arg10 : memref<4000xf32, #tpu.memory_space<vmem>>) dst(%dma_wait3A_504 : memref<4000xf32, #tpu.memory_space<vmem_shared>>)
      tpu.yield
    }) : () -> ()
    %mul3A_19 = arith.constant 64000 : i32
    %mul3A_20 = arith.muli %arg1, %mul3A_19 : i32
    %add3A_21 = arith.constant 12000 : i32
    %add3A_22 = arith.addi %mul3A_20, %add3A_21 : i32
    "tpu.region"() ({
      %run_scoped3A = tpu.sem_alloc : memref<!tpu.dma_semaphore, #tpu.memory_space<semaphore_mem>>
      %dma_start3A_501 = tpu.memref_slice %arg14[%add3A_22] : memref<1024000xf32, #tpu.memory_space<vmem_shared>> -> memref<4000xf32, #tpu.memory_space<vmem_shared>>
      %dma_start3A_502 = tpu.memref_slice %arg14[%add3A_22] : memref<1024000xf32, #tpu.memory_space<vmem_shared>> -> memref<4000xf32, #tpu.memory_space<vmem_shared>>
      tpu.enqueue_dma source(%arg10 : memref<4000xf32, #tpu.memory_space<vmem>>) target(%dma_start3A_502 : memref<4000xf32, #tpu.memory_space<vmem_shared>>) target_semaphore(%run_scoped3A : memref<!tpu.dma_semaphore, #tpu.memory_space<semaphore_mem>>)
      %dma_wait3A_503 = tpu.memref_slice %arg14[%add3A_22] : memref<1024000xf32, #tpu.memory_space<vmem_shared>> -> memref<4000xf32, #tpu.memory_space<vmem_shared>>
      %dma_wait3A_504 = tpu.memref_slice %arg14[%add3A_22] : memref<1024000xf32, #tpu.memory_space<vmem_shared>> -> memref<4000xf32, #tpu.memory_space<vmem_shared>>
      tpu.wait_dma2 semaphore(%run_scoped3A : memref<!tpu.dma_semaphore, #tpu.memory_space<semaphore_mem>>) src(%arg10 : memref<4000xf32, #tpu.memory_space<vmem>>) dst(%dma_wait3A_504 : memref<4000xf32, #tpu.memory_space<vmem_shared>>)
      tpu.yield
    }) : () -> ()
    %mul3A_23 = arith.constant 64000 : i32
    %mul3A_24 = arith.muli %arg1, %mul3A_23 : i32
    %add3A_25 = arith.constant 16000 : i32
    %add3A_26 = arith.addi %mul3A_24, %add3A_25 : i32
    "tpu.region"() ({
      %run_scoped3A = tpu.sem_alloc : memref<!tpu.dma_semaphore, #tpu.memory_space<semaphore_mem>>
      %dma_start3A_501 = tpu.memref_slice %arg14[%add3A_26] : memref<1024000xf32, #tpu.memory_space<vmem_shared>> -> memref<4000xf32, #tpu.memory_space<vmem_shared>>
      %dma_start3A_502 = tpu.memref_slice %arg14[%add3A_26] : memref<1024000xf32, #tpu.memory_space<vmem_shared>> -> memref<4000xf32, #tpu.memory_space<vmem_shared>>
      tpu.enqueue_dma source(%arg10 : memref<4000xf32, #tpu.memory_space<vmem>>) target(%dma_start3A_502 : memref<4000xf32, #tpu.memory_space<vmem_shared>>) target_semaphore(%run_scoped3A : memref<!tpu.dma_semaphore, #tpu.memory_space<semaphore_mem>>)
      %dma_wait3A_503 = tpu.memref_slice %arg14[%add3A_26] : memref<1024000xf32, #tpu.memory_space<vmem_shared>> -> memref<4000xf32, #tpu.memory_space<vmem_shared>>
      %dma_wait3A_504 = tpu.memref_slice %arg14[%add3A_26] : memref<1024000xf32, #tpu.memory_space<vmem_shared>> -> memref<4000xf32, #tpu.memory_space<vmem_shared>>
      tpu.wait_dma2 semaphore(%run_scoped3A : memref<!tpu.dma_semaphore, #tpu.memory_space<semaphore_mem>>) src(%arg10 : memref<4000xf32, #tpu.memory_space<vmem>>) dst(%dma_wait3A_504 : memref<4000xf32, #tpu.memory_space<vmem_shared>>)
      tpu.yield
    }) : () -> ()
    %mul3A_27 = arith.constant 64000 : i32
    %mul3A_28 = arith.muli %arg1, %mul3A_27 : i32
    %add3A_29 = arith.constant 20000 : i32
    %add3A_30 = arith.addi %mul3A_28, %add3A_29 : i32
    "tpu.region"() ({
      %run_scoped3A = tpu.sem_alloc : memref<!tpu.dma_semaphore, #tpu.memory_space<semaphore_mem>>
      %dma_start3A_501 = tpu.memref_slice %arg14[%add3A_30] : memref<1024000xf32, #tpu.memory_space<vmem_shared>> -> memref<4000xf32, #tpu.memory_space<vmem_shared>>
      %dma_start3A_502 = tpu.memref_slice %arg14[%add3A_30] : memref<1024000xf32, #tpu.memory_space<vmem_shared>> -> memref<4000xf32, #tpu.memory_space<vmem_shared>>
      tpu.enqueue_dma source(%arg10 : memref<4000xf32, #tpu.memory_space<vmem>>) target(%dma_start3A_502 : memref<4000xf32, #tpu.memory_space<vmem_shared>>) target_semaphore(%run_scoped3A : memref<!tpu.dma_semaphore, #tpu.memory_space<semaphore_mem>>)
      %dma_wait3A_503 = tpu.memref_slice %arg14[%add3A_30] : memref<1024000xf32, #tpu.memory_space<vmem_shared>> -> memref<4000xf32, #tpu.memory_space<vmem_shared>>
      %dma_wait3A_504 = tpu.memref_slice %arg14[%add3A_30] : memref<1024000xf32, #tpu.memory_space<vmem_shared>> -> memref<4000xf32, #tpu.memory_space<vmem_shared>>
      tpu.wait_dma2 semaphore(%run_scoped3A : memref<!tpu.dma_semaphore, #tpu.memory_space<semaphore_mem>>) src(%arg10 : memref<4000xf32, #tpu.memory_space<vmem>>) dst(%dma_wait3A_504 : memref<4000xf32, #tpu.memory_space<vmem_shared>>)
      tpu.yield
    }) : () -> ()
    %mul3A_31 = arith.constant 64000 : i32
    %mul3A_32 = arith.muli %arg1, %mul3A_31 : i32
    %add3A_33 = arith.constant 24000 : i32
    %add3A_34 = arith.addi %mul3A_32, %add3A_33 : i32
    "tpu.region"() ({
      %run_scoped3A = tpu.sem_alloc : memref<!tpu.dma_semaphore, #tpu.memory_space<semaphore_mem>>
      %dma_start3A_501 = tpu.memref_slice %arg14[%add3A_34] : memref<1024000xf32, #tpu.memory_space<vmem_shared>> -> memref<4000xf32, #tpu.memory_space<vmem_shared>>
      %dma_start3A_502 = tpu.memref_slice %arg14[%add3A_34] : memref<1024000xf32, #tpu.memory_space<vmem_shared>> -> memref<4000xf32, #tpu.memory_space<vmem_shared>>
      tpu.enqueue_dma source(%arg10 : memref<4000xf32, #tpu.memory_space<vmem>>) target(%dma_start3A_502 : memref<4000xf32, #tpu.memory_space<vmem_shared>>) target_semaphore(%run_scoped3A : memref<!tpu.dma_semaphore, #tpu.memory_space<semaphore_mem>>)
      %dma_wait3A_503 = tpu.memref_slice %arg14[%add3A_34] : memref<1024000xf32, #tpu.memory_space<vmem_shared>> -> memref<4000xf32, #tpu.memory_space<vmem_shared>>
      %dma_wait3A_504 = tpu.memref_slice %arg14[%add3A_34] : memref<1024000xf32, #tpu.memory_space<vmem_shared>> -> memref<4000xf32, #tpu.memory_space<vmem_shared>>
      tpu.wait_dma2 semaphore(%run_scoped3A : memref<!tpu.dma_semaphore, #tpu.memory_space<semaphore_mem>>) src(%arg10 : memref<4000xf32, #tpu.memory_space<vmem>>) dst(%dma_wait3A_504 : memref<4000xf32, #tpu.memory_space<vmem_shared>>)
      tpu.yield
    }) : () -> ()
    %mul3A_35 = arith.constant 64000 : i32
    %mul3A_36 = arith.muli %arg1, %mul3A_35 : i32
    %add3A_37 = arith.constant 28000 : i32
    %add3A_38 = arith.addi %mul3A_36, %add3A_37 : i32
    "tpu.region"() ({
      %run_scoped3A = tpu.sem_alloc : memref<!tpu.dma_semaphore, #tpu.memory_space<semaphore_mem>>
      %dma_start3A_501 = tpu.memref_slice %arg14[%add3A_38] : memref<1024000xf32, #tpu.memory_space<vmem_shared>> -> memref<4000xf32, #tpu.memory_space<vmem_shared>>
      %dma_start3A_502 = tpu.memref_slice %arg14[%add3A_38] : memref<1024000xf32, #tpu.memory_space<vmem_shared>> -> memref<4000xf32, #tpu.memory_space<vmem_shared>>
      tpu.enqueue_dma source(%arg10 : memref<4000xf32, #tpu.memory_space<vmem>>) target(%dma_start3A_502 : memref<4000xf32, #tpu.memory_space<vmem_shared>>) target_semaphore(%run_scoped3A : memref<!tpu.dma_semaphore, #tpu.memory_space<semaphore_mem>>)
      %dma_wait3A_503 = tpu.memref_slice %arg14[%add3A_38] : memref<1024000xf32, #tpu.memory_space<vmem_shared>> -> memref<4000xf32, #tpu.memory_space<vmem_shared>>
      %dma_wait3A_504 = tpu.memref_slice %arg14[%add3A_38] : memref<1024000xf32, #tpu.memory_space<vmem_shared>> -> memref<4000xf32, #tpu.memory_space<vmem_shared>>
      tpu.wait_dma2 semaphore(%run_scoped3A : memref<!tpu.dma_semaphore, #tpu.memory_space<semaphore_mem>>) src(%arg10 : memref<4000xf32, #tpu.memory_space<vmem>>) dst(%dma_wait3A_504 : memref<4000xf32, #tpu.memory_space<vmem_shared>>)
      tpu.yield
    }) : () -> ()
    %mul3A_39 = arith.constant 64000 : i32
    %mul3A_40 = arith.muli %arg1, %mul3A_39 : i32
    %add3A_41 = arith.constant 32000 : i32
    %add3A_42 = arith.addi %mul3A_40, %add3A_41 : i32
    "tpu.region"() ({
      %run_scoped3A = tpu.sem_alloc : memref<!tpu.dma_semaphore, #tpu.memory_space<semaphore_mem>>
      %dma_start3A_501 = tpu.memref_slice %arg14[%add3A_42] : memref<1024000xf32, #tpu.memory_space<vmem_shared>> -> memref<4000xf32, #tpu.memory_space<vmem_shared>>
      %dma_start3A_502 = tpu.memref_slice %arg14[%add3A_42] : memref<1024000xf32, #tpu.memory_space<vmem_shared>> -> memref<4000xf32, #tpu.memory_space<vmem_shared>>
      tpu.enqueue_dma source(%arg10 : memref<4000xf32, #tpu.memory_space<vmem>>) target(%dma_start3A_502 : memref<4000xf32, #tpu.memory_space<vmem_shared>>) target_semaphore(%run_scoped3A : memref<!tpu.dma_semaphore, #tpu.memory_space<semaphore_mem>>)
      %dma_wait3A_503 = tpu.memref_slice %arg14[%add3A_42] : memref<1024000xf32, #tpu.memory_space<vmem_shared>> -> memref<4000xf32, #tpu.memory_space<vmem_shared>>
      %dma_wait3A_504 = tpu.memref_slice %arg14[%add3A_42] : memref<1024000xf32, #tpu.memory_space<vmem_shared>> -> memref<4000xf32, #tpu.memory_space<vmem_shared>>
      tpu.wait_dma2 semaphore(%run_scoped3A : memref<!tpu.dma_semaphore, #tpu.memory_space<semaphore_mem>>) src(%arg10 : memref<4000xf32, #tpu.memory_space<vmem>>) dst(%dma_wait3A_504 : memref<4000xf32, #tpu.memory_space<vmem_shared>>)
      tpu.yield
    }) : () -> ()
    %mul3A_43 = arith.constant 64000 : i32
    %mul3A_44 = arith.muli %arg1, %mul3A_43 : i32
    %add3A_45 = arith.constant 36000 : i32
    %add3A_46 = arith.addi %mul3A_44, %add3A_45 : i32
    "tpu.region"() ({
      %run_scoped3A = tpu.sem_alloc : memref<!tpu.dma_semaphore, #tpu.memory_space<semaphore_mem>>
      %dma_start3A_501 = tpu.memref_slice %arg14[%add3A_46] : memref<1024000xf32, #tpu.memory_space<vmem_shared>> -> memref<4000xf32, #tpu.memory_space<vmem_shared>>
      %dma_start3A_502 = tpu.memref_slice %arg14[%add3A_46] : memref<1024000xf32, #tpu.memory_space<vmem_shared>> -> memref<4000xf32, #tpu.memory_space<vmem_shared>>
      tpu.enqueue_dma source(%arg10 : memref<4000xf32, #tpu.memory_space<vmem>>) target(%dma_start3A_502 : memref<4000xf32, #tpu.memory_space<vmem_shared>>) target_semaphore(%run_scoped3A : memref<!tpu.dma_semaphore, #tpu.memory_space<semaphore_mem>>)
      %dma_wait3A_503 = tpu.memref_slice %arg14[%add3A_46] : memref<1024000xf32, #tpu.memory_space<vmem_shared>> -> memref<4000xf32, #tpu.memory_space<vmem_shared>>
      %dma_wait3A_504 = tpu.memref_slice %arg14[%add3A_46] : memref<1024000xf32, #tpu.memory_space<vmem_shared>> -> memref<4000xf32, #tpu.memory_space<vmem_shared>>
      tpu.wait_dma2 semaphore(%run_scoped3A : memref<!tpu.dma_semaphore, #tpu.memory_space<semaphore_mem>>) src(%arg10 : memref<4000xf32, #tpu.memory_space<vmem>>) dst(%dma_wait3A_504 : memref<4000xf32, #tpu.memory_space<vmem_shared>>)
      tpu.yield
    }) : () -> ()
    %mul3A_47 = arith.constant 64000 : i32
    %mul3A_48 = arith.muli %arg1, %mul3A_47 : i32
    %add3A_49 = arith.constant 40000 : i32
    %add3A_50 = arith.addi %mul3A_48, %add3A_49 : i32
    "tpu.region"() ({
      %run_scoped3A = tpu.sem_alloc : memref<!tpu.dma_semaphore, #tpu.memory_space<semaphore_mem>>
      %dma_start3A_501 = tpu.memref_slice %arg14[%add3A_50] : memref<1024000xf32, #tpu.memory_space<vmem_shared>> -> memref<4000xf32, #tpu.memory_space<vmem_shared>>
      %dma_start3A_502 = tpu.memref_slice %arg14[%add3A_50] : memref<1024000xf32, #tpu.memory_space<vmem_shared>> -> memref<4000xf32, #tpu.memory_space<vmem_shared>>
      tpu.enqueue_dma source(%arg10 : memref<4000xf32, #tpu.memory_space<vmem>>) target(%dma_start3A_502 : memref<4000xf32, #tpu.memory_space<vmem_shared>>) target_semaphore(%run_scoped3A : memref<!tpu.dma_semaphore, #tpu.memory_space<semaphore_mem>>)
      %dma_wait3A_503 = tpu.memref_slice %arg14[%add3A_50] : memref<1024000xf32, #tpu.memory_space<vmem_shared>> -> memref<4000xf32, #tpu.memory_space<vmem_shared>>
      %dma_wait3A_504 = tpu.memref_slice %arg14[%add3A_50] : memref<1024000xf32, #tpu.memory_space<vmem_shared>> -> memref<4000xf32, #tpu.memory_space<vmem_shared>>
      tpu.wait_dma2 semaphore(%run_scoped3A : memref<!tpu.dma_semaphore, #tpu.memory_space<semaphore_mem>>) src(%arg10 : memref<4000xf32, #tpu.memory_space<vmem>>) dst(%dma_wait3A_504 : memref<4000xf32, #tpu.memory_space<vmem_shared>>)
      tpu.yield
    }) : () -> ()
    %mul3A_51 = arith.constant 64000 : i32
    %mul3A_52 = arith.muli %arg1, %mul3A_51 : i32
    %add3A_53 = arith.constant 44000 : i32
    %add3A_54 = arith.addi %mul3A_52, %add3A_53 : i32
    "tpu.region"() ({
      %run_scoped3A = tpu.sem_alloc : memref<!tpu.dma_semaphore, #tpu.memory_space<semaphore_mem>>
      %dma_start3A_501 = tpu.memref_slice %arg14[%add3A_54] : memref<1024000xf32, #tpu.memory_space<vmem_shared>> -> memref<4000xf32, #tpu.memory_space<vmem_shared>>
      %dma_start3A_502 = tpu.memref_slice %arg14[%add3A_54] : memref<1024000xf32, #tpu.memory_space<vmem_shared>> -> memref<4000xf32, #tpu.memory_space<vmem_shared>>
      tpu.enqueue_dma source(%arg10 : memref<4000xf32, #tpu.memory_space<vmem>>) target(%dma_start3A_502 : memref<4000xf32, #tpu.memory_space<vmem_shared>>) target_semaphore(%run_scoped3A : memref<!tpu.dma_semaphore, #tpu.memory_space<semaphore_mem>>)
      %dma_wait3A_503 = tpu.memref_slice %arg14[%add3A_54] : memref<1024000xf32, #tpu.memory_space<vmem_shared>> -> memref<4000xf32, #tpu.memory_space<vmem_shared>>
      %dma_wait3A_504 = tpu.memref_slice %arg14[%add3A_54] : memref<1024000xf32, #tpu.memory_space<vmem_shared>> -> memref<4000xf32, #tpu.memory_space<vmem_shared>>
      tpu.wait_dma2 semaphore(%run_scoped3A : memref<!tpu.dma_semaphore, #tpu.memory_space<semaphore_mem>>) src(%arg10 : memref<4000xf32, #tpu.memory_space<vmem>>) dst(%dma_wait3A_504 : memref<4000xf32, #tpu.memory_space<vmem_shared>>)
      tpu.yield
    }) : () -> ()
    %mul3A_55 = arith.constant 64000 : i32
    %mul3A_56 = arith.muli %arg1, %mul3A_55 : i32
    %add3A_57 = arith.constant 48000 : i32
    %add3A_58 = arith.addi %mul3A_56, %add3A_57 : i32
    "tpu.region"() ({
      %run_scoped3A = tpu.sem_alloc : memref<!tpu.dma_semaphore, #tpu.memory_space<semaphore_mem>>
      %dma_start3A_501 = tpu.memref_slice %arg14[%add3A_58] : memref<1024000xf32, #tpu.memory_space<vmem_shared>> -> memref<4000xf32, #tpu.memory_space<vmem_shared>>
      %dma_start3A_502 = tpu.memref_slice %arg14[%add3A_58] : memref<1024000xf32, #tpu.memory_space<vmem_shared>> -> memref<4000xf32, #tpu.memory_space<vmem_shared>>
      tpu.enqueue_dma source(%arg10 : memref<4000xf32, #tpu.memory_space<vmem>>) target(%dma_start3A_502 : memref<4000xf32, #tpu.memory_space<vmem_shared>>) target_semaphore(%run_scoped3A : memref<!tpu.dma_semaphore, #tpu.memory_space<semaphore_mem>>)
      %dma_wait3A_503 = tpu.memref_slice %arg14[%add3A_58] : memref<1024000xf32, #tpu.memory_space<vmem_shared>> -> memref<4000xf32, #tpu.memory_space<vmem_shared>>
      %dma_wait3A_504 = tpu.memref_slice %arg14[%add3A_58] : memref<1024000xf32, #tpu.memory_space<vmem_shared>> -> memref<4000xf32, #tpu.memory_space<vmem_shared>>
      tpu.wait_dma2 semaphore(%run_scoped3A : memref<!tpu.dma_semaphore, #tpu.memory_space<semaphore_mem>>) src(%arg10 : memref<4000xf32, #tpu.memory_space<vmem>>) dst(%dma_wait3A_504 : memref<4000xf32, #tpu.memory_space<vmem_shared>>)
      tpu.yield
    }) : () -> ()
    %mul3A_59 = arith.constant 64000 : i32
    %mul3A_60 = arith.muli %arg1, %mul3A_59 : i32
    %add3A_61 = arith.constant 52000 : i32
    %add3A_62 = arith.addi %mul3A_60, %add3A_61 : i32
    "tpu.region"() ({
      %run_scoped3A = tpu.sem_alloc : memref<!tpu.dma_semaphore, #tpu.memory_space<semaphore_mem>>
      %dma_start3A_501 = tpu.memref_slice %arg14[%add3A_62] : memref<1024000xf32, #tpu.memory_space<vmem_shared>> -> memref<4000xf32, #tpu.memory_space<vmem_shared>>
      %dma_start3A_502 = tpu.memref_slice %arg14[%add3A_62] : memref<1024000xf32, #tpu.memory_space<vmem_shared>> -> memref<4000xf32, #tpu.memory_space<vmem_shared>>
      tpu.enqueue_dma source(%arg10 : memref<4000xf32, #tpu.memory_space<vmem>>) target(%dma_start3A_502 : memref<4000xf32, #tpu.memory_space<vmem_shared>>) target_semaphore(%run_scoped3A : memref<!tpu.dma_semaphore, #tpu.memory_space<semaphore_mem>>)
      %dma_wait3A_503 = tpu.memref_slice %arg14[%add3A_62] : memref<1024000xf32, #tpu.memory_space<vmem_shared>> -> memref<4000xf32, #tpu.memory_space<vmem_shared>>
      %dma_wait3A_504 = tpu.memref_slice %arg14[%add3A_62] : memref<1024000xf32, #tpu.memory_space<vmem_shared>> -> memref<4000xf32, #tpu.memory_space<vmem_shared>>
      tpu.wait_dma2 semaphore(%run_scoped3A : memref<!tpu.dma_semaphore, #tpu.memory_space<semaphore_mem>>) src(%arg10 : memref<4000xf32, #tpu.memory_space<vmem>>) dst(%dma_wait3A_504 : memref<4000xf32, #tpu.memory_space<vmem_shared>>)
      tpu.yield
    }) : () -> ()
    %mul3A_63 = arith.constant 64000 : i32
    %mul3A_64 = arith.muli %arg1, %mul3A_63 : i32
    %add3A_65 = arith.constant 56000 : i32
    %add3A_66 = arith.addi %mul3A_64, %add3A_65 : i32
    "tpu.region"() ({
      %run_scoped3A = tpu.sem_alloc : memref<!tpu.dma_semaphore, #tpu.memory_space<semaphore_mem>>
      %dma_start3A_501 = tpu.memref_slice %arg14[%add3A_66] : memref<1024000xf32, #tpu.memory_space<vmem_shared>> -> memref<4000xf32, #tpu.memory_space<vmem_shared>>
      %dma_start3A_502 = tpu.memref_slice %arg14[%add3A_66] : memref<1024000xf32, #tpu.memory_space<vmem_shared>> -> memref<4000xf32, #tpu.memory_space<vmem_shared>>
      tpu.enqueue_dma source(%arg10 : memref<4000xf32, #tpu.memory_space<vmem>>) target(%dma_start3A_502 : memref<4000xf32, #tpu.memory_space<vmem_shared>>) target_semaphore(%run_scoped3A : memref<!tpu.dma_semaphore, #tpu.memory_space<semaphore_mem>>)
      %dma_wait3A_503 = tpu.memref_slice %arg14[%add3A_66] : memref<1024000xf32, #tpu.memory_space<vmem_shared>> -> memref<4000xf32, #tpu.memory_space<vmem_shared>>
      %dma_wait3A_504 = tpu.memref_slice %arg14[%add3A_66] : memref<1024000xf32, #tpu.memory_space<vmem_shared>> -> memref<4000xf32, #tpu.memory_space<vmem_shared>>
      tpu.wait_dma2 semaphore(%run_scoped3A : memref<!tpu.dma_semaphore, #tpu.memory_space<semaphore_mem>>) src(%arg10 : memref<4000xf32, #tpu.memory_space<vmem>>) dst(%dma_wait3A_504 : memref<4000xf32, #tpu.memory_space<vmem_shared>>)
      tpu.yield
    }) : () -> ()
    %mul3A_67 = arith.constant 64000 : i32
    %mul3A_68 = arith.muli %arg1, %mul3A_67 : i32
    %add3A_69 = arith.constant 60000 : i32
    %add3A_70 = arith.addi %mul3A_68, %add3A_69 : i32
    "tpu.region"() ({
      %run_scoped3A = tpu.sem_alloc : memref<!tpu.dma_semaphore, #tpu.memory_space<semaphore_mem>>
      %dma_start3A_501 = tpu.memref_slice %arg14[%add3A_70] : memref<1024000xf32, #tpu.memory_space<vmem_shared>> -> memref<4000xf32, #tpu.memory_space<vmem_shared>>
      %dma_start3A_502 = tpu.memref_slice %arg14[%add3A_70] : memref<1024000xf32, #tpu.memory_space<vmem_shared>> -> memref<4000xf32, #tpu.memory_space<vmem_shared>>
      tpu.enqueue_dma source(%arg10 : memref<4000xf32, #tpu.memory_space<vmem>>) target(%dma_start3A_502 : memref<4000xf32, #tpu.memory_space<vmem_shared>>) target_semaphore(%run_scoped3A : memref<!tpu.dma_semaphore, #tpu.memory_space<semaphore_mem>>)
      %dma_wait3A_503 = tpu.memref_slice %arg14[%add3A_70] : memref<1024000xf32, #tpu.memory_space<vmem_shared>> -> memref<4000xf32, #tpu.memory_space<vmem_shared>>
      %dma_wait3A_504 = tpu.memref_slice %arg14[%add3A_70] : memref<1024000xf32, #tpu.memory_space<vmem_shared>> -> memref<4000xf32, #tpu.memory_space<vmem_shared>>
      tpu.wait_dma2 semaphore(%run_scoped3A : memref<!tpu.dma_semaphore, #tpu.memory_space<semaphore_mem>>) src(%arg10 : memref<4000xf32, #tpu.memory_space<vmem>>) dst(%dma_wait3A_504 : memref<4000xf32, #tpu.memory_space<vmem_shared>>)
      tpu.yield
    }) : () -> ()
    %broadcast_in_dim3A_71 = arith.constant 1.000000e+00 : f32
    %broadcast_in_dim3A_72 = vector.broadcast %broadcast_in_dim3A_71 : f32 to vector<16xf32>
    %swap3A = arith.constant 0 : index
    %swap3A_73 = tpu.vector_load %arg9[%swap3A] {strides = array<i32>} : memref<128xf32, #tpu.memory_space<vmem>>, vector<16xf32>,
    tpu.vector_store %arg9[%swap3A], %broadcast_in_dim3A_72 {strides = array<i32>} : memref<128xf32, #tpu.memory_space<vmem>>, vector<16xf32>,
    %broadcast_in_dim3A_74 = arith.constant 1.000000e+00 : f32
    %broadcast_in_dim3A_75 = vector.broadcast %broadcast_in_dim3A_74 : f32 to vector<16xf32>
    %swap3A_76 = arith.constant 16 : index
    %swap3A_77 = tpu.vector_load %arg9[%swap3A_76] {strides = array<i32>} : memref<128xf32, #tpu.memory_space<vmem>>, vector<16xf32>,
    tpu.vector_store %arg9[%swap3A_76], %broadcast_in_dim3A_75 {strides = array<i32>} : memref<128xf32, #tpu.memory_space<vmem>>, vector<16xf32>,
    %broadcast_in_dim3A_78 = arith.constant 1.000000e+00 : f32
    %broadcast_in_dim3A_79 = vector.broadcast %broadcast_in_dim3A_78 : f32 to vector<16xf32>
    %swap3A_80 = arith.constant 32 : index
    %swap3A_81 = tpu.vector_load %arg9[%swap3A_80] {strides = array<i32>} : memref<128xf32, #tpu.memory_space<vmem>>, vector<16xf32>,
    tpu.vector_store %arg9[%swap3A_80], %broadcast_in_dim3A_79 {strides = array<i32>} : memref<128xf32, #tpu.memory_space<vmem>>, vector<16xf32>,
    %broadcast_in_dim3A_82 = arith.constant 1.000000e+00 : f32
    %broadcast_in_dim3A_83 = vector.broadcast %broadcast_in_dim3A_82 : f32 to vector<16xf32>
    %swap3A_84 = arith.constant 48 : index
    %swap3A_85 = tpu.vector_load %arg9[%swap3A_84] {strides = array<i32>} : memref<128xf32, #tpu.memory_space<vmem>>, vector<16xf32>,
    tpu.vector_store %arg9[%swap3A_84], %broadcast_in_dim3A_83 {strides = array<i32>} : memref<128xf32, #tpu.memory_space<vmem>>, vector<16xf32>,
    %broadcast_in_dim3A_86 = arith.constant 1.000000e+00 : f32
    %broadcast_in_dim3A_87 = vector.broadcast %broadcast_in_dim3A_86 : f32 to vector<16xf32>
    %swap3A_88 = arith.constant 64 : index
    %swap3A_89 = tpu.vector_load %arg9[%swap3A_88] {strides = array<i32>} : memref<128xf32, #tpu.memory_space<vmem>>, vector<16xf32>,
    tpu.vector_store %arg9[%swap3A_88], %broadcast_in_dim3A_87 {strides = array<i32>} : memref<128xf32, #tpu.memory_space<vmem>>, vector<16xf32>,
    %broadcast_in_dim3A_90 = arith.constant 1.000000e+00 : f32
    %broadcast_in_dim3A_91 = vector.broadcast %broadcast_in_dim3A_90 : f32 to vector<16xf32>
    %swap3A_92 = arith.constant 80 : index
    %swap3A_93 = tpu.vector_load %arg9[%swap3A_92] {strides = array<i32>} : memref<128xf32, #tpu.memory_space<vmem>>, vector<16xf32>,
    tpu.vector_store %arg9[%swap3A_92], %broadcast_in_dim3A_91 {strides = array<i32>} : memref<128xf32, #tpu.memory_space<vmem>>, vector<16xf32>,
    %broadcast_in_dim3A_94 = arith.constant 1.000000e+00 : f32
    %broadcast_in_dim3A_95 = vector.broadcast %broadcast_in_dim3A_94 : f32 to vector<16xf32>
    %swap3A_96 = arith.constant 96 : index
    %swap3A_97 = tpu.vector_load %arg9[%swap3A_96] {strides = array<i32>} : memref<128xf32, #tpu.memory_space<vmem>>, vector<16xf32>,
    tpu.vector_store %arg9[%swap3A_96], %broadcast_in_dim3A_95 {strides = array<i32>} : memref<128xf32, #tpu.memory_space<vmem>>, vector<16xf32>,
    %broadcast_in_dim3A_98 = arith.constant 1.000000e+00 : f32
    %broadcast_in_dim3A_99 = vector.broadcast %broadcast_in_dim3A_98 : f32 to vector<16xf32>
    %swap3A_100 = arith.constant 112 : index
    %swap3A_101 = tpu.vector_load %arg9[%swap3A_100] {strides = array<i32>} : memref<128xf32, #tpu.memory_space<vmem>>, vector<16xf32>,
    tpu.vector_store %arg9[%swap3A_100], %broadcast_in_dim3A_99 {strides = array<i32>} : memref<128xf32, #tpu.memory_space<vmem>>, vector<16xf32>,
    %barrier3A = arith.constant 0 : index
    tpu.barrier barrier_id(%barrier3A)
    %mul3A_102 = arith.constant 409600 : i32
    %mul3A_103 = arith.muli %arg0, %mul3A_102 : i32
    %mul3A_104 = arith.constant 25600 : i32
    %mul3A_105 = arith.muli %arg1, %mul3A_104 : i32
    %add3A_106 = arith.addi %mul3A_103, %mul3A_105 : i32
    %add3A_107 = arith.constant 0 : i32
    %add3A_108 = arith.addi %add3A_106, %add3A_107 : i32
    %dma_start3A = arith.constant 0 : i32
    %dma_start3A_109 = arith.constant 0 : i32
    %dma_start3A_110 = tpu.memref_slice %arg8[%dma_start3A, %dma_start3A_109] : memref<4x128xi32, #tpu.memory_space<vmem>> -> memref<1x128xi32, #tpu.memory_space<vmem>>
    %dma_start3A_111 = tpu.memref_squeeze %dma_start3A_110 : memref<1x128xi32, #tpu.memory_space<vmem>> -> memref<128xi32, #tpu.memory_space<vmem>>
    %dma_start3A_112 = tpu.memref_slice %arg2[%add3A_108] : memref<819200xi32, #tpu.memory_space<hbm>> -> memref<128xi32, #tpu.memory_space<hbm>>
    %dma_start3A_113 = arith.constant 0 : i32
    %dma_start3A_114 = tpu.memref_slice %arg8[%dma_start3A, %dma_start3A_113] : memref<4x128xi32, #tpu.memory_space<vmem>> -> memref<1x128xi32, #tpu.memory_space<vmem>>
    %dma_start3A_115 = tpu.memref_squeeze %dma_start3A_114 : memref<1x128xi32, #tpu.memory_space<vmem>> -> memref<128xi32, #tpu.memory_space<vmem>>
    %dma_start3A_116 = tpu.memref_slice %arg2[%add3A_108] : memref<819200xi32, #tpu.memory_space<hbm>> -> memref<128xi32, #tpu.memory_space<hbm>>
    tpu.enqueue_dma source(%dma_start3A_116 : memref<128xi32, #tpu.memory_space<hbm>>) target(%dma_start3A_115 : memref<128xi32, #tpu.memory_space<vmem>>) target_semaphore(%arg15 : memref<!tpu.dma_semaphore, #tpu.memory_space<semaphore_mem>>)
    %add3A_117 = arith.constant 128 : i32
    %add3A_118 = arith.addi %add3A_106, %add3A_117 : i32
    %dma_start3A_119 = arith.constant 1 : i32
    %dma_start3A_120 = arith.constant 0 : i32
    %dma_start3A_121 = tpu.memref_slice %arg8[%dma_start3A_119, %dma_start3A_120] : memref<4x128xi32, #tpu.memory_space<vmem>> -> memref<1x128xi32, #tpu.memory_space<vmem>>
    %dma_start3A_122 = tpu.memref_squeeze %dma_start3A_121 : memref<1x128xi32, #tpu.memory_space<vmem>> -> memref<128xi32, #tpu.memory_space<vmem>>
    %dma_start3A_123 = tpu.memref_slice %arg2[%add3A_118] : memref<819200xi32, #tpu.memory_space<hbm>> -> memref<128xi32, #tpu.memory_space<hbm>>
    %dma_start3A_124 = arith.constant 0 : i32
    %dma_start3A_125 = tpu.memref_slice %arg8[%dma_start3A_119, %dma_start3A_124] : memref<4x128xi32, #tpu.memory_space<vmem>> -> memref<1x128xi32, #tpu.memory_space<vmem>>
    %dma_start3A_126 = tpu.memref_squeeze %dma_start3A_125 : memref<1x128xi32, #tpu.memory_space<vmem>> -> memref<128xi32, #tpu.memory_space<vmem>>
    %dma_start3A_127 = tpu.memref_slice %arg2[%add3A_118] : memref<819200xi32, #tpu.memory_space<hbm>> -> memref<128xi32, #tpu.memory_space<hbm>>
    tpu.enqueue_dma source(%dma_start3A_127 : memref<128xi32, #tpu.memory_space<hbm>>) target(%dma_start3A_126 : memref<128xi32, #tpu.memory_space<vmem>>) target_semaphore(%arg15 : memref<!tpu.dma_semaphore, #tpu.memory_space<semaphore_mem>>)
    %add3A_128 = arith.constant 256 : i32
    %add3A_129 = arith.addi %add3A_106, %add3A_128 : i32
    %dma_start3A_130 = arith.constant 2 : i32
    %dma_start3A_131 = arith.constant 0 : i32
    %dma_start3A_132 = tpu.memref_slice %arg8[%dma_start3A_130, %dma_start3A_131] : memref<4x128xi32, #tpu.memory_space<vmem>> -> memref<1x128xi32, #tpu.memory_space<vmem>>
    %dma_start3A_133 = tpu.memref_squeeze %dma_start3A_132 : memref<1x128xi32, #tpu.memory_space<vmem>> -> memref<128xi32, #tpu.memory_space<vmem>>
    %dma_start3A_134 = tpu.memref_slice %arg2[%add3A_129] : memref<819200xi32, #tpu.memory_space<hbm>> -> memref<128xi32, #tpu.memory_space<hbm>>
    %dma_start3A_135 = arith.constant 0 : i32
    %dma_start3A_136 = tpu.memref_slice %arg8[%dma_start3A_130, %dma_start3A_135] : memref<4x128xi32, #tpu.memory_space<vmem>> -> memref<1x128xi32, #tpu.memory_space<vmem>>
    %dma_start3A_137 = tpu.memref_squeeze %dma_start3A_136 : memref<1x128xi32, #tpu.memory_space<vmem>> -> memref<128xi32, #tpu.memory_space<vmem>>
    %dma_start3A_138 = tpu.memref_slice %arg2[%add3A_129] : memref<819200xi32, #tpu.memory_space<hbm>> -> memref<128xi32, #tpu.memory_space<hbm>>
    tpu.enqueue_dma source(%dma_start3A_138 : memref<128xi32, #tpu.memory_space<hbm>>) target(%dma_start3A_137 : memref<128xi32, #tpu.memory_space<vmem>>) target_semaphore(%arg15 : memref<!tpu.dma_semaphore, #tpu.memory_space<semaphore_mem>>)
    %scan3A_139 = arith.constant 0 : i32
    %scan3A_140 = arith.constant 0 : i32
    %scan3A_141 = arith.constant 50 : i32
    %scan3A_142 = arith.addi %scan3A_140, %scan3A_141 : i32
    %scan3A_143 = arith.constant 1 : i32
    scf.for %scan3A_501 = %scan3A_140 to %scan3A_142 step %scan3A_143  : i32 {
      %mul3A_502 = arith.constant 4 : i32
      %mul3A_503 = arith.muli %scan3A_501, %mul3A_502 : i32
      %add3A_504 = arith.constant 0 : i32
      %add3A_505 = arith.addi %mul3A_503, %add3A_504 : i32
      %dma_wait3A_506 = arith.constant 0 : i32
      %dma_wait3A_507 = arith.constant 0 : i32
      %dma_wait3A_508 = tpu.memref_slice %arg8[%dma_wait3A_506, %dma_wait3A_507] : memref<4x128xi32, #tpu.memory_space<vmem>> -> memref<1x128xi32, #tpu.memory_space<vmem>>
      %dma_wait3A_509 = tpu.memref_squeeze %dma_wait3A_508 : memref<1x128xi32, #tpu.memory_space<vmem>> -> memref<128xi32, #tpu.memory_space<vmem>>
      %dma_wait3A_510 = arith.constant 0 : i32
      %dma_wait3A_511 = tpu.memref_slice %arg2[%dma_wait3A_510] : memref<819200xi32, #tpu.memory_space<hbm>> -> memref<128xi32, #tpu.memory_space<hbm>>
      %dma_wait3A_512 = arith.constant 0 : i32
      %dma_wait3A_513 = tpu.memref_slice %arg8[%dma_wait3A_506, %dma_wait3A_512] : memref<4x128xi32, #tpu.memory_space<vmem>> -> memref<1x128xi32, #tpu.memory_space<vmem>>
      %dma_wait3A_514 = tpu.memref_squeeze %dma_wait3A_513 : memref<1x128xi32, #tpu.memory_space<vmem>> -> memref<128xi32, #tpu.memory_space<vmem>>
      %dma_wait3A_515 = arith.constant 0 : i32
      %dma_wait3A_516 = tpu.memref_slice %arg2[%dma_wait3A_515] : memref<819200xi32, #tpu.memory_space<hbm>> -> memref<128xi32, #tpu.memory_space<hbm>>
      tpu.wait_dma2 semaphore(%arg15 : memref<!tpu.dma_semaphore, #tpu.memory_space<semaphore_mem>>) src(%dma_wait3A_516 : memref<128xi32, #tpu.memory_space<hbm>>) dst(%dma_wait3A_514 : memref<128xi32, #tpu.memory_space<vmem>>)
      %ge3A = arith.constant 1 : i32
      %ge3A_517 = arith.cmpi sge, %add3A_505, %ge3A : i32
      %convert_element_type3A_518 = arith.extui %ge3A_517 : i1 to i32
      %cond3A_519 = arith.constant 0 : i32
      %cond3A_520 = arith.cmpi ne, %convert_element_type3A_518, %cond3A_519 : i32
      scf.if %cond3A_520 {
        %dma_wait3A_633 = arith.constant 0 : i32
        %dma_wait3A_634 = tpu.memref_slice %arg14[%dma_wait3A_633] : memref<1024000xf32, #tpu.memory_space<vmem_shared>> -> memref<128xf32, #tpu.memory_space<vmem_shared>>
        %dma_wait3A_635 = arith.constant 0 : i32
        %dma_wait3A_636 = tpu.memref_slice %arg14[%dma_wait3A_635] : memref<1024000xf32, #tpu.memory_space<vmem_shared>> -> memref<128xf32, #tpu.memory_space<vmem_shared>>
        tpu.wait_dma2 semaphore(%arg16 : memref<!tpu.dma_semaphore, #tpu.memory_space<semaphore_mem>>) src(%dma_wait3A_636 : memref<128xf32, #tpu.memory_space<vmem_shared>>) dst(%arg9 : memref<128xf32, #tpu.memory_space<vmem>>)
      } else {
      }
      %add3A_521 = arith.constant 3 : i32
      %add3A_522 = arith.addi %add3A_505, %add3A_521 : i32
      %lt3A_523 = arith.constant 200 : i32
      %lt3A_524 = arith.cmpi slt, %add3A_522, %lt3A_523 : i32
      %convert_element_type3A_525 = arith.extui %lt3A_524 : i1 to i32
      %cond3A_526 = arith.constant 0 : i32
      %cond3A_527 = arith.cmpi ne, %convert_element_type3A_525, %cond3A_526 : i32
      scf.if %cond3A_527 {
        %add3A_633 = arith.constant 3 : i32
        %add3A_634 = arith.addi %add3A_505, %add3A_633 : i32
        %mul3A_635 = arith.constant 128 : i32
        %mul3A_636 = arith.muli %add3A_634, %mul3A_635 : i32
        %add3A_637 = arith.addi %add3A_106, %mul3A_636 : i32
        %dma_start3A_638 = arith.constant 3 : i32
        %dma_start3A_639 = arith.constant 0 : i32
        %dma_start3A_640 = tpu.memref_slice %arg8[%dma_start3A_638, %dma_start3A_639] : memref<4x128xi32, #tpu.memory_space<vmem>> -> memref<1x128xi32, #tpu.memory_space<vmem>>
        %dma_start3A_641 = tpu.memref_squeeze %dma_start3A_640 : memref<1x128xi32, #tpu.memory_space<vmem>> -> memref<128xi32, #tpu.memory_space<vmem>>
        %dma_start3A_642 = tpu.memref_slice %arg2[%add3A_637] : memref<819200xi32, #tpu.memory_space<hbm>> -> memref<128xi32, #tpu.memory_space<hbm>>
        %dma_start3A_643 = arith.constant 0 : i32
        %dma_start3A_644 = tpu.memref_slice %arg8[%dma_start3A_638, %dma_start3A_643] : memref<4x128xi32, #tpu.memory_space<vmem>> -> memref<1x128xi32, #tpu.memory_space<vmem>>
        %dma_start3A_645 = tpu.memref_squeeze %dma_start3A_644 : memref<1x128xi32, #tpu.memory_space<vmem>> -> memref<128xi32, #tpu.memory_space<vmem>>
        %dma_start3A_646 = tpu.memref_slice %arg2[%add3A_637] : memref<819200xi32, #tpu.memory_space<hbm>> -> memref<128xi32, #tpu.memory_space<hbm>>
        tpu.enqueue_dma source(%dma_start3A_646 : memref<128xi32, #tpu.memory_space<hbm>>) target(%dma_start3A_645 : memref<128xi32, #tpu.memory_space<vmem>>) target_semaphore(%arg15 : memref<!tpu.dma_semaphore, #tpu.memory_space<semaphore_mem>>)
      } else {
      }
      %dma_start3A_528 = arith.constant 0 : i32
      %dma_start3A_529 = arith.constant 0 : i32
      %dma_start3A_530 = tpu.memref_slice %arg8[%dma_start3A_528, %dma_start3A_529] : memref<4x128xi32, #tpu.memory_space<vmem>> -> memref<1x128xi32, #tpu.memory_space<vmem>>
      %dma_start3A_531 = tpu.memref_squeeze %dma_start3A_530 : memref<1x128xi32, #tpu.memory_space<vmem>> -> memref<128xi32, #tpu.memory_space<vmem>>
      %dma_start3A_532 = arith.constant 0 : i32
      %dma_start3A_533 = tpu.memref_slice %arg14[%dma_start3A_532] : memref<1024000xf32, #tpu.memory_space<vmem_shared>> -> memref<1024000xf32, #tpu.memory_space<vmem_shared>>
      tpu.enqueue_indirect_dma source(%arg9 : memref<128xf32, #tpu.memory_space<vmem>>) target(%dma_start3A_533 : memref<1024000xf32, #tpu.memory_space<vmem_shared>>) offsets(%dma_start3A_531 : memref<128xi32, #tpu.memory_space<vmem>>) semaphore(%arg16 : memref<!tpu.dma_semaphore, #tpu.memory_space<semaphore_mem>>) {add = true}
      %mul3A_534 = arith.constant 4 : i32
      %mul3A_535 = arith.muli %scan3A_501, %mul3A_534 : i32
      %add3A_536 = arith.constant 1 : i32
      %add3A_537 = arith.addi %mul3A_535, %add3A_536 : i32
      %dma_wait3A_538 = arith.constant 1 : i32
      %dma_wait3A_539 = arith.constant 0 : i32
      %dma_wait3A_540 = tpu.memref_slice %arg8[%dma_wait3A_538, %dma_wait3A_539] : memref<4x128xi32, #tpu.memory_space<vmem>> -> memref<1x128xi32, #tpu.memory_space<vmem>>
      %dma_wait3A_541 = tpu.memref_squeeze %dma_wait3A_540 : memref<1x128xi32, #tpu.memory_space<vmem>> -> memref<128xi32, #tpu.memory_space<vmem>>
      %dma_wait3A_542 = arith.constant 0 : i32
      %dma_wait3A_543 = tpu.memref_slice %arg2[%dma_wait3A_542] : memref<819200xi32, #tpu.memory_space<hbm>> -> memref<128xi32, #tpu.memory_space<hbm>>
      %dma_wait3A_544 = arith.constant 0 : i32
      %dma_wait3A_545 = tpu.memref_slice %arg8[%dma_wait3A_538, %dma_wait3A_544] : memref<4x128xi32, #tpu.memory_space<vmem>> -> memref<1x128xi32, #tpu.memory_space<vmem>>
      %dma_wait3A_546 = tpu.memref_squeeze %dma_wait3A_545 : memref<1x128xi32, #tpu.memory_space<vmem>> -> memref<128xi32, #tpu.memory_space<vmem>>
      %dma_wait3A_547 = arith.constant 0 : i32
      %dma_wait3A_548 = tpu.memref_slice %arg2[%dma_wait3A_547] : memref<819200xi32, #tpu.memory_space<hbm>> -> memref<128xi32, #tpu.memory_space<hbm>>
      tpu.wait_dma2 semaphore(%arg15 : memref<!tpu.dma_semaphore, #tpu.memory_space<semaphore_mem>>) src(%dma_wait3A_548 : memref<128xi32, #tpu.memory_space<hbm>>) dst(%dma_wait3A_546 : memref<128xi32, #tpu.memory_space<vmem>>)
      %ge3A_549 = arith.constant 1 : i32
      %ge3A_550 = arith.cmpi sge, %add3A_537, %ge3A_549 : i32
      %convert_element_type3A_551 = arith.extui %ge3A_550 : i1 to i32
      %cond3A_552 = arith.constant 0 : i32
      %cond3A_553 = arith.cmpi ne, %convert_element_type3A_551, %cond3A_552 : i32
      scf.if %cond3A_553 {
        %dma_wait3A_633 = arith.constant 0 : i32
        %dma_wait3A_634 = tpu.memref_slice %arg14[%dma_wait3A_633] : memref<1024000xf32, #tpu.memory_space<vmem_shared>> -> memref<128xf32, #tpu.memory_space<vmem_shared>>
        %dma_wait3A_635 = arith.constant 0 : i32
        %dma_wait3A_636 = tpu.memref_slice %arg14[%dma_wait3A_635] : memref<1024000xf32, #tpu.memory_space<vmem_shared>> -> memref<128xf32, #tpu.memory_space<vmem_shared>>
        tpu.wait_dma2 semaphore(%arg16 : memref<!tpu.dma_semaphore, #tpu.memory_space<semaphore_mem>>) src(%dma_wait3A_636 : memref<128xf32, #tpu.memory_space<vmem_shared>>) dst(%arg9 : memref<128xf32, #tpu.memory_space<vmem>>)
      } else {
      }
      %add3A_554 = arith.constant 3 : i32
      %add3A_555 = arith.addi %add3A_537, %add3A_554 : i32
      %lt3A_556 = arith.constant 200 : i32
      %lt3A_557 = arith.cmpi slt, %add3A_555, %lt3A_556 : i32
      %convert_element_type3A_558 = arith.extui %lt3A_557 : i1 to i32
      %cond3A_559 = arith.constant 0 : i32
      %cond3A_560 = arith.cmpi ne, %convert_element_type3A_558, %cond3A_559 : i32
      scf.if %cond3A_560 {
        %add3A_633 = arith.constant 3 : i32
        %add3A_634 = arith.addi %add3A_537, %add3A_633 : i32
        %mul3A_635 = arith.constant 128 : i32
        %mul3A_636 = arith.muli %add3A_634, %mul3A_635 : i32
        %add3A_637 = arith.addi %add3A_106, %mul3A_636 : i32
        %dma_start3A_638 = arith.constant 0 : i32
        %dma_start3A_639 = arith.constant 0 : i32
        %dma_start3A_640 = tpu.memref_slice %arg8[%dma_start3A_638, %dma_start3A_639] : memref<4x128xi32, #tpu.memory_space<vmem>> -> memref<1x128xi32, #tpu.memory_space<vmem>>
        %dma_start3A_641 = tpu.memref_squeeze %dma_start3A_640 : memref<1x128xi32, #tpu.memory_space<vmem>> -> memref<128xi32, #tpu.memory_space<vmem>>
        %dma_start3A_642 = tpu.memref_slice %arg2[%add3A_637] : memref<819200xi32, #tpu.memory_space<hbm>> -> memref<128xi32, #tpu.memory_space<hbm>>
        %dma_start3A_643 = arith.constant 0 : i32
        %dma_start3A_644 = tpu.memref_slice %arg8[%dma_start3A_638, %dma_start3A_643] : memref<4x128xi32, #tpu.memory_space<vmem>> -> memref<1x128xi32, #tpu.memory_space<vmem>>
        %dma_start3A_645 = tpu.memref_squeeze %dma_start3A_644 : memref<1x128xi32, #tpu.memory_space<vmem>> -> memref<128xi32, #tpu.memory_space<vmem>>
        %dma_start3A_646 = tpu.memref_slice %arg2[%add3A_637] : memref<819200xi32, #tpu.memory_space<hbm>> -> memref<128xi32, #tpu.memory_space<hbm>>
        tpu.enqueue_dma source(%dma_start3A_646 : memref<128xi32, #tpu.memory_space<hbm>>) target(%dma_start3A_645 : memref<128xi32, #tpu.memory_space<vmem>>) target_semaphore(%arg15 : memref<!tpu.dma_semaphore, #tpu.memory_space<semaphore_mem>>)
      } else {
      }
      %dma_start3A_561 = arith.constant 1 : i32
      %dma_start3A_562 = arith.constant 0 : i32
      %dma_start3A_563 = tpu.memref_slice %arg8[%dma_start3A_561, %dma_start3A_562] : memref<4x128xi32, #tpu.memory_space<vmem>> -> memref<1x128xi32, #tpu.memory_space<vmem>>
      %dma_start3A_564 = tpu.memref_squeeze %dma_start3A_563 : memref<1x128xi32, #tpu.memory_space<vmem>> -> memref<128xi32, #tpu.memory_space<vmem>>
      %dma_start3A_565 = arith.constant 0 : i32
      %dma_start3A_566 = tpu.memref_slice %arg14[%dma_start3A_565] : memref<1024000xf32, #tpu.memory_space<vmem_shared>> -> memref<1024000xf32, #tpu.memory_space<vmem_shared>>
      tpu.enqueue_indirect_dma source(%arg9 : memref<128xf32, #tpu.memory_space<vmem>>) target(%dma_start3A_566 : memref<1024000xf32, #tpu.memory_space<vmem_shared>>) offsets(%dma_start3A_564 : memref<128xi32, #tpu.memory_space<vmem>>) semaphore(%arg16 : memref<!tpu.dma_semaphore, #tpu.memory_space<semaphore_mem>>) {add = true}
      %mul3A_567 = arith.constant 4 : i32
      %mul3A_568 = arith.muli %scan3A_501, %mul3A_567 : i32
      %add3A_569 = arith.constant 2 : i32
      %add3A_570 = arith.addi %mul3A_568, %add3A_569 : i32
      %dma_wait3A_571 = arith.constant 2 : i32
      %dma_wait3A_572 = arith.constant 0 : i32
      %dma_wait3A_573 = tpu.memref_slice %arg8[%dma_wait3A_571, %dma_wait3A_572] : memref<4x128xi32, #tpu.memory_space<vmem>> -> memref<1x128xi32, #tpu.memory_space<vmem>>
      %dma_wait3A_574 = tpu.memref_squeeze %dma_wait3A_573 : memref<1x128xi32, #tpu.memory_space<vmem>> -> memref<128xi32, #tpu.memory_space<vmem>>
      %dma_wait3A_575 = arith.constant 0 : i32
      %dma_wait3A_576 = tpu.memref_slice %arg2[%dma_wait3A_575] : memref<819200xi32, #tpu.memory_space<hbm>> -> memref<128xi32, #tpu.memory_space<hbm>>
      %dma_wait3A_577 = arith.constant 0 : i32
      %dma_wait3A_578 = tpu.memref_slice %arg8[%dma_wait3A_571, %dma_wait3A_577] : memref<4x128xi32, #tpu.memory_space<vmem>> -> memref<1x128xi32, #tpu.memory_space<vmem>>
      %dma_wait3A_579 = tpu.memref_squeeze %dma_wait3A_578 : memref<1x128xi32, #tpu.memory_space<vmem>> -> memref<128xi32, #tpu.memory_space<vmem>>
      %dma_wait3A_580 = arith.constant 0 : i32
      %dma_wait3A_581 = tpu.memref_slice %arg2[%dma_wait3A_580] : memref<819200xi32, #tpu.memory_space<hbm>> -> memref<128xi32, #tpu.memory_space<hbm>>
      tpu.wait_dma2 semaphore(%arg15 : memref<!tpu.dma_semaphore, #tpu.memory_space<semaphore_mem>>) src(%dma_wait3A_581 : memref<128xi32, #tpu.memory_space<hbm>>) dst(%dma_wait3A_579 : memref<128xi32, #tpu.memory_space<vmem>>)
      %ge3A_582 = arith.constant 1 : i32
      %ge3A_583 = arith.cmpi sge, %add3A_570, %ge3A_582 : i32
      %convert_element_type3A_584 = arith.extui %ge3A_583 : i1 to i32
      %cond3A_585 = arith.constant 0 : i32
      %cond3A_586 = arith.cmpi ne, %convert_element_type3A_584, %cond3A_585 : i32
      scf.if %cond3A_586 {
        %dma_wait3A_633 = arith.constant 0 : i32
        %dma_wait3A_634 = tpu.memref_slice %arg14[%dma_wait3A_633] : memref<1024000xf32, #tpu.memory_space<vmem_shared>> -> memref<128xf32, #tpu.memory_space<vmem_shared>>
        %dma_wait3A_635 = arith.constant 0 : i32
        %dma_wait3A_636 = tpu.memref_slice %arg14[%dma_wait3A_635] : memref<1024000xf32, #tpu.memory_space<vmem_shared>> -> memref<128xf32, #tpu.memory_space<vmem_shared>>
        tpu.wait_dma2 semaphore(%arg16 : memref<!tpu.dma_semaphore, #tpu.memory_space<semaphore_mem>>) src(%dma_wait3A_636 : memref<128xf32, #tpu.memory_space<vmem_shared>>) dst(%arg9 : memref<128xf32, #tpu.memory_space<vmem>>)
      } else {
      }
      %add3A_587 = arith.constant 3 : i32
      %add3A_588 = arith.addi %add3A_570, %add3A_587 : i32
      %lt3A_589 = arith.constant 200 : i32
      %lt3A_590 = arith.cmpi slt, %add3A_588, %lt3A_589 : i32
      %convert_element_type3A_591 = arith.extui %lt3A_590 : i1 to i32
      %cond3A_592 = arith.constant 0 : i32
      %cond3A_593 = arith.cmpi ne, %convert_element_type3A_591, %cond3A_592 : i32
      scf.if %cond3A_593 {
        %add3A_633 = arith.constant 3 : i32
        %add3A_634 = arith.addi %add3A_570, %add3A_633 : i32
        %mul3A_635 = arith.constant 128 : i32
        %mul3A_636 = arith.muli %add3A_634, %mul3A_635 : i32
        %add3A_637 = arith.addi %add3A_106, %mul3A_636 : i32
        %dma_start3A_638 = arith.constant 1 : i32
        %dma_start3A_639 = arith.constant 0 : i32
        %dma_start3A_640 = tpu.memref_slice %arg8[%dma_start3A_638, %dma_start3A_639] : memref<4x128xi32, #tpu.memory_space<vmem>> -> memref<1x128xi32, #tpu.memory_space<vmem>>
        %dma_start3A_641 = tpu.memref_squeeze %dma_start3A_640 : memref<1x128xi32, #tpu.memory_space<vmem>> -> memref<128xi32, #tpu.memory_space<vmem>>
        %dma_start3A_642 = tpu.memref_slice %arg2[%add3A_637] : memref<819200xi32, #tpu.memory_space<hbm>> -> memref<128xi32, #tpu.memory_space<hbm>>
        %dma_start3A_643 = arith.constant 0 : i32
        %dma_start3A_644 = tpu.memref_slice %arg8[%dma_start3A_638, %dma_start3A_643] : memref<4x128xi32, #tpu.memory_space<vmem>> -> memref<1x128xi32, #tpu.memory_space<vmem>>
        %dma_start3A_645 = tpu.memref_squeeze %dma_start3A_644 : memref<1x128xi32, #tpu.memory_space<vmem>> -> memref<128xi32, #tpu.memory_space<vmem>>
        %dma_start3A_646 = tpu.memref_slice %arg2[%add3A_637] : memref<819200xi32, #tpu.memory_space<hbm>> -> memref<128xi32, #tpu.memory_space<hbm>>
        tpu.enqueue_dma source(%dma_start3A_646 : memref<128xi32, #tpu.memory_space<hbm>>) target(%dma_start3A_645 : memref<128xi32, #tpu.memory_space<vmem>>) target_semaphore(%arg15 : memref<!tpu.dma_semaphore, #tpu.memory_space<semaphore_mem>>)
      } else {
      }
      %dma_start3A_594 = arith.constant 2 : i32
      %dma_start3A_595 = arith.constant 0 : i32
      %dma_start3A_596 = tpu.memref_slice %arg8[%dma_start3A_594, %dma_start3A_595] : memref<4x128xi32, #tpu.memory_space<vmem>> -> memref<1x128xi32, #tpu.memory_space<vmem>>
      %dma_start3A_597 = tpu.memref_squeeze %dma_start3A_596 : memref<1x128xi32, #tpu.memory_space<vmem>> -> memref<128xi32, #tpu.memory_space<vmem>>
      %dma_start3A_598 = arith.constant 0 : i32
      %dma_start3A_599 = tpu.memref_slice %arg14[%dma_start3A_598] : memref<1024000xf32, #tpu.memory_space<vmem_shared>> -> memref<1024000xf32, #tpu.memory_space<vmem_shared>>
      tpu.enqueue_indirect_dma source(%arg9 : memref<128xf32, #tpu.memory_space<vmem>>) target(%dma_start3A_599 : memref<1024000xf32, #tpu.memory_space<vmem_shared>>) offsets(%dma_start3A_597 : memref<128xi32, #tpu.memory_space<vmem>>) semaphore(%arg16 : memref<!tpu.dma_semaphore, #tpu.memory_space<semaphore_mem>>) {add = true}
      %mul3A_600 = arith.constant 4 : i32
      %mul3A_601 = arith.muli %scan3A_501, %mul3A_600 : i32
      %add3A_602 = arith.constant 3 : i32
      %add3A_603 = arith.addi %mul3A_601, %add3A_602 : i32
      %dma_wait3A_604 = arith.constant 3 : i32
      %dma_wait3A_605 = arith.constant 0 : i32
      %dma_wait3A_606 = tpu.memref_slice %arg8[%dma_wait3A_604, %dma_wait3A_605] : memref<4x128xi32, #tpu.memory_space<vmem>> -> memref<1x128xi32, #tpu.memory_space<vmem>>
      %dma_wait3A_607 = tpu.memref_squeeze %dma_wait3A_606 : memref<1x128xi32, #tpu.memory_space<vmem>> -> memref<128xi32, #tpu.memory_space<vmem>>
      %dma_wait3A_608 = arith.constant 0 : i32
      %dma_wait3A_609 = tpu.memref_slice %arg2[%dma_wait3A_608] : memref<819200xi32, #tpu.memory_space<hbm>> -> memref<128xi32, #tpu.memory_space<hbm>>
      %dma_wait3A_610 = arith.constant 0 : i32
      %dma_wait3A_611 = tpu.memref_slice %arg8[%dma_wait3A_604, %dma_wait3A_610] : memref<4x128xi32, #tpu.memory_space<vmem>> -> memref<1x128xi32, #tpu.memory_space<vmem>>
      %dma_wait3A_612 = tpu.memref_squeeze %dma_wait3A_611 : memref<1x128xi32, #tpu.memory_space<vmem>> -> memref<128xi32, #tpu.memory_space<vmem>>
      %dma_wait3A_613 = arith.constant 0 : i32
      %dma_wait3A_614 = tpu.memref_slice %arg2[%dma_wait3A_613] : memref<819200xi32, #tpu.memory_space<hbm>> -> memref<128xi32, #tpu.memory_space<hbm>>
      tpu.wait_dma2 semaphore(%arg15 : memref<!tpu.dma_semaphore, #tpu.memory_space<semaphore_mem>>) src(%dma_wait3A_614 : memref<128xi32, #tpu.memory_space<hbm>>) dst(%dma_wait3A_612 : memref<128xi32, #tpu.memory_space<vmem>>)
      %ge3A_615 = arith.constant 1 : i32
      %ge3A_616 = arith.cmpi sge, %add3A_603, %ge3A_615 : i32
      %convert_element_type3A_617 = arith.extui %ge3A_616 : i1 to i32
      %cond3A_618 = arith.constant 0 : i32
      %cond3A_619 = arith.cmpi ne, %convert_element_type3A_617, %cond3A_618 : i32
      scf.if %cond3A_619 {
        %dma_wait3A_633 = arith.constant 0 : i32
        %dma_wait3A_634 = tpu.memref_slice %arg14[%dma_wait3A_633] : memref<1024000xf32, #tpu.memory_space<vmem_shared>> -> memref<128xf32, #tpu.memory_space<vmem_shared>>
        %dma_wait3A_635 = arith.constant 0 : i32
        %dma_wait3A_636 = tpu.memref_slice %arg14[%dma_wait3A_635] : memref<1024000xf32, #tpu.memory_space<vmem_shared>> -> memref<128xf32, #tpu.memory_space<vmem_shared>>
        tpu.wait_dma2 semaphore(%arg16 : memref<!tpu.dma_semaphore, #tpu.memory_space<semaphore_mem>>) src(%dma_wait3A_636 : memref<128xf32, #tpu.memory_space<vmem_shared>>) dst(%arg9 : memref<128xf32, #tpu.memory_space<vmem>>)
      } else {
      }
      %add3A_620 = arith.constant 3 : i32
      %add3A_621 = arith.addi %add3A_603, %add3A_620 : i32
      %lt3A_622 = arith.constant 200 : i32
      %lt3A_623 = arith.cmpi slt, %add3A_621, %lt3A_622 : i32
      %convert_element_type3A_624 = arith.extui %lt3A_623 : i1 to i32
      %cond3A_625 = arith.constant 0 : i32
      %cond3A_626 = arith.cmpi ne, %convert_element_type3A_624, %cond3A_625 : i32
      scf.if %cond3A_626 {
        %add3A_633 = arith.constant 3 : i32
        %add3A_634 = arith.addi %add3A_603, %add3A_633 : i32
        %mul3A_635 = arith.constant 128 : i32
        %mul3A_636 = arith.muli %add3A_634, %mul3A_635 : i32
        %add3A_637 = arith.addi %add3A_106, %mul3A_636 : i32
        %dma_start3A_638 = arith.constant 2 : i32
        %dma_start3A_639 = arith.constant 0 : i32
        %dma_start3A_640 = tpu.memref_slice %arg8[%dma_start3A_638, %dma_start3A_639] : memref<4x128xi32, #tpu.memory_space<vmem>> -> memref<1x128xi32, #tpu.memory_space<vmem>>
        %dma_start3A_641 = tpu.memref_squeeze %dma_start3A_640 : memref<1x128xi32, #tpu.memory_space<vmem>> -> memref<128xi32, #tpu.memory_space<vmem>>
        %dma_start3A_642 = tpu.memref_slice %arg2[%add3A_637] : memref<819200xi32, #tpu.memory_space<hbm>> -> memref<128xi32, #tpu.memory_space<hbm>>
        %dma_start3A_643 = arith.constant 0 : i32
        %dma_start3A_644 = tpu.memref_slice %arg8[%dma_start3A_638, %dma_start3A_643] : memref<4x128xi32, #tpu.memory_space<vmem>> -> memref<1x128xi32, #tpu.memory_space<vmem>>
        %dma_start3A_645 = tpu.memref_squeeze %dma_start3A_644 : memref<1x128xi32, #tpu.memory_space<vmem>> -> memref<128xi32, #tpu.memory_space<vmem>>
        %dma_start3A_646 = tpu.memref_slice %arg2[%add3A_637] : memref<819200xi32, #tpu.memory_space<hbm>> -> memref<128xi32, #tpu.memory_space<hbm>>
        tpu.enqueue_dma source(%dma_start3A_646 : memref<128xi32, #tpu.memory_space<hbm>>) target(%dma_start3A_645 : memref<128xi32, #tpu.memory_space<vmem>>) target_semaphore(%arg15 : memref<!tpu.dma_semaphore, #tpu.memory_space<semaphore_mem>>)
      } else {
      }
      %dma_start3A_627 = arith.constant 3 : i32
      %dma_start3A_628 = arith.constant 0 : i32
      %dma_start3A_629 = tpu.memref_slice %arg8[%dma_start3A_627, %dma_start3A_628] : memref<4x128xi32, #tpu.memory_space<vmem>> -> memref<1x128xi32, #tpu.memory_space<vmem>>
      %dma_start3A_630 = tpu.memref_squeeze %dma_start3A_629 : memref<1x128xi32, #tpu.memory_space<vmem>> -> memref<128xi32, #tpu.memory_space<vmem>>
      %dma_start3A_631 = arith.constant 0 : i32
      %dma_start3A_632 = tpu.memref_slice %arg14[%dma_start3A_631] : memref<1024000xf32, #tpu.memory_space<vmem_shared>> -> memref<1024000xf32, #tpu.memory_space<vmem_shared>>
      tpu.enqueue_indirect_dma source(%arg9 : memref<128xf32, #tpu.memory_space<vmem>>) target(%dma_start3A_632 : memref<1024000xf32, #tpu.memory_space<vmem_shared>>) offsets(%dma_start3A_630 : memref<128xi32, #tpu.memory_space<vmem>>) semaphore(%arg16 : memref<!tpu.dma_semaphore, #tpu.memory_space<semaphore_mem>>) {add = true}
    }
    %scan3A_144 = arith.constant 50 : i32
    %dma_wait3A = arith.constant 0 : i32
    %dma_wait3A_145 = tpu.memref_slice %arg14[%dma_wait3A] : memref<1024000xf32, #tpu.memory_space<vmem_shared>> -> memref<128xf32, #tpu.memory_space<vmem_shared>>
    %dma_wait3A_146 = arith.constant 0 : i32
    %dma_wait3A_147 = tpu.memref_slice %arg14[%dma_wait3A_146] : memref<1024000xf32, #tpu.memory_space<vmem_shared>> -> memref<128xf32, #tpu.memory_space<vmem_shared>>
    tpu.wait_dma2 semaphore(%arg16 : memref<!tpu.dma_semaphore, #tpu.memory_space<semaphore_mem>>) src(%dma_wait3A_147 : memref<128xf32, #tpu.memory_space<vmem_shared>>) dst(%arg9 : memref<128xf32, #tpu.memory_space<vmem>>)
    %barrier3A_148 = arith.constant 0 : index
    tpu.barrier barrier_id(%barrier3A_148)
    %add3A_149 = arith.constant 0 : i32
    %add3A_150 = vector.broadcast %add3A_149 : i32 to vector<16xi32>
    %add3A_151 = arith.addi %add3A_150, %iota3A : vector<16xi32>
    %jit3A = arith.constant 3 : i32
    %div3A = vector.broadcast %jit3A : i32 to vector<16xi32>
    %div3A_152 = arith.divsi %add3A_151, %div3A : vector<16xi32>
    %sign3A = arith.constant 0 : i32
    %sign3A_153 = vector.broadcast %sign3A : i32 to vector<16xi32>
    %sign3A_154 = arith.cmpi sgt, %add3A_151, %sign3A_153 : vector<16xi32>
    %sign3A_155 = arith.extui %sign3A_154 : vector<16xi1> to vector<16xi32>
    %sign3A_156 = arith.constant 0 : i32
    %sign3A_157 = vector.broadcast %sign3A_156 : i32 to vector<16xi32>
    %sign3A_158 = arith.cmpi slt, %add3A_151, %sign3A_157 : vector<16xi32>
    %sign3A_159 = arith.extui %sign3A_158 : vector<16xi1> to vector<16xi32>
    %sign3A_160 = arith.subi %sign3A_155, %sign3A_159 : vector<16xi32>
    %sign3A_161 = arith.constant 0 : i32
    %sign3A_162 = arith.cmpi sgt, %jit3A, %sign3A_161 : i32
    %sign3A_163 = arith.extui %sign3A_162 : i1 to i32
    %sign3A_164 = arith.constant 0 : i32
    %sign3A_165 = arith.cmpi slt, %jit3A, %sign3A_164 : i32
    %sign3A_166 = arith.extui %sign3A_165 : i1 to i32
    %sign3A_167 = arith.subi %sign3A_163, %sign3A_166 : i32
    %ne3A = vector.broadcast %sign3A_167 : i32 to vector<16xi32>
    %ne3A_168 = arith.cmpi ne, %sign3A_160, %ne3A : vector<16xi32>
    %rem3A = vector.broadcast %jit3A : i32 to vector<16xi32>
    %rem3A_169 = arith.remsi %add3A_151, %rem3A : vector<16xi32>
    %ne3A_170 = arith.constant 0 : i32
    %ne3A_171 = vector.broadcast %ne3A_170 : i32 to vector<16xi32>
    %ne3A_172 = arith.cmpi ne, %rem3A_169, %ne3A_171 : vector<16xi32>
    %and3A = arith.andi %ne3A_168, %ne3A_172 : vector<16xi1>
    %sub3A = arith.constant 1 : i32
    %sub3A_173 = vector.broadcast %sub3A : i32 to vector<16xi32>
    %sub3A_174 = arith.subi %div3A_152, %sub3A_173 : vector<16xi32>
    %select_n3A = arith.select %and3A, %sub3A_174, %div3A_152 : vector<16xi1>, vector<16xi32>
    %add3A_175 = arith.constant 16 : i32
    %add3A_176 = vector.broadcast %add3A_175 : i32 to vector<16xi32>
    %add3A_177 = arith.addi %add3A_176, %iota3A : vector<16xi32>
    %jit3A_178 = arith.constant 3 : i32
    %div3A_179 = vector.broadcast %jit3A_178 : i32 to vector<16xi32>
    %div3A_180 = arith.divsi %add3A_177, %div3A_179 : vector<16xi32>
    %sign3A_181 = arith.constant 0 : i32
    %sign3A_182 = vector.broadcast %sign3A_181 : i32 to vector<16xi32>
    %sign3A_183 = arith.cmpi sgt, %add3A_177, %sign3A_182 : vector<16xi32>
    %sign3A_184 = arith.extui %sign3A_183 : vector<16xi1> to vector<16xi32>
    %sign3A_185 = arith.constant 0 : i32
    %sign3A_186 = vector.broadcast %sign3A_185 : i32 to vector<16xi32>
    %sign3A_187 = arith.cmpi slt, %add3A_177, %sign3A_186 : vector<16xi32>
    %sign3A_188 = arith.extui %sign3A_187 : vector<16xi1> to vector<16xi32>
    %sign3A_189 = arith.subi %sign3A_184, %sign3A_188 : vector<16xi32>
    %sign3A_190 = arith.constant 0 : i32
    %sign3A_191 = arith.cmpi sgt, %jit3A_178, %sign3A_190 : i32
    %sign3A_192 = arith.extui %sign3A_191 : i1 to i32
    %sign3A_193 = arith.constant 0 : i32
    %sign3A_194 = arith.cmpi slt, %jit3A_178, %sign3A_193 : i32
    %sign3A_195 = arith.extui %sign3A_194 : i1 to i32
    %sign3A_196 = arith.subi %sign3A_192, %sign3A_195 : i32
    %ne3A_197 = vector.broadcast %sign3A_196 : i32 to vector<16xi32>
    %ne3A_198 = arith.cmpi ne, %sign3A_189, %ne3A_197 : vector<16xi32>
    %rem3A_199 = vector.broadcast %jit3A_178 : i32 to vector<16xi32>
    %rem3A_200 = arith.remsi %add3A_177, %rem3A_199 : vector<16xi32>
    %ne3A_201 = arith.constant 0 : i32
    %ne3A_202 = vector.broadcast %ne3A_201 : i32 to vector<16xi32>
    %ne3A_203 = arith.cmpi ne, %rem3A_200, %ne3A_202 : vector<16xi32>
    %and3A_204 = arith.andi %ne3A_198, %ne3A_203 : vector<16xi1>
    %sub3A_205 = arith.constant 1 : i32
    %sub3A_206 = vector.broadcast %sub3A_205 : i32 to vector<16xi32>
    %sub3A_207 = arith.subi %div3A_180, %sub3A_206 : vector<16xi32>
    %select_n3A_208 = arith.select %and3A_204, %sub3A_207, %div3A_180 : vector<16xi1>, vector<16xi32>
    %add3A_209 = arith.constant 32 : i32
    %add3A_210 = vector.broadcast %add3A_209 : i32 to vector<16xi32>
    %add3A_211 = arith.addi %add3A_210, %iota3A : vector<16xi32>
    %jit3A_212 = arith.constant 3 : i32
    %div3A_213 = vector.broadcast %jit3A_212 : i32 to vector<16xi32>
    %div3A_214 = arith.divsi %add3A_211, %div3A_213 : vector<16xi32>
    %sign3A_215 = arith.constant 0 : i32
    %sign3A_216 = vector.broadcast %sign3A_215 : i32 to vector<16xi32>
    %sign3A_217 = arith.cmpi sgt, %add3A_211, %sign3A_216 : vector<16xi32>
    %sign3A_218 = arith.extui %sign3A_217 : vector<16xi1> to vector<16xi32>
    %sign3A_219 = arith.constant 0 : i32
    %sign3A_220 = vector.broadcast %sign3A_219 : i32 to vector<16xi32>
    %sign3A_221 = arith.cmpi slt, %add3A_211, %sign3A_220 : vector<16xi32>
    %sign3A_222 = arith.extui %sign3A_221 : vector<16xi1> to vector<16xi32>
    %sign3A_223 = arith.subi %sign3A_218, %sign3A_222 : vector<16xi32>
    %sign3A_224 = arith.constant 0 : i32
    %sign3A_225 = arith.cmpi sgt, %jit3A_212, %sign3A_224 : i32
    %sign3A_226 = arith.extui %sign3A_225 : i1 to i32
    %sign3A_227 = arith.constant 0 : i32
    %sign3A_228 = arith.cmpi slt, %jit3A_212, %sign3A_227 : i32
    %sign3A_229 = arith.extui %sign3A_228 : i1 to i32
    %sign3A_230 = arith.subi %sign3A_226, %sign3A_229 : i32
    %ne3A_231 = vector.broadcast %sign3A_230 : i32 to vector<16xi32>
    %ne3A_232 = arith.cmpi ne, %sign3A_223, %ne3A_231 : vector<16xi32>
    %rem3A_233 = vector.broadcast %jit3A_212 : i32 to vector<16xi32>
    %rem3A_234 = arith.remsi %add3A_211, %rem3A_233 : vector<16xi32>
    %ne3A_235 = arith.constant 0 : i32
    %ne3A_236 = vector.broadcast %ne3A_235 : i32 to vector<16xi32>
    %ne3A_237 = arith.cmpi ne, %rem3A_234, %ne3A_236 : vector<16xi32>
    %and3A_238 = arith.andi %ne3A_232, %ne3A_237 : vector<16xi1>
    %sub3A_239 = arith.constant 1 : i32
    %sub3A_240 = vector.broadcast %sub3A_239 : i32 to vector<16xi32>
    %sub3A_241 = arith.subi %div3A_214, %sub3A_240 : vector<16xi32>
    %select_n3A_242 = arith.select %and3A_238, %sub3A_241, %div3A_214 : vector<16xi1>, vector<16xi32>
    %add3A_243 = arith.constant 0 : i32
    %add3A_244 = vector.broadcast %add3A_243 : i32 to vector<16xi32>
    %add3A_245 = arith.addi %add3A_244, %iota3A : vector<16xi32>
    %jit3A_246 = arith.constant 3 : i32
    %eq3A = arith.constant 0 : i32
    %eq3A_247 = arith.cmpi eq, %jit3A_246, %eq3A : i32
    %jit3A_248 = arith.constant 1 : i32
    %select_n3A_249 = arith.select %eq3A_247, %jit3A_248, %jit3A_246 : i32
    %rem3A_250 = vector.broadcast %select_n3A_249 : i32 to vector<16xi32>
    %rem3A_251 = arith.remsi %add3A_245, %rem3A_250 : vector<16xi32>
    %ne3A_252 = arith.constant 0 : i32
    %ne3A_253 = vector.broadcast %ne3A_252 : i32 to vector<16xi32>
    %ne3A_254 = arith.cmpi ne, %rem3A_251, %ne3A_253 : vector<16xi32>
    %lt3A = arith.constant 0 : i32
    %lt3A_255 = vector.broadcast %lt3A : i32 to vector<16xi32>
    %lt3A_256 = arith.cmpi slt, %rem3A_251, %lt3A_255 : vector<16xi32>
    %lt3A_257 = arith.constant 0 : i32
    %lt3A_258 = arith.cmpi slt, %select_n3A_249, %lt3A_257 : i32
    %ne3A_259 = vector.broadcast %lt3A_258 : i1 to vector<16xi1>
    %ne3A_260 = vector.broadcast %ne3A_259 : vector<16xi1> to vector<16xi1>
    %ne3A_261 = arith.xori %lt3A_256, %ne3A_260 : vector<16xi1>
    %and3A_262 = arith.andi %ne3A_261, %ne3A_254 : vector<16xi1>
    %add3A_263 = vector.broadcast %select_n3A_249 : i32 to vector<16xi32>
    %add3A_264 = arith.addi %rem3A_251, %add3A_263 : vector<16xi32>
    %select_n3A_265 = arith.select %and3A_262, %add3A_264, %rem3A_251 : vector<16xi1>, vector<16xi32>
    %add3A_266 = arith.constant 16 : i32
    %add3A_267 = vector.broadcast %add3A_266 : i32 to vector<16xi32>
    %add3A_268 = arith.addi %add3A_267, %iota3A : vector<16xi32>
    %jit3A_269 = arith.constant 3 : i32
    %eq3A_270 = arith.constant 0 : i32
    %eq3A_271 = arith.cmpi eq, %jit3A_269, %eq3A_270 : i32
    %jit3A_272 = arith.constant 1 : i32
    %select_n3A_273 = arith.select %eq3A_271, %jit3A_272, %jit3A_269 : i32
    %rem3A_274 = vector.broadcast %select_n3A_273 : i32 to vector<16xi32>
    %rem3A_275 = arith.remsi %add3A_268, %rem3A_274 : vector<16xi32>
    %ne3A_276 = arith.constant 0 : i32
    %ne3A_277 = vector.broadcast %ne3A_276 : i32 to vector<16xi32>
    %ne3A_278 = arith.cmpi ne, %rem3A_275, %ne3A_277 : vector<16xi32>
    %lt3A_279 = arith.constant 0 : i32
    %lt3A_280 = vector.broadcast %lt3A_279 : i32 to vector<16xi32>
    %lt3A_281 = arith.cmpi slt, %rem3A_275, %lt3A_280 : vector<16xi32>
    %lt3A_282 = arith.constant 0 : i32
    %lt3A_283 = arith.cmpi slt, %select_n3A_273, %lt3A_282 : i32
    %ne3A_284 = vector.broadcast %lt3A_283 : i1 to vector<16xi1>
    %ne3A_285 = vector.broadcast %ne3A_284 : vector<16xi1> to vector<16xi1>
    %ne3A_286 = arith.xori %lt3A_281, %ne3A_285 : vector<16xi1>
    %and3A_287 = arith.andi %ne3A_286, %ne3A_278 : vector<16xi1>
    %add3A_288 = vector.broadcast %select_n3A_273 : i32 to vector<16xi32>
    %add3A_289 = arith.addi %rem3A_275, %add3A_288 : vector<16xi32>
    %select_n3A_290 = arith.select %and3A_287, %add3A_289, %rem3A_275 : vector<16xi1>, vector<16xi32>
    %add3A_291 = arith.constant 32 : i32
    %add3A_292 = vector.broadcast %add3A_291 : i32 to vector<16xi32>
    %add3A_293 = arith.addi %add3A_292, %iota3A : vector<16xi32>
    %jit3A_294 = arith.constant 3 : i32
    %eq3A_295 = arith.constant 0 : i32
    %eq3A_296 = arith.cmpi eq, %jit3A_294, %eq3A_295 : i32
    %jit3A_297 = arith.constant 1 : i32
    %select_n3A_298 = arith.select %eq3A_296, %jit3A_297, %jit3A_294 : i32
    %rem3A_299 = vector.broadcast %select_n3A_298 : i32 to vector<16xi32>
    %rem3A_300 = arith.remsi %add3A_293, %rem3A_299 : vector<16xi32>
    %ne3A_301 = arith.constant 0 : i32
    %ne3A_302 = vector.broadcast %ne3A_301 : i32 to vector<16xi32>
    %ne3A_303 = arith.cmpi ne, %rem3A_300, %ne3A_302 : vector<16xi32>
    %lt3A_304 = arith.constant 0 : i32
    %lt3A_305 = vector.broadcast %lt3A_304 : i32 to vector<16xi32>
    %lt3A_306 = arith.cmpi slt, %rem3A_300, %lt3A_305 : vector<16xi32>
    %lt3A_307 = arith.constant 0 : i32
    %lt3A_308 = arith.cmpi slt, %select_n3A_298, %lt3A_307 : i32
    %ne3A_309 = vector.broadcast %lt3A_308 : i1 to vector<16xi1>
    %ne3A_310 = vector.broadcast %ne3A_309 : vector<16xi1> to vector<16xi1>
    %ne3A_311 = arith.xori %lt3A_306, %ne3A_310 : vector<16xi1>
    %and3A_312 = arith.andi %ne3A_311, %ne3A_303 : vector<16xi1>
    %add3A_313 = vector.broadcast %select_n3A_298 : i32 to vector<16xi32>
    %add3A_314 = arith.addi %rem3A_300, %add3A_313 : vector<16xi32>
    %select_n3A_315 = arith.select %and3A_312, %add3A_314, %rem3A_300 : vector<16xi1>, vector<16xi32>
    %add3A_316 = arith.constant 0 : i32
    %add3A_317 = arith.addi %arg1, %add3A_316 : i32
    %mul3A_318 = arith.constant 400 : i32
    %mul3A_319 = arith.muli %add3A_317, %mul3A_318 : i32
    %dma_start3A_320 = arith.constant 0 : i32
    %dma_start3A_321 = arith.constant 0 : i32
    %dma_start3A_322 = arith.constant 0 : i32
    %dma_start3A_323 = arith.constant 0 : i32
    %dma_start3A_324 = tpu.memref_slice %arg11[%dma_start3A_320, %dma_start3A_321, %dma_start3A_322, %dma_start3A_323] : memref<2x4x400x3xf32, #tpu.memory_space<vmem>> -> memref<1x1x400x3xf32, #tpu.memory_space<vmem>>
    %dma_start3A_325 = tpu.memref_squeeze %dma_start3A_324 : memref<1x1x400x3xf32, #tpu.memory_space<vmem>> -> memref<400x3xf32, #tpu.memory_space<vmem>>
    %dma_start3A_326 = arith.constant 0 : i32
    %dma_start3A_327 = tpu.memref_slice %arg3[%mul3A_319, %dma_start3A_326] : memref<1000000x3xf32, #tpu.memory_space<hbm>> -> memref<400x3xf32, #tpu.memory_space<hbm>>
    %dma_start3A_328 = arith.constant 0 : i32
    %dma_start3A_329 = arith.constant 0 : i32
    %dma_start3A_330 = tpu.memref_slice %arg11[%dma_start3A_320, %dma_start3A_321, %dma_start3A_328, %dma_start3A_329] : memref<2x4x400x3xf32, #tpu.memory_space<vmem>> -> memref<1x1x400x3xf32, #tpu.memory_space<vmem>>
    %dma_start3A_331 = tpu.memref_squeeze %dma_start3A_330 : memref<1x1x400x3xf32, #tpu.memory_space<vmem>> -> memref<400x3xf32, #tpu.memory_space<vmem>>
    %dma_start3A_332 = arith.constant 0 : i32
    %dma_start3A_333 = tpu.memref_slice %arg3[%mul3A_319, %dma_start3A_332] : memref<1000000x3xf32, #tpu.memory_space<hbm>> -> memref<400x3xf32, #tpu.memory_space<hbm>>
    tpu.enqueue_dma source(%dma_start3A_333 : memref<400x3xf32, #tpu.memory_space<hbm>>) target(%dma_start3A_331 : memref<400x3xf32, #tpu.memory_space<vmem>>) target_semaphore(%arg17 : memref<!tpu.dma_semaphore, #tpu.memory_space<semaphore_mem>>)
    %mul3A_334 = arith.constant 400 : i32
    %mul3A_335 = arith.muli %add3A_317, %mul3A_334 : i32
    %dma_start3A_336 = arith.constant 0 : i32
    %dma_start3A_337 = arith.constant 1 : i32
    %dma_start3A_338 = arith.constant 0 : i32
    %dma_start3A_339 = arith.constant 0 : i32
    %dma_start3A_340 = tpu.memref_slice %arg11[%dma_start3A_336, %dma_start3A_337, %dma_start3A_338, %dma_start3A_339] : memref<2x4x400x3xf32, #tpu.memory_space<vmem>> -> memref<1x1x400x3xf32, #tpu.memory_space<vmem>>
    %dma_start3A_341 = tpu.memref_squeeze %dma_start3A_340 : memref<1x1x400x3xf32, #tpu.memory_space<vmem>> -> memref<400x3xf32, #tpu.memory_space<vmem>>
    %dma_start3A_342 = arith.constant 0 : i32
    %dma_start3A_343 = tpu.memref_slice %arg4[%mul3A_335, %dma_start3A_342] : memref<1000000x3xf32, #tpu.memory_space<hbm>> -> memref<400x3xf32, #tpu.memory_space<hbm>>
    %dma_start3A_344 = arith.constant 0 : i32
    %dma_start3A_345 = arith.constant 0 : i32
    %dma_start3A_346 = tpu.memref_slice %arg11[%dma_start3A_336, %dma_start3A_337, %dma_start3A_344, %dma_start3A_345] : memref<2x4x400x3xf32, #tpu.memory_space<vmem>> -> memref<1x1x400x3xf32, #tpu.memory_space<vmem>>
    %dma_start3A_347 = tpu.memref_squeeze %dma_start3A_346 : memref<1x1x400x3xf32, #tpu.memory_space<vmem>> -> memref<400x3xf32, #tpu.memory_space<vmem>>
    %dma_start3A_348 = arith.constant 0 : i32
    %dma_start3A_349 = tpu.memref_slice %arg4[%mul3A_335, %dma_start3A_348] : memref<1000000x3xf32, #tpu.memory_space<hbm>> -> memref<400x3xf32, #tpu.memory_space<hbm>>
    tpu.enqueue_dma source(%dma_start3A_349 : memref<400x3xf32, #tpu.memory_space<hbm>>) target(%dma_start3A_347 : memref<400x3xf32, #tpu.memory_space<vmem>>) target_semaphore(%arg17 : memref<!tpu.dma_semaphore, #tpu.memory_space<semaphore_mem>>)
    %mul3A_350 = arith.constant 400 : i32
    %mul3A_351 = arith.muli %add3A_317, %mul3A_350 : i32
    %dma_start3A_352 = arith.constant 0 : i32
    %dma_start3A_353 = arith.constant 2 : i32
    %dma_start3A_354 = arith.constant 0 : i32
    %dma_start3A_355 = arith.constant 0 : i32
    %dma_start3A_356 = tpu.memref_slice %arg11[%dma_start3A_352, %dma_start3A_353, %dma_start3A_354, %dma_start3A_355] : memref<2x4x400x3xf32, #tpu.memory_space<vmem>> -> memref<1x1x400x3xf32, #tpu.memory_space<vmem>>
    %dma_start3A_357 = tpu.memref_squeeze %dma_start3A_356 : memref<1x1x400x3xf32, #tpu.memory_space<vmem>> -> memref<400x3xf32, #tpu.memory_space<vmem>>
    %dma_start3A_358 = arith.constant 0 : i32
    %dma_start3A_359 = tpu.memref_slice %arg5[%mul3A_351, %dma_start3A_358] : memref<1000000x3xf32, #tpu.memory_space<hbm>> -> memref<400x3xf32, #tpu.memory_space<hbm>>
    %dma_start3A_360 = arith.constant 0 : i32
    %dma_start3A_361 = arith.constant 0 : i32
    %dma_start3A_362 = tpu.memref_slice %arg11[%dma_start3A_352, %dma_start3A_353, %dma_start3A_360, %dma_start3A_361] : memref<2x4x400x3xf32, #tpu.memory_space<vmem>> -> memref<1x1x400x3xf32, #tpu.memory_space<vmem>>
    %dma_start3A_363 = tpu.memref_squeeze %dma_start3A_362 : memref<1x1x400x3xf32, #tpu.memory_space<vmem>> -> memref<400x3xf32, #tpu.memory_space<vmem>>
    %dma_start3A_364 = arith.constant 0 : i32
    %dma_start3A_365 = tpu.memref_slice %arg5[%mul3A_351, %dma_start3A_364] : memref<1000000x3xf32, #tpu.memory_space<hbm>> -> memref<400x3xf32, #tpu.memory_space<hbm>>
    tpu.enqueue_dma source(%dma_start3A_365 : memref<400x3xf32, #tpu.memory_space<hbm>>) target(%dma_start3A_363 : memref<400x3xf32, #tpu.memory_space<vmem>>) target_semaphore(%arg17 : memref<!tpu.dma_semaphore, #tpu.memory_space<semaphore_mem>>)
    %mul3A_366 = arith.constant 400 : i32
    %mul3A_367 = arith.muli %add3A_317, %mul3A_366 : i32
    %dma_start3A_368 = arith.constant 0 : i32
    %dma_start3A_369 = arith.constant 3 : i32
    %dma_start3A_370 = arith.constant 0 : i32
    %dma_start3A_371 = arith.constant 0 : i32
    %dma_start3A_372 = tpu.memref_slice %arg11[%dma_start3A_368, %dma_start3A_369, %dma_start3A_370, %dma_start3A_371] : memref<2x4x400x3xf32, #tpu.memory_space<vmem>> -> memref<1x1x400x3xf32, #tpu.memory_space<vmem>>
    %dma_start3A_373 = tpu.memref_squeeze %dma_start3A_372 : memref<1x1x400x3xf32, #tpu.memory_space<vmem>> -> memref<400x3xf32, #tpu.memory_space<vmem>>
    %dma_start3A_374 = arith.constant 0 : i32
    %dma_start3A_375 = tpu.memref_slice %arg6[%mul3A_367, %dma_start3A_374] : memref<1000000x3xf32, #tpu.memory_space<hbm>> -> memref<400x3xf32, #tpu.memory_space<hbm>>
    %dma_start3A_376 = arith.constant 0 : i32
    %dma_start3A_377 = arith.constant 0 : i32
    %dma_start3A_378 = tpu.memref_slice %arg11[%dma_start3A_368, %dma_start3A_369, %dma_start3A_376, %dma_start3A_377] : memref<2x4x400x3xf32, #tpu.memory_space<vmem>> -> memref<1x1x400x3xf32, #tpu.memory_space<vmem>>
    %dma_start3A_379 = tpu.memref_squeeze %dma_start3A_378 : memref<1x1x400x3xf32, #tpu.memory_space<vmem>> -> memref<400x3xf32, #tpu.memory_space<vmem>>
    %dma_start3A_380 = arith.constant 0 : i32
    %dma_start3A_381 = tpu.memref_slice %arg6[%mul3A_367, %dma_start3A_380] : memref<1000000x3xf32, #tpu.memory_space<hbm>> -> memref<400x3xf32, #tpu.memory_space<hbm>>
    tpu.enqueue_dma source(%dma_start3A_381 : memref<400x3xf32, #tpu.memory_space<hbm>>) target(%dma_start3A_379 : memref<400x3xf32, #tpu.memory_space<vmem>>) target_semaphore(%arg17 : memref<!tpu.dma_semaphore, #tpu.memory_space<semaphore_mem>>)
    %mul3A_382 = arith.constant 400 : i32
    %mul3A_383 = arith.muli %add3A_317, %mul3A_382 : i32
    %dma_start3A_384 = arith.constant 0 : i32
    %dma_start3A_385 = arith.constant 0 : i32
    %dma_start3A_386 = tpu.memref_slice %arg12[%dma_start3A_384, %dma_start3A_385] : memref<2x400xf32, #tpu.memory_space<vmem>> -> memref<1x400xf32, #tpu.memory_space<vmem>>
    %dma_start3A_387 = tpu.memref_squeeze %dma_start3A_386 : memref<1x400xf32, #tpu.memory_space<vmem>> -> memref<400xf32, #tpu.memory_space<vmem>>
    %dma_start3A_388 = tpu.memref_slice %arg14[%mul3A_383] : memref<1024000xf32, #tpu.memory_space<vmem_shared>> -> memref<400xf32, #tpu.memory_space<vmem_shared>>
    %dma_start3A_389 = arith.constant 0 : i32
    %dma_start3A_390 = tpu.memref_slice %arg12[%dma_start3A_384, %dma_start3A_389] : memref<2x400xf32, #tpu.memory_space<vmem>> -> memref<1x400xf32, #tpu.memory_space<vmem>>
    %dma_start3A_391 = tpu.memref_squeeze %dma_start3A_390 : memref<1x400xf32, #tpu.memory_space<vmem>> -> memref<400xf32, #tpu.memory_space<vmem>>
    %dma_start3A_392 = tpu.memref_slice %arg14[%mul3A_383] : memref<1024000xf32, #tpu.memory_space<vmem_shared>> -> memref<400xf32, #tpu.memory_space<vmem_shared>>
    tpu.enqueue_dma source(%dma_start3A_392 : memref<400xf32, #tpu.memory_space<vmem_shared>>) target(%dma_start3A_391 : memref<400xf32, #tpu.memory_space<vmem>>) target_semaphore(%arg18 : memref<!tpu.dma_semaphore, #tpu.memory_space<semaphore_mem>>)
    %add3A_393 = arith.constant 16 : i32
    %add3A_394 = arith.addi %arg1, %add3A_393 : i32
    %mul3A_395 = arith.constant 400 : i32
    %mul3A_396 = arith.muli %add3A_394, %mul3A_395 : i32
    %dma_start3A_397 = arith.constant 1 : i32
    %dma_start3A_398 = arith.constant 0 : i32
    %dma_start3A_399 = arith.constant 0 : i32
    %dma_start3A_400 = arith.constant 0 : i32
    %dma_start3A_401 = tpu.memref_slice %arg11[%dma_start3A_397, %dma_start3A_398, %dma_start3A_399, %dma_start3A_400] : memref<2x4x400x3xf32, #tpu.memory_space<vmem>> -> memref<1x1x400x3xf32, #tpu.memory_space<vmem>>
    %dma_start3A_402 = tpu.memref_squeeze %dma_start3A_401 : memref<1x1x400x3xf32, #tpu.memory_space<vmem>> -> memref<400x3xf32, #tpu.memory_space<vmem>>
    %dma_start3A_403 = arith.constant 0 : i32
    %dma_start3A_404 = tpu.memref_slice %arg3[%mul3A_396, %dma_start3A_403] : memref<1000000x3xf32, #tpu.memory_space<hbm>> -> memref<400x3xf32, #tpu.memory_space<hbm>>
    %dma_start3A_405 = arith.constant 0 : i32
    %dma_start3A_406 = arith.constant 0 : i32
    %dma_start3A_407 = tpu.memref_slice %arg11[%dma_start3A_397, %dma_start3A_398, %dma_start3A_405, %dma_start3A_406] : memref<2x4x400x3xf32, #tpu.memory_space<vmem>> -> memref<1x1x400x3xf32, #tpu.memory_space<vmem>>
    %dma_start3A_408 = tpu.memref_squeeze %dma_start3A_407 : memref<1x1x400x3xf32, #tpu.memory_space<vmem>> -> memref<400x3xf32, #tpu.memory_space<vmem>>
    %dma_start3A_409 = arith.constant 0 : i32
    %dma_start3A_410 = tpu.memref_slice %arg3[%mul3A_396, %dma_start3A_409] : memref<1000000x3xf32, #tpu.memory_space<hbm>> -> memref<400x3xf32, #tpu.memory_space<hbm>>
    tpu.enqueue_dma source(%dma_start3A_410 : memref<400x3xf32, #tpu.memory_space<hbm>>) target(%dma_start3A_408 : memref<400x3xf32, #tpu.memory_space<vmem>>) target_semaphore(%arg17 : memref<!tpu.dma_semaphore, #tpu.memory_space<semaphore_mem>>)
    %mul3A_411 = arith.constant 400 : i32
    %mul3A_412 = arith.muli %add3A_394, %mul3A_411 : i32
    %dma_start3A_413 = arith.constant 1 : i32
    %dma_start3A_414 = arith.constant 1 : i32
    %dma_start3A_415 = arith.constant 0 : i32
    %dma_start3A_416 = arith.constant 0 : i32
    %dma_start3A_417 = tpu.memref_slice %arg11[%dma_start3A_413, %dma_start3A_414, %dma_start3A_415, %dma_start3A_416] : memref<2x4x400x3xf32, #tpu.memory_space<vmem>> -> memref<1x1x400x3xf32, #tpu.memory_space<vmem>>
    %dma_start3A_418 = tpu.memref_squeeze %dma_start3A_417 : memref<1x1x400x3xf32, #tpu.memory_space<vmem>> -> memref<400x3xf32, #tpu.memory_space<vmem>>
    %dma_start3A_419 = arith.constant 0 : i32
    %dma_start3A_420 = tpu.memref_slice %arg4[%mul3A_412, %dma_start3A_419] : memref<1000000x3xf32, #tpu.memory_space<hbm>> -> memref<400x3xf32, #tpu.memory_space<hbm>>
    %dma_start3A_421 = arith.constant 0 : i32
    %dma_start3A_422 = arith.constant 0 : i32
    %dma_start3A_423 = tpu.memref_slice %arg11[%dma_start3A_413, %dma_start3A_414, %dma_start3A_421, %dma_start3A_422] : memref<2x4x400x3xf32, #tpu.memory_space<vmem>> -> memref<1x1x400x3xf32, #tpu.memory_space<vmem>>
    %dma_start3A_424 = tpu.memref_squeeze %dma_start3A_423 : memref<1x1x400x3xf32, #tpu.memory_space<vmem>> -> memref<400x3xf32, #tpu.memory_space<vmem>>
    %dma_start3A_425 = arith.constant 0 : i32
    %dma_start3A_426 = tpu.memref_slice %arg4[%mul3A_412, %dma_start3A_425] : memref<1000000x3xf32, #tpu.memory_space<hbm>> -> memref<400x3xf32, #tpu.memory_space<hbm>>
    tpu.enqueue_dma source(%dma_start3A_426 : memref<400x3xf32, #tpu.memory_space<hbm>>) target(%dma_start3A_424 : memref<400x3xf32, #tpu.memory_space<vmem>>) target_semaphore(%arg17 : memref<!tpu.dma_semaphore, #tpu.memory_space<semaphore_mem>>)
    %mul3A_427 = arith.constant 400 : i32
    %mul3A_428 = arith.muli %add3A_394, %mul3A_427 : i32
    %dma_start3A_429 = arith.constant 1 : i32
    %dma_start3A_430 = arith.constant 2 : i32
    %dma_start3A_431 = arith.constant 0 : i32
    %dma_start3A_432 = arith.constant 0 : i32
    %dma_start3A_433 = tpu.memref_slice %arg11[%dma_start3A_429, %dma_start3A_430, %dma_start3A_431, %dma_start3A_432] : memref<2x4x400x3xf32, #tpu.memory_space<vmem>> -> memref<1x1x400x3xf32, #tpu.memory_space<vmem>>
    %dma_start3A_434 = tpu.memref_squeeze %dma_start3A_433 : memref<1x1x400x3xf32, #tpu.memory_space<vmem>> -> memref<400x3xf32, #tpu.memory_space<vmem>>
    %dma_start3A_435 = arith.constant 0 : i32
    %dma_start3A_436 = tpu.memref_slice %arg5[%mul3A_428, %dma_start3A_435] : memref<1000000x3xf32, #tpu.memory_space<hbm>> -> memref<400x3xf32, #tpu.memory_space<hbm>>
    %dma_start3A_437 = arith.constant 0 : i32
    %dma_start3A_438 = arith.constant 0 : i32
    %dma_start3A_439 = tpu.memref_slice %arg11[%dma_start3A_429, %dma_start3A_430, %dma_start3A_437, %dma_start3A_438] : memref<2x4x400x3xf32, #tpu.memory_space<vmem>> -> memref<1x1x400x3xf32, #tpu.memory_space<vmem>>
    %dma_start3A_440 = tpu.memref_squeeze %dma_start3A_439 : memref<1x1x400x3xf32, #tpu.memory_space<vmem>> -> memref<400x3xf32, #tpu.memory_space<vmem>>
    %dma_start3A_441 = arith.constant 0 : i32
    %dma_start3A_442 = tpu.memref_slice %arg5[%mul3A_428, %dma_start3A_441] : memref<1000000x3xf32, #tpu.memory_space<hbm>> -> memref<400x3xf32, #tpu.memory_space<hbm>>
    tpu.enqueue_dma source(%dma_start3A_442 : memref<400x3xf32, #tpu.memory_space<hbm>>) target(%dma_start3A_440 : memref<400x3xf32, #tpu.memory_space<vmem>>) target_semaphore(%arg17 : memref<!tpu.dma_semaphore, #tpu.memory_space<semaphore_mem>>)
    %mul3A_443 = arith.constant 400 : i32
    %mul3A_444 = arith.muli %add3A_394, %mul3A_443 : i32
    %dma_start3A_445 = arith.constant 1 : i32
    %dma_start3A_446 = arith.constant 3 : i32
    %dma_start3A_447 = arith.constant 0 : i32
    %dma_start3A_448 = arith.constant 0 : i32
    %dma_start3A_449 = tpu.memref_slice %arg11[%dma_start3A_445, %dma_start3A_446, %dma_start3A_447, %dma_start3A_448] : memref<2x4x400x3xf32, #tpu.memory_space<vmem>> -> memref<1x1x400x3xf32, #tpu.memory_space<vmem>>
    %dma_start3A_450 = tpu.memref_squeeze %dma_start3A_449 : memref<1x1x400x3xf32, #tpu.memory_space<vmem>> -> memref<400x3xf32, #tpu.memory_space<vmem>>
    %dma_start3A_451 = arith.constant 0 : i32
    %dma_start3A_452 = tpu.memref_slice %arg6[%mul3A_444, %dma_start3A_451] : memref<1000000x3xf32, #tpu.memory_space<hbm>> -> memref<400x3xf32, #tpu.memory_space<hbm>>
    %dma_start3A_453 = arith.constant 0 : i32
    %dma_start3A_454 = arith.constant 0 : i32
    %dma_start3A_455 = tpu.memref_slice %arg11[%dma_start3A_445, %dma_start3A_446, %dma_start3A_453, %dma_start3A_454] : memref<2x4x400x3xf32, #tpu.memory_space<vmem>> -> memref<1x1x400x3xf32, #tpu.memory_space<vmem>>
    %dma_start3A_456 = tpu.memref_squeeze %dma_start3A_455 : memref<1x1x400x3xf32, #tpu.memory_space<vmem>> -> memref<400x3xf32, #tpu.memory_space<vmem>>
    %dma_start3A_457 = arith.constant 0 : i32
    %dma_start3A_458 = tpu.memref_slice %arg6[%mul3A_444, %dma_start3A_457] : memref<1000000x3xf32, #tpu.memory_space<hbm>> -> memref<400x3xf32, #tpu.memory_space<hbm>>
    tpu.enqueue_dma source(%dma_start3A_458 : memref<400x3xf32, #tpu.memory_space<hbm>>) target(%dma_start3A_456 : memref<400x3xf32, #tpu.memory_space<vmem>>) target_semaphore(%arg17 : memref<!tpu.dma_semaphore, #tpu.memory_space<semaphore_mem>>)
    %mul3A_459 = arith.constant 400 : i32
    %mul3A_460 = arith.muli %add3A_394, %mul3A_459 : i32
    %dma_start3A_461 = arith.constant 1 : i32
    %dma_start3A_462 = arith.constant 0 : i32
    %dma_start3A_463 = tpu.memref_slice %arg12[%dma_start3A_461, %dma_start3A_462] : memref<2x400xf32, #tpu.memory_space<vmem>> -> memref<1x400xf32, #tpu.memory_space<vmem>>
    %dma_start3A_464 = tpu.memref_squeeze %dma_start3A_463 : memref<1x400xf32, #tpu.memory_space<vmem>> -> memref<400xf32, #tpu.memory_space<vmem>>
    %dma_start3A_465 = tpu.memref_slice %arg14[%mul3A_460] : memref<1024000xf32, #tpu.memory_space<vmem_shared>> -> memref<400xf32, #tpu.memory_space<vmem_shared>>
    %dma_start3A_466 = arith.constant 0 : i32
    %dma_start3A_467 = tpu.memref_slice %arg12[%dma_start3A_461, %dma_start3A_466] : memref<2x400xf32, #tpu.memory_space<vmem>> -> memref<1x400xf32, #tpu.memory_space<vmem>>
    %dma_start3A_468 = tpu.memref_squeeze %dma_start3A_467 : memref<1x400xf32, #tpu.memory_space<vmem>> -> memref<400xf32, #tpu.memory_space<vmem>>
    %dma_start3A_469 = tpu.memref_slice %arg14[%mul3A_460] : memref<1024000xf32, #tpu.memory_space<vmem_shared>> -> memref<400xf32, #tpu.memory_space<vmem_shared>>
    tpu.enqueue_dma source(%dma_start3A_469 : memref<400xf32, #tpu.memory_space<vmem_shared>>) target(%dma_start3A_468 : memref<400xf32, #tpu.memory_space<vmem>>) target_semaphore(%arg18 : memref<!tpu.dma_semaphore, #tpu.memory_space<semaphore_mem>>)
    %scan3A_470 = arith.constant 0 : i32
    %scan3A_471 = arith.constant 78 : i32
    %scan3A_472 = arith.addi %scan3A_470, %scan3A_471 : i32
    %scan3A_473 = arith.constant 1 : i32
    %scan3A_474:6 = scf.for %scan3A_501 = %scan3A_470 to %scan3A_472 step %scan3A_473 iter_args(%scan3A_502 = %broadcast_in_dim3A_1, %scan3A_503 = %broadcast_in_dim3A_1, %scan3A_504 = %broadcast_in_dim3A_1, %scan3A_505 = %broadcast_in_dim3A_1, %scan3A_506 = %broadcast_in_dim3A_1, %scan3A_507 = %broadcast_in_dim3A_1) -> (vector<16xf32>, vector<16xf32>, vector<16xf32>, vector<16xf32>, vector<16xf32>, vector<16xf32>)  : i32 {
      %mul3A_508 = arith.constant 2 : i32
      %mul3A_509 = arith.muli %scan3A_501, %mul3A_508 : i32
      %add3A_510 = arith.constant 0 : i32
      %add3A_511 = arith.addi %mul3A_509, %add3A_510 : i32
      %mul3A_512 = arith.constant 16 : i32
      %mul3A_513 = arith.muli %add3A_511, %mul3A_512 : i32
      %add3A_514 = arith.addi %arg1, %mul3A_513 : i32
      %dma_wait3A_515 = arith.constant 0 : i32
      %dma_wait3A_516 = arith.constant 0 : i32
      %dma_wait3A_517 = arith.constant 0 : i32
      %dma_wait3A_518 = arith.constant 0 : i32
      %dma_wait3A_519 = tpu.memref_slice %arg11[%dma_wait3A_515, %dma_wait3A_516, %dma_wait3A_517, %dma_wait3A_518] : memref<2x4x400x3xf32, #tpu.memory_space<vmem>> -> memref<1x1x400x3xf32, #tpu.memory_space<vmem>>
      %dma_wait3A_520 = tpu.memref_squeeze %dma_wait3A_519 : memref<1x1x400x3xf32, #tpu.memory_space<vmem>> -> memref<400x3xf32, #tpu.memory_space<vmem>>
      %dma_wait3A_521 = arith.constant 0 : i32
      %dma_wait3A_522 = arith.constant 0 : i32
      %dma_wait3A_523 = tpu.memref_slice %arg3[%dma_wait3A_521, %dma_wait3A_522] : memref<1000000x3xf32, #tpu.memory_space<hbm>> -> memref<400x3xf32, #tpu.memory_space<hbm>>
      %dma_wait3A_524 = arith.constant 0 : i32
      %dma_wait3A_525 = arith.constant 0 : i32
      %dma_wait3A_526 = tpu.memref_slice %arg11[%dma_wait3A_515, %dma_wait3A_516, %dma_wait3A_524, %dma_wait3A_525] : memref<2x4x400x3xf32, #tpu.memory_space<vmem>> -> memref<1x1x400x3xf32, #tpu.memory_space<vmem>>
      %dma_wait3A_527 = tpu.memref_squeeze %dma_wait3A_526 : memref<1x1x400x3xf32, #tpu.memory_space<vmem>> -> memref<400x3xf32, #tpu.memory_space<vmem>>
      %dma_wait3A_528 = arith.constant 0 : i32
      %dma_wait3A_529 = arith.constant 0 : i32
      %dma_wait3A_530 = tpu.memref_slice %arg3[%dma_wait3A_528, %dma_wait3A_529] : memref<1000000x3xf32, #tpu.memory_space<hbm>> -> memref<400x3xf32, #tpu.memory_space<hbm>>
      tpu.wait_dma2 semaphore(%arg17 : memref<!tpu.dma_semaphore, #tpu.memory_space<semaphore_mem>>) src(%dma_wait3A_530 : memref<400x3xf32, #tpu.memory_space<hbm>>) dst(%dma_wait3A_527 : memref<400x3xf32, #tpu.memory_space<vmem>>)
      %dma_wait3A_531 = arith.constant 0 : i32
      %dma_wait3A_532 = arith.constant 1 : i32
      %dma_wait3A_533 = arith.constant 0 : i32
      %dma_wait3A_534 = arith.constant 0 : i32
      %dma_wait3A_535 = tpu.memref_slice %arg11[%dma_wait3A_531, %dma_wait3A_532, %dma_wait3A_533, %dma_wait3A_534] : memref<2x4x400x3xf32, #tpu.memory_space<vmem>> -> memref<1x1x400x3xf32, #tpu.memory_space<vmem>>
      %dma_wait3A_536 = tpu.memref_squeeze %dma_wait3A_535 : memref<1x1x400x3xf32, #tpu.memory_space<vmem>> -> memref<400x3xf32, #tpu.memory_space<vmem>>
      %dma_wait3A_537 = arith.constant 0 : i32
      %dma_wait3A_538 = arith.constant 0 : i32
      %dma_wait3A_539 = tpu.memref_slice %arg3[%dma_wait3A_537, %dma_wait3A_538] : memref<1000000x3xf32, #tpu.memory_space<hbm>> -> memref<400x3xf32, #tpu.memory_space<hbm>>
      %dma_wait3A_540 = arith.constant 0 : i32
      %dma_wait3A_541 = arith.constant 0 : i32
      %dma_wait3A_542 = tpu.memref_slice %arg11[%dma_wait3A_531, %dma_wait3A_532, %dma_wait3A_540, %dma_wait3A_541] : memref<2x4x400x3xf32, #tpu.memory_space<vmem>> -> memref<1x1x400x3xf32, #tpu.memory_space<vmem>>
      %dma_wait3A_543 = tpu.memref_squeeze %dma_wait3A_542 : memref<1x1x400x3xf32, #tpu.memory_space<vmem>> -> memref<400x3xf32, #tpu.memory_space<vmem>>
      %dma_wait3A_544 = arith.constant 0 : i32
      %dma_wait3A_545 = arith.constant 0 : i32
      %dma_wait3A_546 = tpu.memref_slice %arg3[%dma_wait3A_544, %dma_wait3A_545] : memref<1000000x3xf32, #tpu.memory_space<hbm>> -> memref<400x3xf32, #tpu.memory_space<hbm>>
      tpu.wait_dma2 semaphore(%arg17 : memref<!tpu.dma_semaphore, #tpu.memory_space<semaphore_mem>>) src(%dma_wait3A_546 : memref<400x3xf32, #tpu.memory_space<hbm>>) dst(%dma_wait3A_543 : memref<400x3xf32, #tpu.memory_space<vmem>>)
      %dma_wait3A_547 = arith.constant 0 : i32
      %dma_wait3A_548 = arith.constant 2 : i32
      %dma_wait3A_549 = arith.constant 0 : i32
      %dma_wait3A_550 = arith.constant 0 : i32
      %dma_wait3A_551 = tpu.memref_slice %arg11[%dma_wait3A_547, %dma_wait3A_548, %dma_wait3A_549, %dma_wait3A_550] : memref<2x4x400x3xf32, #tpu.memory_space<vmem>> -> memref<1x1x400x3xf32, #tpu.memory_space<vmem>>
      %dma_wait3A_552 = tpu.memref_squeeze %dma_wait3A_551 : memref<1x1x400x3xf32, #tpu.memory_space<vmem>> -> memref<400x3xf32, #tpu.memory_space<vmem>>
      %dma_wait3A_553 = arith.constant 0 : i32
      %dma_wait3A_554 = arith.constant 0 : i32
      %dma_wait3A_555 = tpu.memref_slice %arg3[%dma_wait3A_553, %dma_wait3A_554] : memref<1000000x3xf32, #tpu.memory_space<hbm>> -> memref<400x3xf32, #tpu.memory_space<hbm>>
      %dma_wait3A_556 = arith.constant 0 : i32
      %dma_wait3A_557 = arith.constant 0 : i32
      %dma_wait3A_558 = tpu.memref_slice %arg11[%dma_wait3A_547, %dma_wait3A_548, %dma_wait3A_556, %dma_wait3A_557] : memref<2x4x400x3xf32, #tpu.memory_space<vmem>> -> memref<1x1x400x3xf32, #tpu.memory_space<vmem>>
      %dma_wait3A_559 = tpu.memref_squeeze %dma_wait3A_558 : memref<1x1x400x3xf32, #tpu.memory_space<vmem>> -> memref<400x3xf32, #tpu.memory_space<vmem>>
      %dma_wait3A_560 = arith.constant 0 : i32
      %dma_wait3A_561 = arith.constant 0 : i32
      %dma_wait3A_562 = tpu.memref_slice %arg3[%dma_wait3A_560, %dma_wait3A_561] : memref<1000000x3xf32, #tpu.memory_space<hbm>> -> memref<400x3xf32, #tpu.memory_space<hbm>>
      tpu.wait_dma2 semaphore(%arg17 : memref<!tpu.dma_semaphore, #tpu.memory_space<semaphore_mem>>) src(%dma_wait3A_562 : memref<400x3xf32, #tpu.memory_space<hbm>>) dst(%dma_wait3A_559 : memref<400x3xf32, #tpu.memory_space<vmem>>)
      %dma_wait3A_563 = arith.constant 0 : i32
      %dma_wait3A_564 = arith.constant 3 : i32
      %dma_wait3A_565 = arith.constant 0 : i32
      %dma_wait3A_566 = arith.constant 0 : i32
      %dma_wait3A_567 = tpu.memref_slice %arg11[%dma_wait3A_563, %dma_wait3A_564, %dma_wait3A_565, %dma_wait3A_566] : memref<2x4x400x3xf32, #tpu.memory_space<vmem>> -> memref<1x1x400x3xf32, #tpu.memory_space<vmem>>
      %dma_wait3A_568 = tpu.memref_squeeze %dma_wait3A_567 : memref<1x1x400x3xf32, #tpu.memory_space<vmem>> -> memref<400x3xf32, #tpu.memory_space<vmem>>
      %dma_wait3A_569 = arith.constant 0 : i32
      %dma_wait3A_570 = arith.constant 0 : i32
      %dma_wait3A_571 = tpu.memref_slice %arg3[%dma_wait3A_569, %dma_wait3A_570] : memref<1000000x3xf32, #tpu.memory_space<hbm>> -> memref<400x3xf32, #tpu.memory_space<hbm>>
      %dma_wait3A_572 = arith.constant 0 : i32
      %dma_wait3A_573 = arith.constant 0 : i32
      %dma_wait3A_574 = tpu.memref_slice %arg11[%dma_wait3A_563, %dma_wait3A_564, %dma_wait3A_572, %dma_wait3A_573] : memref<2x4x400x3xf32, #tpu.memory_space<vmem>> -> memref<1x1x400x3xf32, #tpu.memory_space<vmem>>
      %dma_wait3A_575 = tpu.memref_squeeze %dma_wait3A_574 : memref<1x1x400x3xf32, #tpu.memory_space<vmem>> -> memref<400x3xf32, #tpu.memory_space<vmem>>
      %dma_wait3A_576 = arith.constant 0 : i32
      %dma_wait3A_577 = arith.constant 0 : i32
      %dma_wait3A_578 = tpu.memref_slice %arg3[%dma_wait3A_576, %dma_wait3A_577] : memref<1000000x3xf32, #tpu.memory_space<hbm>> -> memref<400x3xf32, #tpu.memory_space<hbm>>
      tpu.wait_dma2 semaphore(%arg17 : memref<!tpu.dma_semaphore, #tpu.memory_space<semaphore_mem>>) src(%dma_wait3A_578 : memref<400x3xf32, #tpu.memory_space<hbm>>) dst(%dma_wait3A_575 : memref<400x3xf32, #tpu.memory_space<vmem>>)
      %dma_wait3A_579 = arith.constant 0 : i32
      %dma_wait3A_580 = arith.constant 0 : i32
      %dma_wait3A_581 = tpu.memref_slice %arg12[%dma_wait3A_579, %dma_wait3A_580] : memref<2x400xf32, #tpu.memory_space<vmem>> -> memref<1x400xf32, #tpu.memory_space<vmem>>
      %dma_wait3A_582 = tpu.memref_squeeze %dma_wait3A_581 : memref<1x400xf32, #tpu.memory_space<vmem>> -> memref<400xf32, #tpu.memory_space<vmem>>
      %dma_wait3A_583 = arith.constant 0 : i32
      %dma_wait3A_584 = tpu.memref_slice %arg14[%dma_wait3A_583] : memref<1024000xf32, #tpu.memory_space<vmem_shared>> -> memref<400xf32, #tpu.memory_space<vmem_shared>>
      %dma_wait3A_585 = arith.constant 0 : i32
      %dma_wait3A_586 = tpu.memref_slice %arg12[%dma_wait3A_579, %dma_wait3A_585] : memref<2x400xf32, #tpu.memory_space<vmem>> -> memref<1x400xf32, #tpu.memory_space<vmem>>
      %dma_wait3A_587 = tpu.memref_squeeze %dma_wait3A_586 : memref<1x400xf32, #tpu.memory_space<vmem>> -> memref<400xf32, #tpu.memory_space<vmem>>
      %dma_wait3A_588 = arith.constant 0 : i32
      %dma_wait3A_589 = tpu.memref_slice %arg14[%dma_wait3A_588] : memref<1024000xf32, #tpu.memory_space<vmem_shared>> -> memref<400xf32, #tpu.memory_space<vmem_shared>>
      tpu.wait_dma2 semaphore(%arg18 : memref<!tpu.dma_semaphore, #tpu.memory_space<semaphore_mem>>) src(%dma_wait3A_589 : memref<400xf32, #tpu.memory_space<vmem_shared>>) dst(%dma_wait3A_587 : memref<400xf32, #tpu.memory_space<vmem>>)
      %parallel_loop3A_590 = arith.constant 0 : i32
      %parallel_loop3A_591 = arith.constant 25 : i32
      %parallel_loop3A_592 = arith.constant 1 : i32
      %parallel_loop3A_593:6 = scf.for %parallel_loop3A_694 = %parallel_loop3A_590 to %parallel_loop3A_591 step %parallel_loop3A_592 iter_args(%parallel_loop3A_695 = %scan3A_502, %parallel_loop3A_696 = %scan3A_503, %parallel_loop3A_697 = %scan3A_504, %parallel_loop3A_698 = %scan3A_505, %parallel_loop3A_699 = %scan3A_506, %parallel_loop3A_700 = %scan3A_507) -> (vector<16xf32>, vector<16xf32>, vector<16xf32>, vector<16xf32>, vector<16xf32>, vector<16xf32>)  : i32 {
        %parallel_loop3A_701 = arith.constant 16 : i32
        %parallel_loop3A_702 = arith.muli %parallel_loop3A_694, %parallel_loop3A_701 : i32
        %parallel_loop3A_703 = vector.broadcast %parallel_loop3A_702 : i32 to vector<16xi32>
        %parallel_loop3A_704 = arith.addi %select_n3A, %parallel_loop3A_703 : vector<16xi32>
        %parallel_loop3A_705 = arith.constant 0 : i32
        %parallel_loop3A_706 = arith.constant 0 : i32
        %parallel_loop3A_707 = tpu.memref_slice %arg12[%parallel_loop3A_705, %parallel_loop3A_706] : memref<2x400xf32, #tpu.memory_space<vmem>> -> memref<1x400xf32, #tpu.memory_space<vmem>>
        %parallel_loop3A_708 = tpu.memref_squeeze %parallel_loop3A_707 : memref<1x400xf32, #tpu.memory_space<vmem>> -> memref<400xf32, #tpu.memory_space<vmem>>
        %parallel_loop3A_709 = tpu.vector_load_idx %parallel_loop3A_708[%parallel_loop3A_704] : memref<400xf32, #tpu.memory_space<vmem>>[vector<16xi32>], vector<16xf32>,
        %parallel_loop3A_710 = arith.constant 0 : i32
        %parallel_loop3A_711 = arith.constant 0 : i32
        %parallel_loop3A_712 = arith.constant 0 : i32
        %parallel_loop3A_713 = arith.constant 0 : i32
        %parallel_loop3A_714 = tpu.memref_slice %arg11[%parallel_loop3A_710, %parallel_loop3A_711, %parallel_loop3A_712, %parallel_loop3A_713] : memref<2x4x400x3xf32, #tpu.memory_space<vmem>> -> memref<1x1x400x3xf32, #tpu.memory_space<vmem>>
        %parallel_loop3A_715 = tpu.memref_squeeze %parallel_loop3A_714 : memref<1x1x400x3xf32, #tpu.memory_space<vmem>> -> memref<400x3xf32, #tpu.memory_space<vmem>>
        %parallel_loop3A_716 = tpu.vector_load_idx %parallel_loop3A_715[%parallel_loop3A_704, %select_n3A_265] : memref<400x3xf32, #tpu.memory_space<vmem>>[vector<16xi32>, vector<16xi32>], vector<16xf32>,
        %parallel_loop3A_717 = arith.constant 0 : i32
        %parallel_loop3A_718 = arith.constant 2 : i32
        %parallel_loop3A_719 = arith.constant 0 : i32
        %parallel_loop3A_720 = arith.constant 0 : i32
        %parallel_loop3A_721 = tpu.memref_slice %arg11[%parallel_loop3A_717, %parallel_loop3A_718, %parallel_loop3A_719, %parallel_loop3A_720] : memref<2x4x400x3xf32, #tpu.memory_space<vmem>> -> memref<1x1x400x3xf32, #tpu.memory_space<vmem>>
        %parallel_loop3A_722 = tpu.memref_squeeze %parallel_loop3A_721 : memref<1x1x400x3xf32, #tpu.memory_space<vmem>> -> memref<400x3xf32, #tpu.memory_space<vmem>>
        %parallel_loop3A_723 = tpu.vector_load_idx %parallel_loop3A_722[%parallel_loop3A_704, %select_n3A_265] : memref<400x3xf32, #tpu.memory_space<vmem>>[vector<16xi32>, vector<16xi32>], vector<16xf32>,
        %parallel_loop3A_724 = arith.addf %parallel_loop3A_716, %parallel_loop3A_723 : vector<16xf32>
        %parallel_loop3A_725 = arith.mulf %parallel_loop3A_709, %parallel_loop3A_724 : vector<16xf32>
        %parallel_loop3A_726 = arith.addf %parallel_loop3A_695, %parallel_loop3A_725 : vector<16xf32>
        %parallel_loop3A_727 = arith.constant 0 : i32
        %parallel_loop3A_728 = arith.constant 1 : i32
        %parallel_loop3A_729 = arith.constant 0 : i32
        %parallel_loop3A_730 = arith.constant 0 : i32
        %parallel_loop3A_731 = tpu.memref_slice %arg11[%parallel_loop3A_727, %parallel_loop3A_728, %parallel_loop3A_729, %parallel_loop3A_730] : memref<2x4x400x3xf32, #tpu.memory_space<vmem>> -> memref<1x1x400x3xf32, #tpu.memory_space<vmem>>
        %parallel_loop3A_732 = tpu.memref_squeeze %parallel_loop3A_731 : memref<1x1x400x3xf32, #tpu.memory_space<vmem>> -> memref<400x3xf32, #tpu.memory_space<vmem>>
        %parallel_loop3A_733 = tpu.vector_load_idx %parallel_loop3A_732[%parallel_loop3A_704, %select_n3A_265] : memref<400x3xf32, #tpu.memory_space<vmem>>[vector<16xi32>, vector<16xi32>], vector<16xf32>,
        %parallel_loop3A_734 = arith.constant 0 : i32
        %parallel_loop3A_735 = arith.constant 3 : i32
        %parallel_loop3A_736 = arith.constant 0 : i32
        %parallel_loop3A_737 = arith.constant 0 : i32
        %parallel_loop3A_738 = tpu.memref_slice %arg11[%parallel_loop3A_734, %parallel_loop3A_735, %parallel_loop3A_736, %parallel_loop3A_737] : memref<2x4x400x3xf32, #tpu.memory_space<vmem>> -> memref<1x1x400x3xf32, #tpu.memory_space<vmem>>
        %parallel_loop3A_739 = tpu.memref_squeeze %parallel_loop3A_738 : memref<1x1x400x3xf32, #tpu.memory_space<vmem>> -> memref<400x3xf32, #tpu.memory_space<vmem>>
        %parallel_loop3A_740 = tpu.vector_load_idx %parallel_loop3A_739[%parallel_loop3A_704, %select_n3A_265] : memref<400x3xf32, #tpu.memory_space<vmem>>[vector<16xi32>, vector<16xi32>], vector<16xf32>,
        %parallel_loop3A_741 = arith.addf %parallel_loop3A_733, %parallel_loop3A_740 : vector<16xf32>
        %parallel_loop3A_742 = arith.mulf %parallel_loop3A_709, %parallel_loop3A_741 : vector<16xf32>
        %parallel_loop3A_743 = arith.addf %parallel_loop3A_698, %parallel_loop3A_742 : vector<16xf32>
        %parallel_loop3A_744 = vector.broadcast %parallel_loop3A_702 : i32 to vector<16xi32>
        %parallel_loop3A_745 = arith.addi %select_n3A_208, %parallel_loop3A_744 : vector<16xi32>
        %parallel_loop3A_746 = arith.constant 0 : i32
        %parallel_loop3A_747 = arith.constant 0 : i32
        %parallel_loop3A_748 = tpu.memref_slice %arg12[%parallel_loop3A_746, %parallel_loop3A_747] : memref<2x400xf32, #tpu.memory_space<vmem>> -> memref<1x400xf32, #tpu.memory_space<vmem>>
        %parallel_loop3A_749 = tpu.memref_squeeze %parallel_loop3A_748 : memref<1x400xf32, #tpu.memory_space<vmem>> -> memref<400xf32, #tpu.memory_space<vmem>>
        %parallel_loop3A_750 = tpu.vector_load_idx %parallel_loop3A_749[%parallel_loop3A_745] : memref<400xf32, #tpu.memory_space<vmem>>[vector<16xi32>], vector<16xf32>,
        %parallel_loop3A_751 = arith.constant 0 : i32
        %parallel_loop3A_752 = arith.constant 0 : i32
        %parallel_loop3A_753 = arith.constant 0 : i32
        %parallel_loop3A_754 = arith.constant 0 : i32
        %parallel_loop3A_755 = tpu.memref_slice %arg11[%parallel_loop3A_751, %parallel_loop3A_752, %parallel_loop3A_753, %parallel_loop3A_754] : memref<2x4x400x3xf32, #tpu.memory_space<vmem>> -> memref<1x1x400x3xf32, #tpu.memory_space<vmem>>
        %parallel_loop3A_756 = tpu.memref_squeeze %parallel_loop3A_755 : memref<1x1x400x3xf32, #tpu.memory_space<vmem>> -> memref<400x3xf32, #tpu.memory_space<vmem>>
        %parallel_loop3A_757 = tpu.vector_load_idx %parallel_loop3A_756[%parallel_loop3A_745, %select_n3A_290] : memref<400x3xf32, #tpu.memory_space<vmem>>[vector<16xi32>, vector<16xi32>], vector<16xf32>,
        %parallel_loop3A_758 = arith.constant 0 : i32
        %parallel_loop3A_759 = arith.constant 2 : i32
        %parallel_loop3A_760 = arith.constant 0 : i32
        %parallel_loop3A_761 = arith.constant 0 : i32
        %parallel_loop3A_762 = tpu.memref_slice %arg11[%parallel_loop3A_758, %parallel_loop3A_759, %parallel_loop3A_760, %parallel_loop3A_761] : memref<2x4x400x3xf32, #tpu.memory_space<vmem>> -> memref<1x1x400x3xf32, #tpu.memory_space<vmem>>
        %parallel_loop3A_763 = tpu.memref_squeeze %parallel_loop3A_762 : memref<1x1x400x3xf32, #tpu.memory_space<vmem>> -> memref<400x3xf32, #tpu.memory_space<vmem>>
        %parallel_loop3A_764 = tpu.vector_load_idx %parallel_loop3A_763[%parallel_loop3A_745, %select_n3A_290] : memref<400x3xf32, #tpu.memory_space<vmem>>[vector<16xi32>, vector<16xi32>], vector<16xf32>,
        %parallel_loop3A_765 = arith.addf %parallel_loop3A_757, %parallel_loop3A_764 : vector<16xf32>
        %parallel_loop3A_766 = arith.mulf %parallel_loop3A_750, %parallel_loop3A_765 : vector<16xf32>
        %parallel_loop3A_767 = arith.addf %parallel_loop3A_696, %parallel_loop3A_766 : vector<16xf32>
        %parallel_loop3A_768 = arith.constant 0 : i32
        %parallel_loop3A_769 = arith.constant 1 : i32
        %parallel_loop3A_770 = arith.constant 0 : i32
        %parallel_loop3A_771 = arith.constant 0 : i32
        %parallel_loop3A_772 = tpu.memref_slice %arg11[%parallel_loop3A_768, %parallel_loop3A_769, %parallel_loop3A_770, %parallel_loop3A_771] : memref<2x4x400x3xf32, #tpu.memory_space<vmem>> -> memref<1x1x400x3xf32, #tpu.memory_space<vmem>>
        %parallel_loop3A_773 = tpu.memref_squeeze %parallel_loop3A_772 : memref<1x1x400x3xf32, #tpu.memory_space<vmem>> -> memref<400x3xf32, #tpu.memory_space<vmem>>
        %parallel_loop3A_774 = tpu.vector_load_idx %parallel_loop3A_773[%parallel_loop3A_745, %select_n3A_290] : memref<400x3xf32, #tpu.memory_space<vmem>>[vector<16xi32>, vector<16xi32>], vector<16xf32>,
        %parallel_loop3A_775 = arith.constant 0 : i32
        %parallel_loop3A_776 = arith.constant 3 : i32
        %parallel_loop3A_777 = arith.constant 0 : i32
        %parallel_loop3A_778 = arith.constant 0 : i32
        %parallel_loop3A_779 = tpu.memref_slice %arg11[%parallel_loop3A_775, %parallel_loop3A_776, %parallel_loop3A_777, %parallel_loop3A_778] : memref<2x4x400x3xf32, #tpu.memory_space<vmem>> -> memref<1x1x400x3xf32, #tpu.memory_space<vmem>>
        %parallel_loop3A_780 = tpu.memref_squeeze %parallel_loop3A_779 : memref<1x1x400x3xf32, #tpu.memory_space<vmem>> -> memref<400x3xf32, #tpu.memory_space<vmem>>
        %parallel_loop3A_781 = tpu.vector_load_idx %parallel_loop3A_780[%parallel_loop3A_745, %select_n3A_290] : memref<400x3xf32, #tpu.memory_space<vmem>>[vector<16xi32>, vector<16xi32>], vector<16xf32>,
        %parallel_loop3A_782 = arith.addf %parallel_loop3A_774, %parallel_loop3A_781 : vector<16xf32>
        %parallel_loop3A_783 = arith.mulf %parallel_loop3A_750, %parallel_loop3A_782 : vector<16xf32>
        %parallel_loop3A_784 = arith.addf %parallel_loop3A_699, %parallel_loop3A_783 : vector<16xf32>
        %parallel_loop3A_785 = vector.broadcast %parallel_loop3A_702 : i32 to vector<16xi32>
        %parallel_loop3A_786 = arith.addi %select_n3A_242, %parallel_loop3A_785 : vector<16xi32>
        %parallel_loop3A_787 = arith.constant 0 : i32
        %parallel_loop3A_788 = arith.constant 0 : i32
        %parallel_loop3A_789 = tpu.memref_slice %arg12[%parallel_loop3A_787, %parallel_loop3A_788] : memref<2x400xf32, #tpu.memory_space<vmem>> -> memref<1x400xf32, #tpu.memory_space<vmem>>
        %parallel_loop3A_790 = tpu.memref_squeeze %parallel_loop3A_789 : memref<1x400xf32, #tpu.memory_space<vmem>> -> memref<400xf32, #tpu.memory_space<vmem>>
        %parallel_loop3A_791 = tpu.vector_load_idx %parallel_loop3A_790[%parallel_loop3A_786] : memref<400xf32, #tpu.memory_space<vmem>>[vector<16xi32>], vector<16xf32>,
        %parallel_loop3A_792 = arith.constant 0 : i32
        %parallel_loop3A_793 = arith.constant 0 : i32
        %parallel_loop3A_794 = arith.constant 0 : i32
        %parallel_loop3A_795 = arith.constant 0 : i32
        %parallel_loop3A_796 = tpu.memref_slice %arg11[%parallel_loop3A_792, %parallel_loop3A_793, %parallel_loop3A_794, %parallel_loop3A_795] : memref<2x4x400x3xf32, #tpu.memory_space<vmem>> -> memref<1x1x400x3xf32, #tpu.memory_space<vmem>>
        %parallel_loop3A_797 = tpu.memref_squeeze %parallel_loop3A_796 : memref<1x1x400x3xf32, #tpu.memory_space<vmem>> -> memref<400x3xf32, #tpu.memory_space<vmem>>
        %parallel_loop3A_798 = tpu.vector_load_idx %parallel_loop3A_797[%parallel_loop3A_786, %select_n3A_315] : memref<400x3xf32, #tpu.memory_space<vmem>>[vector<16xi32>, vector<16xi32>], vector<16xf32>,
        %parallel_loop3A_799 = arith.constant 0 : i32
        %parallel_loop3A_800 = arith.constant 2 : i32
        %parallel_loop3A_801 = arith.constant 0 : i32
        %parallel_loop3A_802 = arith.constant 0 : i32
        %parallel_loop3A_803 = tpu.memref_slice %arg11[%parallel_loop3A_799, %parallel_loop3A_800, %parallel_loop3A_801, %parallel_loop3A_802] : memref<2x4x400x3xf32, #tpu.memory_space<vmem>> -> memref<1x1x400x3xf32, #tpu.memory_space<vmem>>
        %parallel_loop3A_804 = tpu.memref_squeeze %parallel_loop3A_803 : memref<1x1x400x3xf32, #tpu.memory_space<vmem>> -> memref<400x3xf32, #tpu.memory_space<vmem>>
        %parallel_loop3A_805 = tpu.vector_load_idx %parallel_loop3A_804[%parallel_loop3A_786, %select_n3A_315] : memref<400x3xf32, #tpu.memory_space<vmem>>[vector<16xi32>, vector<16xi32>], vector<16xf32>,
        %parallel_loop3A_806 = arith.addf %parallel_loop3A_798, %parallel_loop3A_805 : vector<16xf32>
        %parallel_loop3A_807 = arith.mulf %parallel_loop3A_791, %parallel_loop3A_806 : vector<16xf32>
        %parallel_loop3A_808 = arith.addf %parallel_loop3A_697, %parallel_loop3A_807 : vector<16xf32>
        %parallel_loop3A_809 = arith.constant 0 : i32
        %parallel_loop3A_810 = arith.constant 1 : i32
        %parallel_loop3A_811 = arith.constant 0 : i32
        %parallel_loop3A_812 = arith.constant 0 : i32
        %parallel_loop3A_813 = tpu.memref_slice %arg11[%parallel_loop3A_809, %parallel_loop3A_810, %parallel_loop3A_811, %parallel_loop3A_812] : memref<2x4x400x3xf32, #tpu.memory_space<vmem>> -> memref<1x1x400x3xf32, #tpu.memory_space<vmem>>
        %parallel_loop3A_814 = tpu.memref_squeeze %parallel_loop3A_813 : memref<1x1x400x3xf32, #tpu.memory_space<vmem>> -> memref<400x3xf32, #tpu.memory_space<vmem>>
        %parallel_loop3A_815 = tpu.vector_load_idx %parallel_loop3A_814[%parallel_loop3A_786, %select_n3A_315] : memref<400x3xf32, #tpu.memory_space<vmem>>[vector<16xi32>, vector<16xi32>], vector<16xf32>,
        %parallel_loop3A_816 = arith.constant 0 : i32
        %parallel_loop3A_817 = arith.constant 3 : i32
        %parallel_loop3A_818 = arith.constant 0 : i32
        %parallel_loop3A_819 = arith.constant 0 : i32
        %parallel_loop3A_820 = tpu.memref_slice %arg11[%parallel_loop3A_816, %parallel_loop3A_817, %parallel_loop3A_818, %parallel_loop3A_819] : memref<2x4x400x3xf32, #tpu.memory_space<vmem>> -> memref<1x1x400x3xf32, #tpu.memory_space<vmem>>
        %parallel_loop3A_821 = tpu.memref_squeeze %parallel_loop3A_820 : memref<1x1x400x3xf32, #tpu.memory_space<vmem>> -> memref<400x3xf32, #tpu.memory_space<vmem>>
        %parallel_loop3A_822 = tpu.vector_load_idx %parallel_loop3A_821[%parallel_loop3A_786, %select_n3A_315] : memref<400x3xf32, #tpu.memory_space<vmem>>[vector<16xi32>, vector<16xi32>], vector<16xf32>,
        %parallel_loop3A_823 = arith.addf %parallel_loop3A_815, %parallel_loop3A_822 : vector<16xf32>
        %parallel_loop3A_824 = arith.mulf %parallel_loop3A_791, %parallel_loop3A_823 : vector<16xf32>
        %parallel_loop3A_825 = arith.addf %parallel_loop3A_700, %parallel_loop3A_824 : vector<16xf32>
        scf.yield %parallel_loop3A_726, %parallel_loop3A_767, %parallel_loop3A_808, %parallel_loop3A_743, %parallel_loop3A_784, %parallel_loop3A_825 : vector<16xf32>, vector<16xf32>, vector<16xf32>, vector<16xf32>, vector<16xf32>, vector<16xf32>
      } {sc.loop_unroll_factor = 4 : i64, sc.parallel_access}
      %add3A_594 = arith.constant 32 : i32
      %add3A_595 = arith.addi %add3A_514, %add3A_594 : i32
      %lt3A_596 = arith.constant 2500 : i32
      %lt3A_597 = arith.cmpi slt, %add3A_595, %lt3A_596 : i32
      %convert_element_type3A_598 = arith.extui %lt3A_597 : i1 to i32
      %cond3A_599 = arith.constant 0 : i32
      %cond3A_600 = arith.cmpi ne, %convert_element_type3A_598, %cond3A_599 : i32
      scf.if %cond3A_600 {
        %mul3A_694 = arith.constant 400 : i32
        %mul3A_695 = arith.muli %add3A_595, %mul3A_694 : i32
        %dma_start3A_696 = arith.constant 0 : i32
        %dma_start3A_697 = arith.constant 0 : i32
        %dma_start3A_698 = arith.constant 0 : i32
        %dma_start3A_699 = arith.constant 0 : i32
        %dma_start3A_700 = tpu.memref_slice %arg11[%dma_start3A_696, %dma_start3A_697, %dma_start3A_698, %dma_start3A_699] : memref<2x4x400x3xf32, #tpu.memory_space<vmem>> -> memref<1x1x400x3xf32, #tpu.memory_space<vmem>>
        %dma_start3A_701 = tpu.memref_squeeze %dma_start3A_700 : memref<1x1x400x3xf32, #tpu.memory_space<vmem>> -> memref<400x3xf32, #tpu.memory_space<vmem>>
        %dma_start3A_702 = arith.constant 0 : i32
        %dma_start3A_703 = tpu.memref_slice %arg3[%mul3A_695, %dma_start3A_702] : memref<1000000x3xf32, #tpu.memory_space<hbm>> -> memref<400x3xf32, #tpu.memory_space<hbm>>
        %dma_start3A_704 = arith.constant 0 : i32
        %dma_start3A_705 = arith.constant 0 : i32
        %dma_start3A_706 = tpu.memref_slice %arg11[%dma_start3A_696, %dma_start3A_697, %dma_start3A_704, %dma_start3A_705] : memref<2x4x400x3xf32, #tpu.memory_space<vmem>> -> memref<1x1x400x3xf32, #tpu.memory_space<vmem>>
        %dma_start3A_707 = tpu.memref_squeeze %dma_start3A_706 : memref<1x1x400x3xf32, #tpu.memory_space<vmem>> -> memref<400x3xf32, #tpu.memory_space<vmem>>
        %dma_start3A_708 = arith.constant 0 : i32
        %dma_start3A_709 = tpu.memref_slice %arg3[%mul3A_695, %dma_start3A_708] : memref<1000000x3xf32, #tpu.memory_space<hbm>> -> memref<400x3xf32, #tpu.memory_space<hbm>>
        tpu.enqueue_dma source(%dma_start3A_709 : memref<400x3xf32, #tpu.memory_space<hbm>>) target(%dma_start3A_707 : memref<400x3xf32, #tpu.memory_space<vmem>>) target_semaphore(%arg17 : memref<!tpu.dma_semaphore, #tpu.memory_space<semaphore_mem>>)
        %mul3A_710 = arith.constant 400 : i32
        %mul3A_711 = arith.muli %add3A_595, %mul3A_710 : i32
        %dma_start3A_712 = arith.constant 0 : i32
        %dma_start3A_713 = arith.constant 1 : i32
        %dma_start3A_714 = arith.constant 0 : i32
        %dma_start3A_715 = arith.constant 0 : i32
        %dma_start3A_716 = tpu.memref_slice %arg11[%dma_start3A_712, %dma_start3A_713, %dma_start3A_714, %dma_start3A_715] : memref<2x4x400x3xf32, #tpu.memory_space<vmem>> -> memref<1x1x400x3xf32, #tpu.memory_space<vmem>>
        %dma_start3A_717 = tpu.memref_squeeze %dma_start3A_716 : memref<1x1x400x3xf32, #tpu.memory_space<vmem>> -> memref<400x3xf32, #tpu.memory_space<vmem>>
        %dma_start3A_718 = arith.constant 0 : i32
        %dma_start3A_719 = tpu.memref_slice %arg4[%mul3A_711, %dma_start3A_718] : memref<1000000x3xf32, #tpu.memory_space<hbm>> -> memref<400x3xf32, #tpu.memory_space<hbm>>
        %dma_start3A_720 = arith.constant 0 : i32
        %dma_start3A_721 = arith.constant 0 : i32
        %dma_start3A_722 = tpu.memref_slice %arg11[%dma_start3A_712, %dma_start3A_713, %dma_start3A_720, %dma_start3A_721] : memref<2x4x400x3xf32, #tpu.memory_space<vmem>> -> memref<1x1x400x3xf32, #tpu.memory_space<vmem>>
        %dma_start3A_723 = tpu.memref_squeeze %dma_start3A_722 : memref<1x1x400x3xf32, #tpu.memory_space<vmem>> -> memref<400x3xf32, #tpu.memory_space<vmem>>
        %dma_start3A_724 = arith.constant 0 : i32
        %dma_start3A_725 = tpu.memref_slice %arg4[%mul3A_711, %dma_start3A_724] : memref<1000000x3xf32, #tpu.memory_space<hbm>> -> memref<400x3xf32, #tpu.memory_space<hbm>>
        tpu.enqueue_dma source(%dma_start3A_725 : memref<400x3xf32, #tpu.memory_space<hbm>>) target(%dma_start3A_723 : memref<400x3xf32, #tpu.memory_space<vmem>>) target_semaphore(%arg17 : memref<!tpu.dma_semaphore, #tpu.memory_space<semaphore_mem>>)
        %mul3A_726 = arith.constant 400 : i32
        %mul3A_727 = arith.muli %add3A_595, %mul3A_726 : i32
        %dma_start3A_728 = arith.constant 0 : i32
        %dma_start3A_729 = arith.constant 2 : i32
        %dma_start3A_730 = arith.constant 0 : i32
        %dma_start3A_731 = arith.constant 0 : i32
        %dma_start3A_732 = tpu.memref_slice %arg11[%dma_start3A_728, %dma_start3A_729, %dma_start3A_730, %dma_start3A_731] : memref<2x4x400x3xf32, #tpu.memory_space<vmem>> -> memref<1x1x400x3xf32, #tpu.memory_space<vmem>>
        %dma_start3A_733 = tpu.memref_squeeze %dma_start3A_732 : memref<1x1x400x3xf32, #tpu.memory_space<vmem>> -> memref<400x3xf32, #tpu.memory_space<vmem>>
        %dma_start3A_734 = arith.constant 0 : i32
        %dma_start3A_735 = tpu.memref_slice %arg5[%mul3A_727, %dma_start3A_734] : memref<1000000x3xf32, #tpu.memory_space<hbm>> -> memref<400x3xf32, #tpu.memory_space<hbm>>
        %dma_start3A_736 = arith.constant 0 : i32
        %dma_start3A_737 = arith.constant 0 : i32
        %dma_start3A_738 = tpu.memref_slice %arg11[%dma_start3A_728, %dma_start3A_729, %dma_start3A_736, %dma_start3A_737] : memref<2x4x400x3xf32, #tpu.memory_space<vmem>> -> memref<1x1x400x3xf32, #tpu.memory_space<vmem>>
        %dma_start3A_739 = tpu.memref_squeeze %dma_start3A_738 : memref<1x1x400x3xf32, #tpu.memory_space<vmem>> -> memref<400x3xf32, #tpu.memory_space<vmem>>
        %dma_start3A_740 = arith.constant 0 : i32
        %dma_start3A_741 = tpu.memref_slice %arg5[%mul3A_727, %dma_start3A_740] : memref<1000000x3xf32, #tpu.memory_space<hbm>> -> memref<400x3xf32, #tpu.memory_space<hbm>>
        tpu.enqueue_dma source(%dma_start3A_741 : memref<400x3xf32, #tpu.memory_space<hbm>>) target(%dma_start3A_739 : memref<400x3xf32, #tpu.memory_space<vmem>>) target_semaphore(%arg17 : memref<!tpu.dma_semaphore, #tpu.memory_space<semaphore_mem>>)
        %mul3A_742 = arith.constant 400 : i32
        %mul3A_743 = arith.muli %add3A_595, %mul3A_742 : i32
        %dma_start3A_744 = arith.constant 0 : i32
        %dma_start3A_745 = arith.constant 3 : i32
        %dma_start3A_746 = arith.constant 0 : i32
        %dma_start3A_747 = arith.constant 0 : i32
        %dma_start3A_748 = tpu.memref_slice %arg11[%dma_start3A_744, %dma_start3A_745, %dma_start3A_746, %dma_start3A_747] : memref<2x4x400x3xf32, #tpu.memory_space<vmem>> -> memref<1x1x400x3xf32, #tpu.memory_space<vmem>>
        %dma_start3A_749 = tpu.memref_squeeze %dma_start3A_748 : memref<1x1x400x3xf32, #tpu.memory_space<vmem>> -> memref<400x3xf32, #tpu.memory_space<vmem>>
        %dma_start3A_750 = arith.constant 0 : i32
        %dma_start3A_751 = tpu.memref_slice %arg6[%mul3A_743, %dma_start3A_750] : memref<1000000x3xf32, #tpu.memory_space<hbm>> -> memref<400x3xf32, #tpu.memory_space<hbm>>
        %dma_start3A_752 = arith.constant 0 : i32
        %dma_start3A_753 = arith.constant 0 : i32
        %dma_start3A_754 = tpu.memref_slice %arg11[%dma_start3A_744, %dma_start3A_745, %dma_start3A_752, %dma_start3A_753] : memref<2x4x400x3xf32, #tpu.memory_space<vmem>> -> memref<1x1x400x3xf32, #tpu.memory_space<vmem>>
        %dma_start3A_755 = tpu.memref_squeeze %dma_start3A_754 : memref<1x1x400x3xf32, #tpu.memory_space<vmem>> -> memref<400x3xf32, #tpu.memory_space<vmem>>
        %dma_start3A_756 = arith.constant 0 : i32
        %dma_start3A_757 = tpu.memref_slice %arg6[%mul3A_743, %dma_start3A_756] : memref<1000000x3xf32, #tpu.memory_space<hbm>> -> memref<400x3xf32, #tpu.memory_space<hbm>>
        tpu.enqueue_dma source(%dma_start3A_757 : memref<400x3xf32, #tpu.memory_space<hbm>>) target(%dma_start3A_755 : memref<400x3xf32, #tpu.memory_space<vmem>>) target_semaphore(%arg17 : memref<!tpu.dma_semaphore, #tpu.memory_space<semaphore_mem>>)
        %mul3A_758 = arith.constant 400 : i32
        %mul3A_759 = arith.muli %add3A_595, %mul3A_758 : i32
        %dma_start3A_760 = arith.constant 0 : i32
        %dma_start3A_761 = arith.constant 0 : i32
        %dma_start3A_762 = tpu.memref_slice %arg12[%dma_start3A_760, %dma_start3A_761] : memref<2x400xf32, #tpu.memory_space<vmem>> -> memref<1x400xf32, #tpu.memory_space<vmem>>
        %dma_start3A_763 = tpu.memref_squeeze %dma_start3A_762 : memref<1x400xf32, #tpu.memory_space<vmem>> -> memref<400xf32, #tpu.memory_space<vmem>>
        %dma_start3A_764 = tpu.memref_slice %arg14[%mul3A_759] : memref<1024000xf32, #tpu.memory_space<vmem_shared>> -> memref<400xf32, #tpu.memory_space<vmem_shared>>
        %dma_start3A_765 = arith.constant 0 : i32
        %dma_start3A_766 = tpu.memref_slice %arg12[%dma_start3A_760, %dma_start3A_765] : memref<2x400xf32, #tpu.memory_space<vmem>> -> memref<1x400xf32, #tpu.memory_space<vmem>>
        %dma_start3A_767 = tpu.memref_squeeze %dma_start3A_766 : memref<1x400xf32, #tpu.memory_space<vmem>> -> memref<400xf32, #tpu.memory_space<vmem>>
        %dma_start3A_768 = tpu.memref_slice %arg14[%mul3A_759] : memref<1024000xf32, #tpu.memory_space<vmem_shared>> -> memref<400xf32, #tpu.memory_space<vmem_shared>>
        tpu.enqueue_dma source(%dma_start3A_768 : memref<400xf32, #tpu.memory_space<vmem_shared>>) target(%dma_start3A_767 : memref<400xf32, #tpu.memory_space<vmem>>) target_semaphore(%arg18 : memref<!tpu.dma_semaphore, #tpu.memory_space<semaphore_mem>>)
      } else {
      }
      %mul3A_601 = arith.constant 2 : i32
      %mul3A_602 = arith.muli %scan3A_501, %mul3A_601 : i32
      %add3A_603 = arith.constant 1 : i32
      %add3A_604 = arith.addi %mul3A_602, %add3A_603 : i32
      %mul3A_605 = arith.constant 16 : i32
      %mul3A_606 = arith.muli %add3A_604, %mul3A_605 : i32
      %add3A_607 = arith.addi %arg1, %mul3A_606 : i32
      %dma_wait3A_608 = arith.constant 1 : i32
      %dma_wait3A_609 = arith.constant 0 : i32
      %dma_wait3A_610 = arith.constant 0 : i32
      %dma_wait3A_611 = arith.constant 0 : i32
      %dma_wait3A_612 = tpu.memref_slice %arg11[%dma_wait3A_608, %dma_wait3A_609, %dma_wait3A_610, %dma_wait3A_611] : memref<2x4x400x3xf32, #tpu.memory_space<vmem>> -> memref<1x1x400x3xf32, #tpu.memory_space<vmem>>
      %dma_wait3A_613 = tpu.memref_squeeze %dma_wait3A_612 : memref<1x1x400x3xf32, #tpu.memory_space<vmem>> -> memref<400x3xf32, #tpu.memory_space<vmem>>
      %dma_wait3A_614 = arith.constant 0 : i32
      %dma_wait3A_615 = arith.constant 0 : i32
      %dma_wait3A_616 = tpu.memref_slice %arg3[%dma_wait3A_614, %dma_wait3A_615] : memref<1000000x3xf32, #tpu.memory_space<hbm>> -> memref<400x3xf32, #tpu.memory_space<hbm>>
      %dma_wait3A_617 = arith.constant 0 : i32
      %dma_wait3A_618 = arith.constant 0 : i32
      %dma_wait3A_619 = tpu.memref_slice %arg11[%dma_wait3A_608, %dma_wait3A_609, %dma_wait3A_617, %dma_wait3A_618] : memref<2x4x400x3xf32, #tpu.memory_space<vmem>> -> memref<1x1x400x3xf32, #tpu.memory_space<vmem>>
      %dma_wait3A_620 = tpu.memref_squeeze %dma_wait3A_619 : memref<1x1x400x3xf32, #tpu.memory_space<vmem>> -> memref<400x3xf32, #tpu.memory_space<vmem>>
      %dma_wait3A_621 = arith.constant 0 : i32
      %dma_wait3A_622 = arith.constant 0 : i32
      %dma_wait3A_623 = tpu.memref_slice %arg3[%dma_wait3A_621, %dma_wait3A_622] : memref<1000000x3xf32, #tpu.memory_space<hbm>> -> memref<400x3xf32, #tpu.memory_space<hbm>>
      tpu.wait_dma2 semaphore(%arg17 : memref<!tpu.dma_semaphore, #tpu.memory_space<semaphore_mem>>) src(%dma_wait3A_623 : memref<400x3xf32, #tpu.memory_space<hbm>>) dst(%dma_wait3A_620 : memref<400x3xf32, #tpu.memory_space<vmem>>)
      %dma_wait3A_624 = arith.constant 1 : i32
      %dma_wait3A_625 = arith.constant 1 : i32
      %dma_wait3A_626 = arith.constant 0 : i32
      %dma_wait3A_627 = arith.constant 0 : i32
      %dma_wait3A_628 = tpu.memref_slice %arg11[%dma_wait3A_624, %dma_wait3A_625, %dma_wait3A_626, %dma_wait3A_627] : memref<2x4x400x3xf32, #tpu.memory_space<vmem>> -> memref<1x1x400x3xf32, #tpu.memory_space<vmem>>
      %dma_wait3A_629 = tpu.memref_squeeze %dma_wait3A_628 : memref<1x1x400x3xf32, #tpu.memory_space<vmem>> -> memref<400x3xf32, #tpu.memory_space<vmem>>
      %dma_wait3A_630 = arith.constant 0 : i32
      %dma_wait3A_631 = arith.constant 0 : i32
      %dma_wait3A_632 = tpu.memref_slice %arg3[%dma_wait3A_630, %dma_wait3A_631] : memref<1000000x3xf32, #tpu.memory_space<hbm>> -> memref<400x3xf32, #tpu.memory_space<hbm>>
      %dma_wait3A_633 = arith.constant 0 : i32
      %dma_wait3A_634 = arith.constant 0 : i32
      %dma_wait3A_635 = tpu.memref_slice %arg11[%dma_wait3A_624, %dma_wait3A_625, %dma_wait3A_633, %dma_wait3A_634] : memref<2x4x400x3xf32, #tpu.memory_space<vmem>> -> memref<1x1x400x3xf32, #tpu.memory_space<vmem>>
      %dma_wait3A_636 = tpu.memref_squeeze %dma_wait3A_635 : memref<1x1x400x3xf32, #tpu.memory_space<vmem>> -> memref<400x3xf32, #tpu.memory_space<vmem>>
      %dma_wait3A_637 = arith.constant 0 : i32
      %dma_wait3A_638 = arith.constant 0 : i32
      %dma_wait3A_639 = tpu.memref_slice %arg3[%dma_wait3A_637, %dma_wait3A_638] : memref<1000000x3xf32, #tpu.memory_space<hbm>> -> memref<400x3xf32, #tpu.memory_space<hbm>>
      tpu.wait_dma2 semaphore(%arg17 : memref<!tpu.dma_semaphore, #tpu.memory_space<semaphore_mem>>) src(%dma_wait3A_639 : memref<400x3xf32, #tpu.memory_space<hbm>>) dst(%dma_wait3A_636 : memref<400x3xf32, #tpu.memory_space<vmem>>)
      %dma_wait3A_640 = arith.constant 1 : i32
      %dma_wait3A_641 = arith.constant 2 : i32
      %dma_wait3A_642 = arith.constant 0 : i32
      %dma_wait3A_643 = arith.constant 0 : i32
      %dma_wait3A_644 = tpu.memref_slice %arg11[%dma_wait3A_640, %dma_wait3A_641, %dma_wait3A_642, %dma_wait3A_643] : memref<2x4x400x3xf32, #tpu.memory_space<vmem>> -> memref<1x1x400x3xf32, #tpu.memory_space<vmem>>
      %dma_wait3A_645 = tpu.memref_squeeze %dma_wait3A_644 : memref<1x1x400x3xf32, #tpu.memory_space<vmem>> -> memref<400x3xf32, #tpu.memory_space<vmem>>
      %dma_wait3A_646 = arith.constant 0 : i32
      %dma_wait3A_647 = arith.constant 0 : i32
      %dma_wait3A_648 = tpu.memref_slice %arg3[%dma_wait3A_646, %dma_wait3A_647] : memref<1000000x3xf32, #tpu.memory_space<hbm>> -> memref<400x3xf32, #tpu.memory_space<hbm>>
      %dma_wait3A_649 = arith.constant 0 : i32
      %dma_wait3A_650 = arith.constant 0 : i32
      %dma_wait3A_651 = tpu.memref_slice %arg11[%dma_wait3A_640, %dma_wait3A_641, %dma_wait3A_649, %dma_wait3A_650] : memref<2x4x400x3xf32, #tpu.memory_space<vmem>> -> memref<1x1x400x3xf32, #tpu.memory_space<vmem>>
      %dma_wait3A_652 = tpu.memref_squeeze %dma_wait3A_651 : memref<1x1x400x3xf32, #tpu.memory_space<vmem>> -> memref<400x3xf32, #tpu.memory_space<vmem>>
      %dma_wait3A_653 = arith.constant 0 : i32
      %dma_wait3A_654 = arith.constant 0 : i32
      %dma_wait3A_655 = tpu.memref_slice %arg3[%dma_wait3A_653, %dma_wait3A_654] : memref<1000000x3xf32, #tpu.memory_space<hbm>> -> memref<400x3xf32, #tpu.memory_space<hbm>>
      tpu.wait_dma2 semaphore(%arg17 : memref<!tpu.dma_semaphore, #tpu.memory_space<semaphore_mem>>) src(%dma_wait3A_655 : memref<400x3xf32, #tpu.memory_space<hbm>>) dst(%dma_wait3A_652 : memref<400x3xf32, #tpu.memory_space<vmem>>)
      %dma_wait3A_656 = arith.constant 1 : i32
      %dma_wait3A_657 = arith.constant 3 : i32
      %dma_wait3A_658 = arith.constant 0 : i32
      %dma_wait3A_659 = arith.constant 0 : i32
      %dma_wait3A_660 = tpu.memref_slice %arg11[%dma_wait3A_656, %dma_wait3A_657, %dma_wait3A_658, %dma_wait3A_659] : memref<2x4x400x3xf32, #tpu.memory_space<vmem>> -> memref<1x1x400x3xf32, #tpu.memory_space<vmem>>
      %dma_wait3A_661 = tpu.memref_squeeze %dma_wait3A_660 : memref<1x1x400x3xf32, #tpu.memory_space<vmem>> -> memref<400x3xf32, #tpu.memory_space<vmem>>
      %dma_wait3A_662 = arith.constant 0 : i32
      %dma_wait3A_663 = arith.constant 0 : i32
      %dma_wait3A_664 = tpu.memref_slice %arg3[%dma_wait3A_662, %dma_wait3A_663] : memref<1000000x3xf32, #tpu.memory_space<hbm>> -> memref<400x3xf32, #tpu.memory_space<hbm>>
      %dma_wait3A_665 = arith.constant 0 : i32
      %dma_wait3A_666 = arith.constant 0 : i32
      %dma_wait3A_667 = tpu.memref_slice %arg11[%dma_wait3A_656, %dma_wait3A_657, %dma_wait3A_665, %dma_wait3A_666] : memref<2x4x400x3xf32, #tpu.memory_space<vmem>> -> memref<1x1x400x3xf32, #tpu.memory_space<vmem>>
      %dma_wait3A_668 = tpu.memref_squeeze %dma_wait3A_667 : memref<1x1x400x3xf32, #tpu.memory_space<vmem>> -> memref<400x3xf32, #tpu.memory_space<vmem>>
      %dma_wait3A_669 = arith.constant 0 : i32
      %dma_wait3A_670 = arith.constant 0 : i32
      %dma_wait3A_671 = tpu.memref_slice %arg3[%dma_wait3A_669, %dma_wait3A_670] : memref<1000000x3xf32, #tpu.memory_space<hbm>> -> memref<400x3xf32, #tpu.memory_space<hbm>>
      tpu.wait_dma2 semaphore(%arg17 : memref<!tpu.dma_semaphore, #tpu.memory_space<semaphore_mem>>) src(%dma_wait3A_671 : memref<400x3xf32, #tpu.memory_space<hbm>>) dst(%dma_wait3A_668 : memref<400x3xf32, #tpu.memory_space<vmem>>)
      %dma_wait3A_672 = arith.constant 1 : i32
      %dma_wait3A_673 = arith.constant 0 : i32
      %dma_wait3A_674 = tpu.memref_slice %arg12[%dma_wait3A_672, %dma_wait3A_673] : memref<2x400xf32, #tpu.memory_space<vmem>> -> memref<1x400xf32, #tpu.memory_space<vmem>>
      %dma_wait3A_675 = tpu.memref_squeeze %dma_wait3A_674 : memref<1x400xf32, #tpu.memory_space<vmem>> -> memref<400xf32, #tpu.memory_space<vmem>>
      %dma_wait3A_676 = arith.constant 0 : i32
      %dma_wait3A_677 = tpu.memref_slice %arg14[%dma_wait3A_676] : memref<1024000xf32, #tpu.memory_space<vmem_shared>> -> memref<400xf32, #tpu.memory_space<vmem_shared>>
      %dma_wait3A_678 = arith.constant 0 : i32
      %dma_wait3A_679 = tpu.memref_slice %arg12[%dma_wait3A_672, %dma_wait3A_678] : memref<2x400xf32, #tpu.memory_space<vmem>> -> memref<1x400xf32, #tpu.memory_space<vmem>>
      %dma_wait3A_680 = tpu.memref_squeeze %dma_wait3A_679 : memref<1x400xf32, #tpu.memory_space<vmem>> -> memref<400xf32, #tpu.memory_space<vmem>>
      %dma_wait3A_681 = arith.constant 0 : i32
      %dma_wait3A_682 = tpu.memref_slice %arg14[%dma_wait3A_681] : memref<1024000xf32, #tpu.memory_space<vmem_shared>> -> memref<400xf32, #tpu.memory_space<vmem_shared>>
      tpu.wait_dma2 semaphore(%arg18 : memref<!tpu.dma_semaphore, #tpu.memory_space<semaphore_mem>>) src(%dma_wait3A_682 : memref<400xf32, #tpu.memory_space<vmem_shared>>) dst(%dma_wait3A_680 : memref<400xf32, #tpu.memory_space<vmem>>)
      %parallel_loop3A_683 = arith.constant 0 : i32
      %parallel_loop3A_684 = arith.constant 25 : i32
      %parallel_loop3A_685 = arith.constant 1 : i32
      %parallel_loop3A_686:6 = scf.for %parallel_loop3A_694 = %parallel_loop3A_683 to %parallel_loop3A_684 step %parallel_loop3A_685 iter_args(%parallel_loop3A_695 = %parallel_loop3A_593#0, %parallel_loop3A_696 = %parallel_loop3A_593#1, %parallel_loop3A_697 = %parallel_loop3A_593#2, %parallel_loop3A_698 = %parallel_loop3A_593#3, %parallel_loop3A_699 = %parallel_loop3A_593#4, %parallel_loop3A_700 = %parallel_loop3A_593#5) -> (vector<16xf32>, vector<16xf32>, vector<16xf32>, vector<16xf32>, vector<16xf32>, vector<16xf32>)  : i32 {
        %parallel_loop3A_701 = arith.constant 16 : i32
        %parallel_loop3A_702 = arith.muli %parallel_loop3A_694, %parallel_loop3A_701 : i32
        %parallel_loop3A_703 = vector.broadcast %parallel_loop3A_702 : i32 to vector<16xi32>
        %parallel_loop3A_704 = arith.addi %select_n3A, %parallel_loop3A_703 : vector<16xi32>
        %parallel_loop3A_705 = arith.constant 1 : i32
        %parallel_loop3A_706 = arith.constant 0 : i32
        %parallel_loop3A_707 = tpu.memref_slice %arg12[%parallel_loop3A_705, %parallel_loop3A_706] : memref<2x400xf32, #tpu.memory_space<vmem>> -> memref<1x400xf32, #tpu.memory_space<vmem>>
        %parallel_loop3A_708 = tpu.memref_squeeze %parallel_loop3A_707 : memref<1x400xf32, #tpu.memory_space<vmem>> -> memref<400xf32, #tpu.memory_space<vmem>>
        %parallel_loop3A_709 = tpu.vector_load_idx %parallel_loop3A_708[%parallel_loop3A_704] : memref<400xf32, #tpu.memory_space<vmem>>[vector<16xi32>], vector<16xf32>,
        %parallel_loop3A_710 = arith.constant 1 : i32
        %parallel_loop3A_711 = arith.constant 0 : i32
        %parallel_loop3A_712 = arith.constant 0 : i32
        %parallel_loop3A_713 = arith.constant 0 : i32
        %parallel_loop3A_714 = tpu.memref_slice %arg11[%parallel_loop3A_710, %parallel_loop3A_711, %parallel_loop3A_712, %parallel_loop3A_713] : memref<2x4x400x3xf32, #tpu.memory_space<vmem>> -> memref<1x1x400x3xf32, #tpu.memory_space<vmem>>
        %parallel_loop3A_715 = tpu.memref_squeeze %parallel_loop3A_714 : memref<1x1x400x3xf32, #tpu.memory_space<vmem>> -> memref<400x3xf32, #tpu.memory_space<vmem>>
        %parallel_loop3A_716 = tpu.vector_load_idx %parallel_loop3A_715[%parallel_loop3A_704, %select_n3A_265] : memref<400x3xf32, #tpu.memory_space<vmem>>[vector<16xi32>, vector<16xi32>], vector<16xf32>,
        %parallel_loop3A_717 = arith.constant 1 : i32
        %parallel_loop3A_718 = arith.constant 2 : i32
        %parallel_loop3A_719 = arith.constant 0 : i32
        %parallel_loop3A_720 = arith.constant 0 : i32
        %parallel_loop3A_721 = tpu.memref_slice %arg11[%parallel_loop3A_717, %parallel_loop3A_718, %parallel_loop3A_719, %parallel_loop3A_720] : memref<2x4x400x3xf32, #tpu.memory_space<vmem>> -> memref<1x1x400x3xf32, #tpu.memory_space<vmem>>
        %parallel_loop3A_722 = tpu.memref_squeeze %parallel_loop3A_721 : memref<1x1x400x3xf32, #tpu.memory_space<vmem>> -> memref<400x3xf32, #tpu.memory_space<vmem>>
        %parallel_loop3A_723 = tpu.vector_load_idx %parallel_loop3A_722[%parallel_loop3A_704, %select_n3A_265] : memref<400x3xf32, #tpu.memory_space<vmem>>[vector<16xi32>, vector<16xi32>], vector<16xf32>,
        %parallel_loop3A_724 = arith.addf %parallel_loop3A_716, %parallel_loop3A_723 : vector<16xf32>
        %parallel_loop3A_725 = arith.mulf %parallel_loop3A_709, %parallel_loop3A_724 : vector<16xf32>
        %parallel_loop3A_726 = arith.addf %parallel_loop3A_695, %parallel_loop3A_725 : vector<16xf32>
        %parallel_loop3A_727 = arith.constant 1 : i32
        %parallel_loop3A_728 = arith.constant 1 : i32
        %parallel_loop3A_729 = arith.constant 0 : i32
        %parallel_loop3A_730 = arith.constant 0 : i32
        %parallel_loop3A_731 = tpu.memref_slice %arg11[%parallel_loop3A_727, %parallel_loop3A_728, %parallel_loop3A_729, %parallel_loop3A_730] : memref<2x4x400x3xf32, #tpu.memory_space<vmem>> -> memref<1x1x400x3xf32, #tpu.memory_space<vmem>>
        %parallel_loop3A_732 = tpu.memref_squeeze %parallel_loop3A_731 : memref<1x1x400x3xf32, #tpu.memory_space<vmem>> -> memref<400x3xf32, #tpu.memory_space<vmem>>
        %parallel_loop3A_733 = tpu.vector_load_idx %parallel_loop3A_732[%parallel_loop3A_704, %select_n3A_265] : memref<400x3xf32, #tpu.memory_space<vmem>>[vector<16xi32>, vector<16xi32>], vector<16xf32>,
        %parallel_loop3A_734 = arith.constant 1 : i32
        %parallel_loop3A_735 = arith.constant 3 : i32
        %parallel_loop3A_736 = arith.constant 0 : i32
        %parallel_loop3A_737 = arith.constant 0 : i32
        %parallel_loop3A_738 = tpu.memref_slice %arg11[%parallel_loop3A_734, %parallel_loop3A_735, %parallel_loop3A_736, %parallel_loop3A_737] : memref<2x4x400x3xf32, #tpu.memory_space<vmem>> -> memref<1x1x400x3xf32, #tpu.memory_space<vmem>>
        %parallel_loop3A_739 = tpu.memref_squeeze %parallel_loop3A_738 : memref<1x1x400x3xf32, #tpu.memory_space<vmem>> -> memref<400x3xf32, #tpu.memory_space<vmem>>
        %parallel_loop3A_740 = tpu.vector_load_idx %parallel_loop3A_739[%parallel_loop3A_704, %select_n3A_265] : memref<400x3xf32, #tpu.memory_space<vmem>>[vector<16xi32>, vector<16xi32>], vector<16xf32>,
        %parallel_loop3A_741 = arith.addf %parallel_loop3A_733, %parallel_loop3A_740 : vector<16xf32>
        %parallel_loop3A_742 = arith.mulf %parallel_loop3A_709, %parallel_loop3A_741 : vector<16xf32>
        %parallel_loop3A_743 = arith.addf %parallel_loop3A_698, %parallel_loop3A_742 : vector<16xf32>
        %parallel_loop3A_744 = vector.broadcast %parallel_loop3A_702 : i32 to vector<16xi32>
        %parallel_loop3A_745 = arith.addi %select_n3A_208, %parallel_loop3A_744 : vector<16xi32>
        %parallel_loop3A_746 = arith.constant 1 : i32
        %parallel_loop3A_747 = arith.constant 0 : i32
        %parallel_loop3A_748 = tpu.memref_slice %arg12[%parallel_loop3A_746, %parallel_loop3A_747] : memref<2x400xf32, #tpu.memory_space<vmem>> -> memref<1x400xf32, #tpu.memory_space<vmem>>
        %parallel_loop3A_749 = tpu.memref_squeeze %parallel_loop3A_748 : memref<1x400xf32, #tpu.memory_space<vmem>> -> memref<400xf32, #tpu.memory_space<vmem>>
        %parallel_loop3A_750 = tpu.vector_load_idx %parallel_loop3A_749[%parallel_loop3A_745] : memref<400xf32, #tpu.memory_space<vmem>>[vector<16xi32>], vector<16xf32>,
        %parallel_loop3A_751 = arith.constant 1 : i32
        %parallel_loop3A_752 = arith.constant 0 : i32
        %parallel_loop3A_753 = arith.constant 0 : i32
        %parallel_loop3A_754 = arith.constant 0 : i32
        %parallel_loop3A_755 = tpu.memref_slice %arg11[%parallel_loop3A_751, %parallel_loop3A_752, %parallel_loop3A_753, %parallel_loop3A_754] : memref<2x4x400x3xf32, #tpu.memory_space<vmem>> -> memref<1x1x400x3xf32, #tpu.memory_space<vmem>>
        %parallel_loop3A_756 = tpu.memref_squeeze %parallel_loop3A_755 : memref<1x1x400x3xf32, #tpu.memory_space<vmem>> -> memref<400x3xf32, #tpu.memory_space<vmem>>
        %parallel_loop3A_757 = tpu.vector_load_idx %parallel_loop3A_756[%parallel_loop3A_745, %select_n3A_290] : memref<400x3xf32, #tpu.memory_space<vmem>>[vector<16xi32>, vector<16xi32>], vector<16xf32>,
        %parallel_loop3A_758 = arith.constant 1 : i32
        %parallel_loop3A_759 = arith.constant 2 : i32
        %parallel_loop3A_760 = arith.constant 0 : i32
        %parallel_loop3A_761 = arith.constant 0 : i32
        %parallel_loop3A_762 = tpu.memref_slice %arg11[%parallel_loop3A_758, %parallel_loop3A_759, %parallel_loop3A_760, %parallel_loop3A_761] : memref<2x4x400x3xf32, #tpu.memory_space<vmem>> -> memref<1x1x400x3xf32, #tpu.memory_space<vmem>>
        %parallel_loop3A_763 = tpu.memref_squeeze %parallel_loop3A_762 : memref<1x1x400x3xf32, #tpu.memory_space<vmem>> -> memref<400x3xf32, #tpu.memory_space<vmem>>
        %parallel_loop3A_764 = tpu.vector_load_idx %parallel_loop3A_763[%parallel_loop3A_745, %select_n3A_290] : memref<400x3xf32, #tpu.memory_space<vmem>>[vector<16xi32>, vector<16xi32>], vector<16xf32>,
        %parallel_loop3A_765 = arith.addf %parallel_loop3A_757, %parallel_loop3A_764 : vector<16xf32>
        %parallel_loop3A_766 = arith.mulf %parallel_loop3A_750, %parallel_loop3A_765 : vector<16xf32>
        %parallel_loop3A_767 = arith.addf %parallel_loop3A_696, %parallel_loop3A_766 : vector<16xf32>
        %parallel_loop3A_768 = arith.constant 1 : i32
        %parallel_loop3A_769 = arith.constant 1 : i32
        %parallel_loop3A_770 = arith.constant 0 : i32
        %parallel_loop3A_771 = arith.constant 0 : i32
        %parallel_loop3A_772 = tpu.memref_slice %arg11[%parallel_loop3A_768, %parallel_loop3A_769, %parallel_loop3A_770, %parallel_loop3A_771] : memref<2x4x400x3xf32, #tpu.memory_space<vmem>> -> memref<1x1x400x3xf32, #tpu.memory_space<vmem>>
        %parallel_loop3A_773 = tpu.memref_squeeze %parallel_loop3A_772 : memref<1x1x400x3xf32, #tpu.memory_space<vmem>> -> memref<400x3xf32, #tpu.memory_space<vmem>>
        %parallel_loop3A_774 = tpu.vector_load_idx %parallel_loop3A_773[%parallel_loop3A_745, %select_n3A_290] : memref<400x3xf32, #tpu.memory_space<vmem>>[vector<16xi32>, vector<16xi32>], vector<16xf32>,
        %parallel_loop3A_775 = arith.constant 1 : i32
        %parallel_loop3A_776 = arith.constant 3 : i32
        %parallel_loop3A_777 = arith.constant 0 : i32
        %parallel_loop3A_778 = arith.constant 0 : i32
        %parallel_loop3A_779 = tpu.memref_slice %arg11[%parallel_loop3A_775, %parallel_loop3A_776, %parallel_loop3A_777, %parallel_loop3A_778] : memref<2x4x400x3xf32, #tpu.memory_space<vmem>> -> memref<1x1x400x3xf32, #tpu.memory_space<vmem>>
        %parallel_loop3A_780 = tpu.memref_squeeze %parallel_loop3A_779 : memref<1x1x400x3xf32, #tpu.memory_space<vmem>> -> memref<400x3xf32, #tpu.memory_space<vmem>>
        %parallel_loop3A_781 = tpu.vector_load_idx %parallel_loop3A_780[%parallel_loop3A_745, %select_n3A_290] : memref<400x3xf32, #tpu.memory_space<vmem>>[vector<16xi32>, vector<16xi32>], vector<16xf32>,
        %parallel_loop3A_782 = arith.addf %parallel_loop3A_774, %parallel_loop3A_781 : vector<16xf32>
        %parallel_loop3A_783 = arith.mulf %parallel_loop3A_750, %parallel_loop3A_782 : vector<16xf32>
        %parallel_loop3A_784 = arith.addf %parallel_loop3A_699, %parallel_loop3A_783 : vector<16xf32>
        %parallel_loop3A_785 = vector.broadcast %parallel_loop3A_702 : i32 to vector<16xi32>
        %parallel_loop3A_786 = arith.addi %select_n3A_242, %parallel_loop3A_785 : vector<16xi32>
        %parallel_loop3A_787 = arith.constant 1 : i32
        %parallel_loop3A_788 = arith.constant 0 : i32
        %parallel_loop3A_789 = tpu.memref_slice %arg12[%parallel_loop3A_787, %parallel_loop3A_788] : memref<2x400xf32, #tpu.memory_space<vmem>> -> memref<1x400xf32, #tpu.memory_space<vmem>>
        %parallel_loop3A_790 = tpu.memref_squeeze %parallel_loop3A_789 : memref<1x400xf32, #tpu.memory_space<vmem>> -> memref<400xf32, #tpu.memory_space<vmem>>
        %parallel_loop3A_791 = tpu.vector_load_idx %parallel_loop3A_790[%parallel_loop3A_786] : memref<400xf32, #tpu.memory_space<vmem>>[vector<16xi32>], vector<16xf32>,
        %parallel_loop3A_792 = arith.constant 1 : i32
        %parallel_loop3A_793 = arith.constant 0 : i32
        %parallel_loop3A_794 = arith.constant 0 : i32
        %parallel_loop3A_795 = arith.constant 0 : i32
        %parallel_loop3A_796 = tpu.memref_slice %arg11[%parallel_loop3A_792, %parallel_loop3A_793, %parallel_loop3A_794, %parallel_loop3A_795] : memref<2x4x400x3xf32, #tpu.memory_space<vmem>> -> memref<1x1x400x3xf32, #tpu.memory_space<vmem>>
        %parallel_loop3A_797 = tpu.memref_squeeze %parallel_loop3A_796 : memref<1x1x400x3xf32, #tpu.memory_space<vmem>> -> memref<400x3xf32, #tpu.memory_space<vmem>>
        %parallel_loop3A_798 = tpu.vector_load_idx %parallel_loop3A_797[%parallel_loop3A_786, %select_n3A_315] : memref<400x3xf32, #tpu.memory_space<vmem>>[vector<16xi32>, vector<16xi32>], vector<16xf32>,
        %parallel_loop3A_799 = arith.constant 1 : i32
        %parallel_loop3A_800 = arith.constant 2 : i32
        %parallel_loop3A_801 = arith.constant 0 : i32
        %parallel_loop3A_802 = arith.constant 0 : i32
        %parallel_loop3A_803 = tpu.memref_slice %arg11[%parallel_loop3A_799, %parallel_loop3A_800, %parallel_loop3A_801, %parallel_loop3A_802] : memref<2x4x400x3xf32, #tpu.memory_space<vmem>> -> memref<1x1x400x3xf32, #tpu.memory_space<vmem>>
        %parallel_loop3A_804 = tpu.memref_squeeze %parallel_loop3A_803 : memref<1x1x400x3xf32, #tpu.memory_space<vmem>> -> memref<400x3xf32, #tpu.memory_space<vmem>>
        %parallel_loop3A_805 = tpu.vector_load_idx %parallel_loop3A_804[%parallel_loop3A_786, %select_n3A_315] : memref<400x3xf32, #tpu.memory_space<vmem>>[vector<16xi32>, vector<16xi32>], vector<16xf32>,
        %parallel_loop3A_806 = arith.addf %parallel_loop3A_798, %parallel_loop3A_805 : vector<16xf32>
        %parallel_loop3A_807 = arith.mulf %parallel_loop3A_791, %parallel_loop3A_806 : vector<16xf32>
        %parallel_loop3A_808 = arith.addf %parallel_loop3A_697, %parallel_loop3A_807 : vector<16xf32>
        %parallel_loop3A_809 = arith.constant 1 : i32
        %parallel_loop3A_810 = arith.constant 1 : i32
        %parallel_loop3A_811 = arith.constant 0 : i32
        %parallel_loop3A_812 = arith.constant 0 : i32
        %parallel_loop3A_813 = tpu.memref_slice %arg11[%parallel_loop3A_809, %parallel_loop3A_810, %parallel_loop3A_811, %parallel_loop3A_812] : memref<2x4x400x3xf32, #tpu.memory_space<vmem>> -> memref<1x1x400x3xf32, #tpu.memory_space<vmem>>
        %parallel_loop3A_814 = tpu.memref_squeeze %parallel_loop3A_813 : memref<1x1x400x3xf32, #tpu.memory_space<vmem>> -> memref<400x3xf32, #tpu.memory_space<vmem>>
        %parallel_loop3A_815 = tpu.vector_load_idx %parallel_loop3A_814[%parallel_loop3A_786, %select_n3A_315] : memref<400x3xf32, #tpu.memory_space<vmem>>[vector<16xi32>, vector<16xi32>], vector<16xf32>,
        %parallel_loop3A_816 = arith.constant 1 : i32
        %parallel_loop3A_817 = arith.constant 3 : i32
        %parallel_loop3A_818 = arith.constant 0 : i32
        %parallel_loop3A_819 = arith.constant 0 : i32
        %parallel_loop3A_820 = tpu.memref_slice %arg11[%parallel_loop3A_816, %parallel_loop3A_817, %parallel_loop3A_818, %parallel_loop3A_819] : memref<2x4x400x3xf32, #tpu.memory_space<vmem>> -> memref<1x1x400x3xf32, #tpu.memory_space<vmem>>
        %parallel_loop3A_821 = tpu.memref_squeeze %parallel_loop3A_820 : memref<1x1x400x3xf32, #tpu.memory_space<vmem>> -> memref<400x3xf32, #tpu.memory_space<vmem>>
        %parallel_loop3A_822 = tpu.vector_load_idx %parallel_loop3A_821[%parallel_loop3A_786, %select_n3A_315] : memref<400x3xf32, #tpu.memory_space<vmem>>[vector<16xi32>, vector<16xi32>], vector<16xf32>,
        %parallel_loop3A_823 = arith.addf %parallel_loop3A_815, %parallel_loop3A_822 : vector<16xf32>
        %parallel_loop3A_824 = arith.mulf %parallel_loop3A_791, %parallel_loop3A_823 : vector<16xf32>
        %parallel_loop3A_825 = arith.addf %parallel_loop3A_700, %parallel_loop3A_824 : vector<16xf32>
        scf.yield %parallel_loop3A_726, %parallel_loop3A_767, %parallel_loop3A_808, %parallel_loop3A_743, %parallel_loop3A_784, %parallel_loop3A_825 : vector<16xf32>, vector<16xf32>, vector<16xf32>, vector<16xf32>, vector<16xf32>, vector<16xf32>
      } {sc.loop_unroll_factor = 4 : i64, sc.parallel_access}
      %add3A_687 = arith.constant 32 : i32
      %add3A_688 = arith.addi %add3A_607, %add3A_687 : i32
      %lt3A_689 = arith.constant 2500 : i32
      %lt3A_690 = arith.cmpi slt, %add3A_688, %lt3A_689 : i32
      %convert_element_type3A_691 = arith.extui %lt3A_690 : i1 to i32
      %cond3A_692 = arith.constant 0 : i32
      %cond3A_693 = arith.cmpi ne, %convert_element_type3A_691, %cond3A_692 : i32
      scf.if %cond3A_693 {
        %mul3A_694 = arith.constant 400 : i32
        %mul3A_695 = arith.muli %add3A_688, %mul3A_694 : i32
        %dma_start3A_696 = arith.constant 1 : i32
        %dma_start3A_697 = arith.constant 0 : i32
        %dma_start3A_698 = arith.constant 0 : i32
        %dma_start3A_699 = arith.constant 0 : i32
        %dma_start3A_700 = tpu.memref_slice %arg11[%dma_start3A_696, %dma_start3A_697, %dma_start3A_698, %dma_start3A_699] : memref<2x4x400x3xf32, #tpu.memory_space<vmem>> -> memref<1x1x400x3xf32, #tpu.memory_space<vmem>>
        %dma_start3A_701 = tpu.memref_squeeze %dma_start3A_700 : memref<1x1x400x3xf32, #tpu.memory_space<vmem>> -> memref<400x3xf32, #tpu.memory_space<vmem>>
        %dma_start3A_702 = arith.constant 0 : i32
        %dma_start3A_703 = tpu.memref_slice %arg3[%mul3A_695, %dma_start3A_702] : memref<1000000x3xf32, #tpu.memory_space<hbm>> -> memref<400x3xf32, #tpu.memory_space<hbm>>
        %dma_start3A_704 = arith.constant 0 : i32
        %dma_start3A_705 = arith.constant 0 : i32
        %dma_start3A_706 = tpu.memref_slice %arg11[%dma_start3A_696, %dma_start3A_697, %dma_start3A_704, %dma_start3A_705] : memref<2x4x400x3xf32, #tpu.memory_space<vmem>> -> memref<1x1x400x3xf32, #tpu.memory_space<vmem>>
        %dma_start3A_707 = tpu.memref_squeeze %dma_start3A_706 : memref<1x1x400x3xf32, #tpu.memory_space<vmem>> -> memref<400x3xf32, #tpu.memory_space<vmem>>
        %dma_start3A_708 = arith.constant 0 : i32
        %dma_start3A_709 = tpu.memref_slice %arg3[%mul3A_695, %dma_start3A_708] : memref<1000000x3xf32, #tpu.memory_space<hbm>> -> memref<400x3xf32, #tpu.memory_space<hbm>>
        tpu.enqueue_dma source(%dma_start3A_709 : memref<400x3xf32, #tpu.memory_space<hbm>>) target(%dma_start3A_707 : memref<400x3xf32, #tpu.memory_space<vmem>>) target_semaphore(%arg17 : memref<!tpu.dma_semaphore, #tpu.memory_space<semaphore_mem>>)
        %mul3A_710 = arith.constant 400 : i32
        %mul3A_711 = arith.muli %add3A_688, %mul3A_710 : i32
        %dma_start3A_712 = arith.constant 1 : i32
        %dma_start3A_713 = arith.constant 1 : i32
        %dma_start3A_714 = arith.constant 0 : i32
        %dma_start3A_715 = arith.constant 0 : i32
        %dma_start3A_716 = tpu.memref_slice %arg11[%dma_start3A_712, %dma_start3A_713, %dma_start3A_714, %dma_start3A_715] : memref<2x4x400x3xf32, #tpu.memory_space<vmem>> -> memref<1x1x400x3xf32, #tpu.memory_space<vmem>>
        %dma_start3A_717 = tpu.memref_squeeze %dma_start3A_716 : memref<1x1x400x3xf32, #tpu.memory_space<vmem>> -> memref<400x3xf32, #tpu.memory_space<vmem>>
        %dma_start3A_718 = arith.constant 0 : i32
        %dma_start3A_719 = tpu.memref_slice %arg4[%mul3A_711, %dma_start3A_718] : memref<1000000x3xf32, #tpu.memory_space<hbm>> -> memref<400x3xf32, #tpu.memory_space<hbm>>
        %dma_start3A_720 = arith.constant 0 : i32
        %dma_start3A_721 = arith.constant 0 : i32
        %dma_start3A_722 = tpu.memref_slice %arg11[%dma_start3A_712, %dma_start3A_713, %dma_start3A_720, %dma_start3A_721] : memref<2x4x400x3xf32, #tpu.memory_space<vmem>> -> memref<1x1x400x3xf32, #tpu.memory_space<vmem>>
        %dma_start3A_723 = tpu.memref_squeeze %dma_start3A_722 : memref<1x1x400x3xf32, #tpu.memory_space<vmem>> -> memref<400x3xf32, #tpu.memory_space<vmem>>
        %dma_start3A_724 = arith.constant 0 : i32
        %dma_start3A_725 = tpu.memref_slice %arg4[%mul3A_711, %dma_start3A_724] : memref<1000000x3xf32, #tpu.memory_space<hbm>> -> memref<400x3xf32, #tpu.memory_space<hbm>>
        tpu.enqueue_dma source(%dma_start3A_725 : memref<400x3xf32, #tpu.memory_space<hbm>>) target(%dma_start3A_723 : memref<400x3xf32, #tpu.memory_space<vmem>>) target_semaphore(%arg17 : memref<!tpu.dma_semaphore, #tpu.memory_space<semaphore_mem>>)
        %mul3A_726 = arith.constant 400 : i32
        %mul3A_727 = arith.muli %add3A_688, %mul3A_726 : i32
        %dma_start3A_728 = arith.constant 1 : i32
        %dma_start3A_729 = arith.constant 2 : i32
        %dma_start3A_730 = arith.constant 0 : i32
        %dma_start3A_731 = arith.constant 0 : i32
        %dma_start3A_732 = tpu.memref_slice %arg11[%dma_start3A_728, %dma_start3A_729, %dma_start3A_730, %dma_start3A_731] : memref<2x4x400x3xf32, #tpu.memory_space<vmem>> -> memref<1x1x400x3xf32, #tpu.memory_space<vmem>>
        %dma_start3A_733 = tpu.memref_squeeze %dma_start3A_732 : memref<1x1x400x3xf32, #tpu.memory_space<vmem>> -> memref<400x3xf32, #tpu.memory_space<vmem>>
        %dma_start3A_734 = arith.constant 0 : i32
        %dma_start3A_735 = tpu.memref_slice %arg5[%mul3A_727, %dma_start3A_734] : memref<1000000x3xf32, #tpu.memory_space<hbm>> -> memref<400x3xf32, #tpu.memory_space<hbm>>
        %dma_start3A_736 = arith.constant 0 : i32
        %dma_start3A_737 = arith.constant 0 : i32
        %dma_start3A_738 = tpu.memref_slice %arg11[%dma_start3A_728, %dma_start3A_729, %dma_start3A_736, %dma_start3A_737] : memref<2x4x400x3xf32, #tpu.memory_space<vmem>> -> memref<1x1x400x3xf32, #tpu.memory_space<vmem>>
        %dma_start3A_739 = tpu.memref_squeeze %dma_start3A_738 : memref<1x1x400x3xf32, #tpu.memory_space<vmem>> -> memref<400x3xf32, #tpu.memory_space<vmem>>
        %dma_start3A_740 = arith.constant 0 : i32
        %dma_start3A_741 = tpu.memref_slice %arg5[%mul3A_727, %dma_start3A_740] : memref<1000000x3xf32, #tpu.memory_space<hbm>> -> memref<400x3xf32, #tpu.memory_space<hbm>>
        tpu.enqueue_dma source(%dma_start3A_741 : memref<400x3xf32, #tpu.memory_space<hbm>>) target(%dma_start3A_739 : memref<400x3xf32, #tpu.memory_space<vmem>>) target_semaphore(%arg17 : memref<!tpu.dma_semaphore, #tpu.memory_space<semaphore_mem>>)
        %mul3A_742 = arith.constant 400 : i32
        %mul3A_743 = arith.muli %add3A_688, %mul3A_742 : i32
        %dma_start3A_744 = arith.constant 1 : i32
        %dma_start3A_745 = arith.constant 3 : i32
        %dma_start3A_746 = arith.constant 0 : i32
        %dma_start3A_747 = arith.constant 0 : i32
        %dma_start3A_748 = tpu.memref_slice %arg11[%dma_start3A_744, %dma_start3A_745, %dma_start3A_746, %dma_start3A_747] : memref<2x4x400x3xf32, #tpu.memory_space<vmem>> -> memref<1x1x400x3xf32, #tpu.memory_space<vmem>>
        %dma_start3A_749 = tpu.memref_squeeze %dma_start3A_748 : memref<1x1x400x3xf32, #tpu.memory_space<vmem>> -> memref<400x3xf32, #tpu.memory_space<vmem>>
        %dma_start3A_750 = arith.constant 0 : i32
        %dma_start3A_751 = tpu.memref_slice %arg6[%mul3A_743, %dma_start3A_750] : memref<1000000x3xf32, #tpu.memory_space<hbm>> -> memref<400x3xf32, #tpu.memory_space<hbm>>
        %dma_start3A_752 = arith.constant 0 : i32
        %dma_start3A_753 = arith.constant 0 : i32
        %dma_start3A_754 = tpu.memref_slice %arg11[%dma_start3A_744, %dma_start3A_745, %dma_start3A_752, %dma_start3A_753] : memref<2x4x400x3xf32, #tpu.memory_space<vmem>> -> memref<1x1x400x3xf32, #tpu.memory_space<vmem>>
        %dma_start3A_755 = tpu.memref_squeeze %dma_start3A_754 : memref<1x1x400x3xf32, #tpu.memory_space<vmem>> -> memref<400x3xf32, #tpu.memory_space<vmem>>
        %dma_start3A_756 = arith.constant 0 : i32
        %dma_start3A_757 = tpu.memref_slice %arg6[%mul3A_743, %dma_start3A_756] : memref<1000000x3xf32, #tpu.memory_space<hbm>> -> memref<400x3xf32, #tpu.memory_space<hbm>>
        tpu.enqueue_dma source(%dma_start3A_757 : memref<400x3xf32, #tpu.memory_space<hbm>>) target(%dma_start3A_755 : memref<400x3xf32, #tpu.memory_space<vmem>>) target_semaphore(%arg17 : memref<!tpu.dma_semaphore, #tpu.memory_space<semaphore_mem>>)
        %mul3A_758 = arith.constant 400 : i32
        %mul3A_759 = arith.muli %add3A_688, %mul3A_758 : i32
        %dma_start3A_760 = arith.constant 1 : i32
        %dma_start3A_761 = arith.constant 0 : i32
        %dma_start3A_762 = tpu.memref_slice %arg12[%dma_start3A_760, %dma_start3A_761] : memref<2x400xf32, #tpu.memory_space<vmem>> -> memref<1x400xf32, #tpu.memory_space<vmem>>
        %dma_start3A_763 = tpu.memref_squeeze %dma_start3A_762 : memref<1x400xf32, #tpu.memory_space<vmem>> -> memref<400xf32, #tpu.memory_space<vmem>>
        %dma_start3A_764 = tpu.memref_slice %arg14[%mul3A_759] : memref<1024000xf32, #tpu.memory_space<vmem_shared>> -> memref<400xf32, #tpu.memory_space<vmem_shared>>
        %dma_start3A_765 = arith.constant 0 : i32
        %dma_start3A_766 = tpu.memref_slice %arg12[%dma_start3A_760, %dma_start3A_765] : memref<2x400xf32, #tpu.memory_space<vmem>> -> memref<1x400xf32, #tpu.memory_space<vmem>>
        %dma_start3A_767 = tpu.memref_squeeze %dma_start3A_766 : memref<1x400xf32, #tpu.memory_space<vmem>> -> memref<400xf32, #tpu.memory_space<vmem>>
        %dma_start3A_768 = tpu.memref_slice %arg14[%mul3A_759] : memref<1024000xf32, #tpu.memory_space<vmem_shared>> -> memref<400xf32, #tpu.memory_space<vmem_shared>>
        tpu.enqueue_dma source(%dma_start3A_768 : memref<400xf32, #tpu.memory_space<vmem_shared>>) target(%dma_start3A_767 : memref<400xf32, #tpu.memory_space<vmem>>) target_semaphore(%arg18 : memref<!tpu.dma_semaphore, #tpu.memory_space<semaphore_mem>>)
      } else {
      }
      scf.yield %parallel_loop3A_686#0, %parallel_loop3A_686#1, %parallel_loop3A_686#2, %parallel_loop3A_686#3, %parallel_loop3A_686#4, %parallel_loop3A_686#5 : vector<16xf32>, vector<16xf32>, vector<16xf32>, vector<16xf32>, vector<16xf32>, vector<16xf32>
    }
    %scan3A_475 = arith.constant 78 : i32
    %add3A_476 = arith.constant 2496 : i32
    %add3A_477 = arith.addi %arg1, %add3A_476 : i32
    %lt3A_478 = arith.constant 2500 : i32
    %lt3A_479 = arith.cmpi slt, %add3A_477, %lt3A_478 : i32
    %convert_element_type3A = arith.extui %lt3A_479 : i1 to i32
    %cond3A = arith.constant 0 : i32
    %cond3A_480 = arith.cmpi ne, %convert_element_type3A, %cond3A : i32
    scf.if %cond3A_480 {
      %dma_wait3A_501 = arith.constant 0 : i32
      %dma_wait3A_502 = arith.constant 0 : i32
      %dma_wait3A_503 = arith.constant 0 : i32
      %dma_wait3A_504 = arith.constant 0 : i32
      %dma_wait3A_505 = tpu.memref_slice %arg11[%dma_wait3A_501, %dma_wait3A_502, %dma_wait3A_503, %dma_wait3A_504] : memref<2x4x400x3xf32, #tpu.memory_space<vmem>> -> memref<1x1x400x3xf32, #tpu.memory_space<vmem>>
      %dma_wait3A_506 = tpu.memref_squeeze %dma_wait3A_505 : memref<1x1x400x3xf32, #tpu.memory_space<vmem>> -> memref<400x3xf32, #tpu.memory_space<vmem>>
      %dma_wait3A_507 = arith.constant 0 : i32
      %dma_wait3A_508 = arith.constant 0 : i32
      %dma_wait3A_509 = tpu.memref_slice %arg3[%dma_wait3A_507, %dma_wait3A_508] : memref<1000000x3xf32, #tpu.memory_space<hbm>> -> memref<400x3xf32, #tpu.memory_space<hbm>>
      %dma_wait3A_510 = arith.constant 0 : i32
      %dma_wait3A_511 = arith.constant 0 : i32
      %dma_wait3A_512 = tpu.memref_slice %arg11[%dma_wait3A_501, %dma_wait3A_502, %dma_wait3A_510, %dma_wait3A_511] : memref<2x4x400x3xf32, #tpu.memory_space<vmem>> -> memref<1x1x400x3xf32, #tpu.memory_space<vmem>>
      %dma_wait3A_513 = tpu.memref_squeeze %dma_wait3A_512 : memref<1x1x400x3xf32, #tpu.memory_space<vmem>> -> memref<400x3xf32, #tpu.memory_space<vmem>>
      %dma_wait3A_514 = arith.constant 0 : i32
      %dma_wait3A_515 = arith.constant 0 : i32
      %dma_wait3A_516 = tpu.memref_slice %arg3[%dma_wait3A_514, %dma_wait3A_515] : memref<1000000x3xf32, #tpu.memory_space<hbm>> -> memref<400x3xf32, #tpu.memory_space<hbm>>
      tpu.wait_dma2 semaphore(%arg17 : memref<!tpu.dma_semaphore, #tpu.memory_space<semaphore_mem>>) src(%dma_wait3A_516 : memref<400x3xf32, #tpu.memory_space<hbm>>) dst(%dma_wait3A_513 : memref<400x3xf32, #tpu.memory_space<vmem>>)
      %dma_wait3A_517 = arith.constant 0 : i32
      %dma_wait3A_518 = arith.constant 1 : i32
      %dma_wait3A_519 = arith.constant 0 : i32
      %dma_wait3A_520 = arith.constant 0 : i32
      %dma_wait3A_521 = tpu.memref_slice %arg11[%dma_wait3A_517, %dma_wait3A_518, %dma_wait3A_519, %dma_wait3A_520] : memref<2x4x400x3xf32, #tpu.memory_space<vmem>> -> memref<1x1x400x3xf32, #tpu.memory_space<vmem>>
      %dma_wait3A_522 = tpu.memref_squeeze %dma_wait3A_521 : memref<1x1x400x3xf32, #tpu.memory_space<vmem>> -> memref<400x3xf32, #tpu.memory_space<vmem>>
      %dma_wait3A_523 = arith.constant 0 : i32
      %dma_wait3A_524 = arith.constant 0 : i32
      %dma_wait3A_525 = tpu.memref_slice %arg3[%dma_wait3A_523, %dma_wait3A_524] : memref<1000000x3xf32, #tpu.memory_space<hbm>> -> memref<400x3xf32, #tpu.memory_space<hbm>>
      %dma_wait3A_526 = arith.constant 0 : i32
      %dma_wait3A_527 = arith.constant 0 : i32
      %dma_wait3A_528 = tpu.memref_slice %arg11[%dma_wait3A_517, %dma_wait3A_518, %dma_wait3A_526, %dma_wait3A_527] : memref<2x4x400x3xf32, #tpu.memory_space<vmem>> -> memref<1x1x400x3xf32, #tpu.memory_space<vmem>>
      %dma_wait3A_529 = tpu.memref_squeeze %dma_wait3A_528 : memref<1x1x400x3xf32, #tpu.memory_space<vmem>> -> memref<400x3xf32, #tpu.memory_space<vmem>>
      %dma_wait3A_530 = arith.constant 0 : i32
      %dma_wait3A_531 = arith.constant 0 : i32
      %dma_wait3A_532 = tpu.memref_slice %arg3[%dma_wait3A_530, %dma_wait3A_531] : memref<1000000x3xf32, #tpu.memory_space<hbm>> -> memref<400x3xf32, #tpu.memory_space<hbm>>
      tpu.wait_dma2 semaphore(%arg17 : memref<!tpu.dma_semaphore, #tpu.memory_space<semaphore_mem>>) src(%dma_wait3A_532 : memref<400x3xf32, #tpu.memory_space<hbm>>) dst(%dma_wait3A_529 : memref<400x3xf32, #tpu.memory_space<vmem>>)
      %dma_wait3A_533 = arith.constant 0 : i32
      %dma_wait3A_534 = arith.constant 2 : i32
      %dma_wait3A_535 = arith.constant 0 : i32
      %dma_wait3A_536 = arith.constant 0 : i32
      %dma_wait3A_537 = tpu.memref_slice %arg11[%dma_wait3A_533, %dma_wait3A_534, %dma_wait3A_535, %dma_wait3A_536] : memref<2x4x400x3xf32, #tpu.memory_space<vmem>> -> memref<1x1x400x3xf32, #tpu.memory_space<vmem>>
      %dma_wait3A_538 = tpu.memref_squeeze %dma_wait3A_537 : memref<1x1x400x3xf32, #tpu.memory_space<vmem>> -> memref<400x3xf32, #tpu.memory_space<vmem>>
      %dma_wait3A_539 = arith.constant 0 : i32
      %dma_wait3A_540 = arith.constant 0 : i32
      %dma_wait3A_541 = tpu.memref_slice %arg3[%dma_wait3A_539, %dma_wait3A_540] : memref<1000000x3xf32, #tpu.memory_space<hbm>> -> memref<400x3xf32, #tpu.memory_space<hbm>>
      %dma_wait3A_542 = arith.constant 0 : i32
      %dma_wait3A_543 = arith.constant 0 : i32
      %dma_wait3A_544 = tpu.memref_slice %arg11[%dma_wait3A_533, %dma_wait3A_534, %dma_wait3A_542, %dma_wait3A_543] : memref<2x4x400x3xf32, #tpu.memory_space<vmem>> -> memref<1x1x400x3xf32, #tpu.memory_space<vmem>>
      %dma_wait3A_545 = tpu.memref_squeeze %dma_wait3A_544 : memref<1x1x400x3xf32, #tpu.memory_space<vmem>> -> memref<400x3xf32, #tpu.memory_space<vmem>>
      %dma_wait3A_546 = arith.constant 0 : i32
      %dma_wait3A_547 = arith.constant 0 : i32
      %dma_wait3A_548 = tpu.memref_slice %arg3[%dma_wait3A_546, %dma_wait3A_547] : memref<1000000x3xf32, #tpu.memory_space<hbm>> -> memref<400x3xf32, #tpu.memory_space<hbm>>
      tpu.wait_dma2 semaphore(%arg17 : memref<!tpu.dma_semaphore, #tpu.memory_space<semaphore_mem>>) src(%dma_wait3A_548 : memref<400x3xf32, #tpu.memory_space<hbm>>) dst(%dma_wait3A_545 : memref<400x3xf32, #tpu.memory_space<vmem>>)
      %dma_wait3A_549 = arith.constant 0 : i32
      %dma_wait3A_550 = arith.constant 3 : i32
      %dma_wait3A_551 = arith.constant 0 : i32
      %dma_wait3A_552 = arith.constant 0 : i32
      %dma_wait3A_553 = tpu.memref_slice %arg11[%dma_wait3A_549, %dma_wait3A_550, %dma_wait3A_551, %dma_wait3A_552] : memref<2x4x400x3xf32, #tpu.memory_space<vmem>> -> memref<1x1x400x3xf32, #tpu.memory_space<vmem>>
      %dma_wait3A_554 = tpu.memref_squeeze %dma_wait3A_553 : memref<1x1x400x3xf32, #tpu.memory_space<vmem>> -> memref<400x3xf32, #tpu.memory_space<vmem>>
      %dma_wait3A_555 = arith.constant 0 : i32
      %dma_wait3A_556 = arith.constant 0 : i32
      %dma_wait3A_557 = tpu.memref_slice %arg3[%dma_wait3A_555, %dma_wait3A_556] : memref<1000000x3xf32, #tpu.memory_space<hbm>> -> memref<400x3xf32, #tpu.memory_space<hbm>>
      %dma_wait3A_558 = arith.constant 0 : i32
      %dma_wait3A_559 = arith.constant 0 : i32
      %dma_wait3A_560 = tpu.memref_slice %arg11[%dma_wait3A_549, %dma_wait3A_550, %dma_wait3A_558, %dma_wait3A_559] : memref<2x4x400x3xf32, #tpu.memory_space<vmem>> -> memref<1x1x400x3xf32, #tpu.memory_space<vmem>>
      %dma_wait3A_561 = tpu.memref_squeeze %dma_wait3A_560 : memref<1x1x400x3xf32, #tpu.memory_space<vmem>> -> memref<400x3xf32, #tpu.memory_space<vmem>>
      %dma_wait3A_562 = arith.constant 0 : i32
      %dma_wait3A_563 = arith.constant 0 : i32
      %dma_wait3A_564 = tpu.memref_slice %arg3[%dma_wait3A_562, %dma_wait3A_563] : memref<1000000x3xf32, #tpu.memory_space<hbm>> -> memref<400x3xf32, #tpu.memory_space<hbm>>
      tpu.wait_dma2 semaphore(%arg17 : memref<!tpu.dma_semaphore, #tpu.memory_space<semaphore_mem>>) src(%dma_wait3A_564 : memref<400x3xf32, #tpu.memory_space<hbm>>) dst(%dma_wait3A_561 : memref<400x3xf32, #tpu.memory_space<vmem>>)
      %dma_wait3A_565 = arith.constant 0 : i32
      %dma_wait3A_566 = arith.constant 0 : i32
      %dma_wait3A_567 = tpu.memref_slice %arg12[%dma_wait3A_565, %dma_wait3A_566] : memref<2x400xf32, #tpu.memory_space<vmem>> -> memref<1x400xf32, #tpu.memory_space<vmem>>
      %dma_wait3A_568 = tpu.memref_squeeze %dma_wait3A_567 : memref<1x400xf32, #tpu.memory_space<vmem>> -> memref<400xf32, #tpu.memory_space<vmem>>
      %dma_wait3A_569 = arith.constant 0 : i32
      %dma_wait3A_570 = tpu.memref_slice %arg14[%dma_wait3A_569] : memref<1024000xf32, #tpu.memory_space<vmem_shared>> -> memref<400xf32, #tpu.memory_space<vmem_shared>>
      %dma_wait3A_571 = arith.constant 0 : i32
      %dma_wait3A_572 = tpu.memref_slice %arg12[%dma_wait3A_565, %dma_wait3A_571] : memref<2x400xf32, #tpu.memory_space<vmem>> -> memref<1x400xf32, #tpu.memory_space<vmem>>
      %dma_wait3A_573 = tpu.memref_squeeze %dma_wait3A_572 : memref<1x400xf32, #tpu.memory_space<vmem>> -> memref<400xf32, #tpu.memory_space<vmem>>
      %dma_wait3A_574 = arith.constant 0 : i32
      %dma_wait3A_575 = tpu.memref_slice %arg14[%dma_wait3A_574] : memref<1024000xf32, #tpu.memory_space<vmem_shared>> -> memref<400xf32, #tpu.memory_space<vmem_shared>>
      tpu.wait_dma2 semaphore(%arg18 : memref<!tpu.dma_semaphore, #tpu.memory_space<semaphore_mem>>) src(%dma_wait3A_575 : memref<400xf32, #tpu.memory_space<vmem_shared>>) dst(%dma_wait3A_573 : memref<400xf32, #tpu.memory_space<vmem>>)
    } else {
    }
    %lt3A_481 = arith.constant 2500 : i32
    %lt3A_482 = arith.cmpi slt, %add3A_477, %lt3A_481 : i32
    %jit3A_483 = arith.constant 1.000000e+00 : f32
    %jit3A_484 = arith.constant 0.000000e+00 : f32
    %select_n3A_485 = arith.select %lt3A_482, %jit3A_483, %jit3A_484 : f32
    %parallel_loop3A = arith.constant 0 : i32
    %parallel_loop3A_486 = arith.constant 25 : i32
    %parallel_loop3A_487 = arith.constant 1 : i32
    %parallel_loop3A_488:6 = scf.for %parallel_loop3A_501 = %parallel_loop3A to %parallel_loop3A_486 step %parallel_loop3A_487 iter_args(%parallel_loop3A_502 = %scan3A_474#0, %parallel_loop3A_503 = %scan3A_474#1, %parallel_loop3A_504 = %scan3A_474#2, %parallel_loop3A_505 = %scan3A_474#3, %parallel_loop3A_506 = %scan3A_474#4, %parallel_loop3A_507 = %scan3A_474#5) -> (vector<16xf32>, vector<16xf32>, vector<16xf32>, vector<16xf32>, vector<16xf32>, vector<16xf32>)  : i32 {
      %parallel_loop3A_508 = arith.constant 16 : i32
      %parallel_loop3A_509 = arith.muli %parallel_loop3A_501, %parallel_loop3A_508 : i32
      %parallel_loop3A_510 = vector.broadcast %parallel_loop3A_509 : i32 to vector<16xi32>
      %parallel_loop3A_511 = arith.addi %select_n3A, %parallel_loop3A_510 : vector<16xi32>
      %parallel_loop3A_512 = arith.constant 0 : i32
      %parallel_loop3A_513 = arith.constant 0 : i32
      %parallel_loop3A_514 = tpu.memref_slice %arg12[%parallel_loop3A_512, %parallel_loop3A_513] : memref<2x400xf32, #tpu.memory_space<vmem>> -> memref<1x400xf32, #tpu.memory_space<vmem>>
      %parallel_loop3A_515 = tpu.memref_squeeze %parallel_loop3A_514 : memref<1x400xf32, #tpu.memory_space<vmem>> -> memref<400xf32, #tpu.memory_space<vmem>>
      %parallel_loop3A_516 = tpu.vector_load_idx %parallel_loop3A_515[%parallel_loop3A_511] : memref<400xf32, #tpu.memory_space<vmem>>[vector<16xi32>], vector<16xf32>,
      %parallel_loop3A_517 = vector.broadcast %select_n3A_485 : f32 to vector<16xf32>
      %parallel_loop3A_518 = arith.mulf %parallel_loop3A_516, %parallel_loop3A_517 : vector<16xf32>
      %parallel_loop3A_519 = arith.constant 0 : i32
      %parallel_loop3A_520 = arith.constant 0 : i32
      %parallel_loop3A_521 = arith.constant 0 : i32
      %parallel_loop3A_522 = arith.constant 0 : i32
      %parallel_loop3A_523 = tpu.memref_slice %arg11[%parallel_loop3A_519, %parallel_loop3A_520, %parallel_loop3A_521, %parallel_loop3A_522] : memref<2x4x400x3xf32, #tpu.memory_space<vmem>> -> memref<1x1x400x3xf32, #tpu.memory_space<vmem>>
      %parallel_loop3A_524 = tpu.memref_squeeze %parallel_loop3A_523 : memref<1x1x400x3xf32, #tpu.memory_space<vmem>> -> memref<400x3xf32, #tpu.memory_space<vmem>>
      %parallel_loop3A_525 = tpu.vector_load_idx %parallel_loop3A_524[%parallel_loop3A_511, %select_n3A_265] : memref<400x3xf32, #tpu.memory_space<vmem>>[vector<16xi32>, vector<16xi32>], vector<16xf32>,
      %parallel_loop3A_526 = arith.constant 0 : i32
      %parallel_loop3A_527 = arith.constant 2 : i32
      %parallel_loop3A_528 = arith.constant 0 : i32
      %parallel_loop3A_529 = arith.constant 0 : i32
      %parallel_loop3A_530 = tpu.memref_slice %arg11[%parallel_loop3A_526, %parallel_loop3A_527, %parallel_loop3A_528, %parallel_loop3A_529] : memref<2x4x400x3xf32, #tpu.memory_space<vmem>> -> memref<1x1x400x3xf32, #tpu.memory_space<vmem>>
      %parallel_loop3A_531 = tpu.memref_squeeze %parallel_loop3A_530 : memref<1x1x400x3xf32, #tpu.memory_space<vmem>> -> memref<400x3xf32, #tpu.memory_space<vmem>>
      %parallel_loop3A_532 = tpu.vector_load_idx %parallel_loop3A_531[%parallel_loop3A_511, %select_n3A_265] : memref<400x3xf32, #tpu.memory_space<vmem>>[vector<16xi32>, vector<16xi32>], vector<16xf32>,
      %parallel_loop3A_533 = arith.addf %parallel_loop3A_525, %parallel_loop3A_532 : vector<16xf32>
      %parallel_loop3A_534 = arith.mulf %parallel_loop3A_518, %parallel_loop3A_533 : vector<16xf32>
      %parallel_loop3A_535 = arith.addf %parallel_loop3A_502, %parallel_loop3A_534 : vector<16xf32>
      %parallel_loop3A_536 = arith.constant 0 : i32
      %parallel_loop3A_537 = arith.constant 1 : i32
      %parallel_loop3A_538 = arith.constant 0 : i32
      %parallel_loop3A_539 = arith.constant 0 : i32
      %parallel_loop3A_540 = tpu.memref_slice %arg11[%parallel_loop3A_536, %parallel_loop3A_537, %parallel_loop3A_538, %parallel_loop3A_539] : memref<2x4x400x3xf32, #tpu.memory_space<vmem>> -> memref<1x1x400x3xf32, #tpu.memory_space<vmem>>
      %parallel_loop3A_541 = tpu.memref_squeeze %parallel_loop3A_540 : memref<1x1x400x3xf32, #tpu.memory_space<vmem>> -> memref<400x3xf32, #tpu.memory_space<vmem>>
      %parallel_loop3A_542 = tpu.vector_load_idx %parallel_loop3A_541[%parallel_loop3A_511, %select_n3A_265] : memref<400x3xf32, #tpu.memory_space<vmem>>[vector<16xi32>, vector<16xi32>], vector<16xf32>,
      %parallel_loop3A_543 = arith.constant 0 : i32
      %parallel_loop3A_544 = arith.constant 3 : i32
      %parallel_loop3A_545 = arith.constant 0 : i32
      %parallel_loop3A_546 = arith.constant 0 : i32
      %parallel_loop3A_547 = tpu.memref_slice %arg11[%parallel_loop3A_543, %parallel_loop3A_544, %parallel_loop3A_545, %parallel_loop3A_546] : memref<2x4x400x3xf32, #tpu.memory_space<vmem>> -> memref<1x1x400x3xf32, #tpu.memory_space<vmem>>
      %parallel_loop3A_548 = tpu.memref_squeeze %parallel_loop3A_547 : memref<1x1x400x3xf32, #tpu.memory_space<vmem>> -> memref<400x3xf32, #tpu.memory_space<vmem>>
      %parallel_loop3A_549 = tpu.vector_load_idx %parallel_loop3A_548[%parallel_loop3A_511, %select_n3A_265] : memref<400x3xf32, #tpu.memory_space<vmem>>[vector<16xi32>, vector<16xi32>], vector<16xf32>,
      %parallel_loop3A_550 = arith.addf %parallel_loop3A_542, %parallel_loop3A_549 : vector<16xf32>
      %parallel_loop3A_551 = arith.mulf %parallel_loop3A_518, %parallel_loop3A_550 : vector<16xf32>
      %parallel_loop3A_552 = arith.addf %parallel_loop3A_505, %parallel_loop3A_551 : vector<16xf32>
      %parallel_loop3A_553 = vector.broadcast %parallel_loop3A_509 : i32 to vector<16xi32>
      %parallel_loop3A_554 = arith.addi %select_n3A_208, %parallel_loop3A_553 : vector<16xi32>
      %parallel_loop3A_555 = arith.constant 0 : i32
      %parallel_loop3A_556 = arith.constant 0 : i32
      %parallel_loop3A_557 = tpu.memref_slice %arg12[%parallel_loop3A_555, %parallel_loop3A_556] : memref<2x400xf32, #tpu.memory_space<vmem>> -> memref<1x400xf32, #tpu.memory_space<vmem>>
      %parallel_loop3A_558 = tpu.memref_squeeze %parallel_loop3A_557 : memref<1x400xf32, #tpu.memory_space<vmem>> -> memref<400xf32, #tpu.memory_space<vmem>>
      %parallel_loop3A_559 = tpu.vector_load_idx %parallel_loop3A_558[%parallel_loop3A_554] : memref<400xf32, #tpu.memory_space<vmem>>[vector<16xi32>], vector<16xf32>,
      %parallel_loop3A_560 = vector.broadcast %select_n3A_485 : f32 to vector<16xf32>
      %parallel_loop3A_561 = arith.mulf %parallel_loop3A_559, %parallel_loop3A_560 : vector<16xf32>
      %parallel_loop3A_562 = arith.constant 0 : i32
      %parallel_loop3A_563 = arith.constant 0 : i32
      %parallel_loop3A_564 = arith.constant 0 : i32
      %parallel_loop3A_565 = arith.constant 0 : i32
      %parallel_loop3A_566 = tpu.memref_slice %arg11[%parallel_loop3A_562, %parallel_loop3A_563, %parallel_loop3A_564, %parallel_loop3A_565] : memref<2x4x400x3xf32, #tpu.memory_space<vmem>> -> memref<1x1x400x3xf32, #tpu.memory_space<vmem>>
      %parallel_loop3A_567 = tpu.memref_squeeze %parallel_loop3A_566 : memref<1x1x400x3xf32, #tpu.memory_space<vmem>> -> memref<400x3xf32, #tpu.memory_space<vmem>>
      %parallel_loop3A_568 = tpu.vector_load_idx %parallel_loop3A_567[%parallel_loop3A_554, %select_n3A_290] : memref<400x3xf32, #tpu.memory_space<vmem>>[vector<16xi32>, vector<16xi32>], vector<16xf32>,
      %parallel_loop3A_569 = arith.constant 0 : i32
      %parallel_loop3A_570 = arith.constant 2 : i32
      %parallel_loop3A_571 = arith.constant 0 : i32
      %parallel_loop3A_572 = arith.constant 0 : i32
      %parallel_loop3A_573 = tpu.memref_slice %arg11[%parallel_loop3A_569, %parallel_loop3A_570, %parallel_loop3A_571, %parallel_loop3A_572] : memref<2x4x400x3xf32, #tpu.memory_space<vmem>> -> memref<1x1x400x3xf32, #tpu.memory_space<vmem>>
      %parallel_loop3A_574 = tpu.memref_squeeze %parallel_loop3A_573 : memref<1x1x400x3xf32, #tpu.memory_space<vmem>> -> memref<400x3xf32, #tpu.memory_space<vmem>>
      %parallel_loop3A_575 = tpu.vector_load_idx %parallel_loop3A_574[%parallel_loop3A_554, %select_n3A_290] : memref<400x3xf32, #tpu.memory_space<vmem>>[vector<16xi32>, vector<16xi32>], vector<16xf32>,
      %parallel_loop3A_576 = arith.addf %parallel_loop3A_568, %parallel_loop3A_575 : vector<16xf32>
      %parallel_loop3A_577 = arith.mulf %parallel_loop3A_561, %parallel_loop3A_576 : vector<16xf32>
      %parallel_loop3A_578 = arith.addf %parallel_loop3A_503, %parallel_loop3A_577 : vector<16xf32>
      %parallel_loop3A_579 = arith.constant 0 : i32
      %parallel_loop3A_580 = arith.constant 1 : i32
      %parallel_loop3A_581 = arith.constant 0 : i32
      %parallel_loop3A_582 = arith.constant 0 : i32
      %parallel_loop3A_583 = tpu.memref_slice %arg11[%parallel_loop3A_579, %parallel_loop3A_580, %parallel_loop3A_581, %parallel_loop3A_582] : memref<2x4x400x3xf32, #tpu.memory_space<vmem>> -> memref<1x1x400x3xf32, #tpu.memory_space<vmem>>
      %parallel_loop3A_584 = tpu.memref_squeeze %parallel_loop3A_583 : memref<1x1x400x3xf32, #tpu.memory_space<vmem>> -> memref<400x3xf32, #tpu.memory_space<vmem>>
      %parallel_loop3A_585 = tpu.vector_load_idx %parallel_loop3A_584[%parallel_loop3A_554, %select_n3A_290] : memref<400x3xf32, #tpu.memory_space<vmem>>[vector<16xi32>, vector<16xi32>], vector<16xf32>,
      %parallel_loop3A_586 = arith.constant 0 : i32
      %parallel_loop3A_587 = arith.constant 3 : i32
      %parallel_loop3A_588 = arith.constant 0 : i32
      %parallel_loop3A_589 = arith.constant 0 : i32
      %parallel_loop3A_590 = tpu.memref_slice %arg11[%parallel_loop3A_586, %parallel_loop3A_587, %parallel_loop3A_588, %parallel_loop3A_589] : memref<2x4x400x3xf32, #tpu.memory_space<vmem>> -> memref<1x1x400x3xf32, #tpu.memory_space<vmem>>
      %parallel_loop3A_591 = tpu.memref_squeeze %parallel_loop3A_590 : memref<1x1x400x3xf32, #tpu.memory_space<vmem>> -> memref<400x3xf32, #tpu.memory_space<vmem>>
      %parallel_loop3A_592 = tpu.vector_load_idx %parallel_loop3A_591[%parallel_loop3A_554, %select_n3A_290] : memref<400x3xf32, #tpu.memory_space<vmem>>[vector<16xi32>, vector<16xi32>], vector<16xf32>,
      %parallel_loop3A_593 = arith.addf %parallel_loop3A_585, %parallel_loop3A_592 : vector<16xf32>
      %parallel_loop3A_594 = arith.mulf %parallel_loop3A_561, %parallel_loop3A_593 : vector<16xf32>
      %parallel_loop3A_595 = arith.addf %parallel_loop3A_506, %parallel_loop3A_594 : vector<16xf32>
      %parallel_loop3A_596 = vector.broadcast %parallel_loop3A_509 : i32 to vector<16xi32>
      %parallel_loop3A_597 = arith.addi %select_n3A_242, %parallel_loop3A_596 : vector<16xi32>
      %parallel_loop3A_598 = arith.constant 0 : i32
      %parallel_loop3A_599 = arith.constant 0 : i32
      %parallel_loop3A_600 = tpu.memref_slice %arg12[%parallel_loop3A_598, %parallel_loop3A_599] : memref<2x400xf32, #tpu.memory_space<vmem>> -> memref<1x400xf32, #tpu.memory_space<vmem>>
      %parallel_loop3A_601 = tpu.memref_squeeze %parallel_loop3A_600 : memref<1x400xf32, #tpu.memory_space<vmem>> -> memref<400xf32, #tpu.memory_space<vmem>>
      %parallel_loop3A_602 = tpu.vector_load_idx %parallel_loop3A_601[%parallel_loop3A_597] : memref<400xf32, #tpu.memory_space<vmem>>[vector<16xi32>], vector<16xf32>,
      %parallel_loop3A_603 = vector.broadcast %select_n3A_485 : f32 to vector<16xf32>
      %parallel_loop3A_604 = arith.mulf %parallel_loop3A_602, %parallel_loop3A_603 : vector<16xf32>
      %parallel_loop3A_605 = arith.constant 0 : i32
      %parallel_loop3A_606 = arith.constant 0 : i32
      %parallel_loop3A_607 = arith.constant 0 : i32
      %parallel_loop3A_608 = arith.constant 0 : i32
      %parallel_loop3A_609 = tpu.memref_slice %arg11[%parallel_loop3A_605, %parallel_loop3A_606, %parallel_loop3A_607, %parallel_loop3A_608] : memref<2x4x400x3xf32, #tpu.memory_space<vmem>> -> memref<1x1x400x3xf32, #tpu.memory_space<vmem>>
      %parallel_loop3A_610 = tpu.memref_squeeze %parallel_loop3A_609 : memref<1x1x400x3xf32, #tpu.memory_space<vmem>> -> memref<400x3xf32, #tpu.memory_space<vmem>>
      %parallel_loop3A_611 = tpu.vector_load_idx %parallel_loop3A_610[%parallel_loop3A_597, %select_n3A_315] : memref<400x3xf32, #tpu.memory_space<vmem>>[vector<16xi32>, vector<16xi32>], vector<16xf32>,
      %parallel_loop3A_612 = arith.constant 0 : i32
      %parallel_loop3A_613 = arith.constant 2 : i32
      %parallel_loop3A_614 = arith.constant 0 : i32
      %parallel_loop3A_615 = arith.constant 0 : i32
      %parallel_loop3A_616 = tpu.memref_slice %arg11[%parallel_loop3A_612, %parallel_loop3A_613, %parallel_loop3A_614, %parallel_loop3A_615] : memref<2x4x400x3xf32, #tpu.memory_space<vmem>> -> memref<1x1x400x3xf32, #tpu.memory_space<vmem>>
      %parallel_loop3A_617 = tpu.memref_squeeze %parallel_loop3A_616 : memref<1x1x400x3xf32, #tpu.memory_space<vmem>> -> memref<400x3xf32, #tpu.memory_space<vmem>>
      %parallel_loop3A_618 = tpu.vector_load_idx %parallel_loop3A_617[%parallel_loop3A_597, %select_n3A_315] : memref<400x3xf32, #tpu.memory_space<vmem>>[vector<16xi32>, vector<16xi32>], vector<16xf32>,
      %parallel_loop3A_619 = arith.addf %parallel_loop3A_611, %parallel_loop3A_618 : vector<16xf32>
      %parallel_loop3A_620 = arith.mulf %parallel_loop3A_604, %parallel_loop3A_619 : vector<16xf32>
      %parallel_loop3A_621 = arith.addf %parallel_loop3A_504, %parallel_loop3A_620 : vector<16xf32>
      %parallel_loop3A_622 = arith.constant 0 : i32
      %parallel_loop3A_623 = arith.constant 1 : i32
      %parallel_loop3A_624 = arith.constant 0 : i32
      %parallel_loop3A_625 = arith.constant 0 : i32
      %parallel_loop3A_626 = tpu.memref_slice %arg11[%parallel_loop3A_622, %parallel_loop3A_623, %parallel_loop3A_624, %parallel_loop3A_625] : memref<2x4x400x3xf32, #tpu.memory_space<vmem>> -> memref<1x1x400x3xf32, #tpu.memory_space<vmem>>
      %parallel_loop3A_627 = tpu.memref_squeeze %parallel_loop3A_626 : memref<1x1x400x3xf32, #tpu.memory_space<vmem>> -> memref<400x3xf32, #tpu.memory_space<vmem>>
      %parallel_loop3A_628 = tpu.vector_load_idx %parallel_loop3A_627[%parallel_loop3A_597, %select_n3A_315] : memref<400x3xf32, #tpu.memory_space<vmem>>[vector<16xi32>, vector<16xi32>], vector<16xf32>,
      %parallel_loop3A_629 = arith.constant 0 : i32
      %parallel_loop3A_630 = arith.constant 3 : i32
      %parallel_loop3A_631 = arith.constant 0 : i32
      %parallel_loop3A_632 = arith.constant 0 : i32
      %parallel_loop3A_633 = tpu.memref_slice %arg11[%parallel_loop3A_629, %parallel_loop3A_630, %parallel_loop3A_631, %parallel_loop3A_632] : memref<2x4x400x3xf32, #tpu.memory_space<vmem>> -> memref<1x1x400x3xf32, #tpu.memory_space<vmem>>
      %parallel_loop3A_634 = tpu.memref_squeeze %parallel_loop3A_633 : memref<1x1x400x3xf32, #tpu.memory_space<vmem>> -> memref<400x3xf32, #tpu.memory_space<vmem>>
      %parallel_loop3A_635 = tpu.vector_load_idx %parallel_loop3A_634[%parallel_loop3A_597, %select_n3A_315] : memref<400x3xf32, #tpu.memory_space<vmem>>[vector<16xi32>, vector<16xi32>], vector<16xf32>,
      %parallel_loop3A_636 = arith.addf %parallel_loop3A_628, %parallel_loop3A_635 : vector<16xf32>
      %parallel_loop3A_637 = arith.mulf %parallel_loop3A_604, %parallel_loop3A_636 : vector<16xf32>
      %parallel_loop3A_638 = arith.addf %parallel_loop3A_507, %parallel_loop3A_637 : vector<16xf32>
      scf.yield %parallel_loop3A_535, %parallel_loop3A_578, %parallel_loop3A_621, %parallel_loop3A_552, %parallel_loop3A_595, %parallel_loop3A_638 : vector<16xf32>, vector<16xf32>, vector<16xf32>, vector<16xf32>, vector<16xf32>, vector<16xf32>
    } {sc.loop_unroll_factor = 4 : i64, sc.parallel_access}
    %swap3A_489 = arith.constant 0 : index
    %swap3A_490 = tpu.vector_load %arg13[%swap3A_489] {strides = array<i32>} : memref<96xf32, #tpu.memory_space<vmem>>, vector<16xf32>,
    tpu.vector_store %arg13[%swap3A_489], %parallel_loop3A_488#0 {strides = array<i32>} : memref<96xf32, #tpu.memory_space<vmem>>, vector<16xf32>,
    %swap3A_491 = arith.constant 16 : index
    %swap3A_492 = tpu.vector_load %arg13[%swap3A_491] {strides = array<i32>} : memref<96xf32, #tpu.memory_space<vmem>>, vector<16xf32>,
    tpu.vector_store %arg13[%swap3A_491], %parallel_loop3A_488#1 {strides = array<i32>} : memref<96xf32, #tpu.memory_space<vmem>>, vector<16xf32>,
    %swap3A_493 = arith.constant 32 : index
    %swap3A_494 = tpu.vector_load %arg13[%swap3A_493] {strides = array<i32>} : memref<96xf32, #tpu.memory_space<vmem>>, vector<16xf32>,
    tpu.vector_store %arg13[%swap3A_493], %parallel_loop3A_488#2 {strides = array<i32>} : memref<96xf32, #tpu.memory_space<vmem>>, vector<16xf32>,
    %swap3A_495 = arith.constant 48 : index
    %swap3A_496 = tpu.vector_load %arg13[%swap3A_495] {strides = array<i32>} : memref<96xf32, #tpu.memory_space<vmem>>, vector<16xf32>,
    tpu.vector_store %arg13[%swap3A_495], %parallel_loop3A_488#3 {strides = array<i32>} : memref<96xf32, #tpu.memory_space<vmem>>, vector<16xf32>,
    %swap3A_497 = arith.constant 64 : index
    %swap3A_498 = tpu.vector_load %arg13[%swap3A_497] {strides = array<i32>} : memref<96xf32, #tpu.memory_space<vmem>>, vector<16xf32>,
    tpu.vector_store %arg13[%swap3A_497], %parallel_loop3A_488#4 {strides = array<i32>} : memref<96xf32, #tpu.memory_space<vmem>>, vector<16xf32>,
    %swap3A_499 = arith.constant 80 : index
    %swap3A_500 = tpu.vector_load %arg13[%swap3A_499] {strides = array<i32>} : memref<96xf32, #tpu.memory_space<vmem>>, vector<16xf32>,
    tpu.vector_store %arg13[%swap3A_499], %parallel_loop3A_488#5 {strides = array<i32>} : memref<96xf32, #tpu.memory_space<vmem>>, vector<16xf32>,
    "tpu.region"() ({
      %run_scoped3A = tpu.sem_alloc : memref<!tpu.dma_semaphore, #tpu.memory_space<semaphore_mem>>
      %dma_start3A_501 = arith.constant 0 : i32
      %dma_start3A_502 = tpu.memref_slice %arg7[%add3A, %dma_start3A_501] : memref<32x96xf32, #tpu.memory_space<hbm>> -> memref<1x96xf32, #tpu.memory_space<hbm>>
      %dma_start3A_503 = tpu.memref_squeeze %dma_start3A_502 : memref<1x96xf32, #tpu.memory_space<hbm>> -> memref<96xf32, #tpu.memory_space<hbm>>
      %dma_start3A_504 = arith.constant 0 : i32
      %dma_start3A_505 = tpu.memref_slice %arg7[%add3A, %dma_start3A_504] : memref<32x96xf32, #tpu.memory_space<hbm>> -> memref<1x96xf32, #tpu.memory_space<hbm>>
      %dma_start3A_506 = tpu.memref_squeeze %dma_start3A_505 : memref<1x96xf32, #tpu.memory_space<hbm>> -> memref<96xf32, #tpu.memory_space<hbm>>
      tpu.enqueue_dma source(%arg13 : memref<96xf32, #tpu.memory_space<vmem>>) target(%dma_start3A_506 : memref<96xf32, #tpu.memory_space<hbm>>) target_semaphore(%run_scoped3A : memref<!tpu.dma_semaphore, #tpu.memory_space<semaphore_mem>>)
      %dma_wait3A_507 = arith.constant 0 : i32
      %dma_wait3A_508 = tpu.memref_slice %arg7[%add3A, %dma_wait3A_507] : memref<32x96xf32, #tpu.memory_space<hbm>> -> memref<1x96xf32, #tpu.memory_space<hbm>>
      %dma_wait3A_509 = tpu.memref_squeeze %dma_wait3A_508 : memref<1x96xf32, #tpu.memory_space<hbm>> -> memref<96xf32, #tpu.memory_space<hbm>>
      %dma_wait3A_510 = arith.constant 0 : i32
      %dma_wait3A_511 = tpu.memref_slice %arg7[%add3A, %dma_wait3A_510] : memref<32x96xf32, #tpu.memory_space<hbm>> -> memref<1x96xf32, #tpu.memory_space<hbm>>
      %dma_wait3A_512 = tpu.memref_squeeze %dma_wait3A_511 : memref<1x96xf32, #tpu.memory_space<hbm>> -> memref<96xf32, #tpu.memory_space<hbm>>
      tpu.wait_dma2 semaphore(%run_scoped3A : memref<!tpu.dma_semaphore, #tpu.memory_space<semaphore_mem>>) src(%arg13 : memref<96xf32, #tpu.memory_space<vmem>>) dst(%dma_wait3A_512 : memref<96xf32, #tpu.memory_space<hbm>>)
      tpu.yield
    }) : () -> ()
    return
  }
}

</mosaic_0001>

<sc_bundles>
// kernel: kernel.3.cloned.1.call-start
scs
__scs_entry_jumppad:
0x0: {  	(pc) =	sbr.rel $0x88, $3  }
0x1: {  	(tag) =	ssettag $0x0;
	lr =	simm.s32 $0x1  }
0x2: {  	[smem:$0x3F9C] =	sst lr;
	_ =	strace $0xD0000000  }
0x3: {  	_ = 	snop  }
0x4: {  	_ = 	snop  }
0x5: {  	_ = 	snop  }
0x6: {  	_ = 	snop  }
0x7: {  	_ = 	snop  }
__scs_overlays_trampoline_lowered:
0x8: {  	[smem:$0x3FAB] =	sst s0  }
0x9: {  	[smem:$0x3FAC] =	sst s1  }
0xa: {  	[smem:$0x3FAD] =	sst s2  }
0xb: {  	[smem:$0x3FAE] =	sst s3  }
0xc: {  	[smem:$0x3FAF] =	sst s4  }
0xd: {  	[smem:$0x3FB0] =	sst s5  }
0xe: {  	[smem:$0x3FB1] =	sst s6  }
0xf: {  	[smem:$0x3FB2] =	sst s7  }
0x10: {  	[smem:$0x3FB3] =	sst s8  }
0x11: {  	[smem:$0x3FB4] =	sst s9;
	s0 =	simm.s32 @!p0 $0x0  }
0x12: {  	s1 =	sld [smem:$0x3F9A];
	s0 =	simm.s32 @p0 $0x1  }
0x13: {  	[smem:$0x3FB5] =	sst s0;
	s0 =	simm.s32 @!p1 $0x0  }
0x14: {  	s2 =	sld [smem:$0x3F99];
	s0 =	simm.s32 @p1 $0x1  }
0x15: {  	[smem:$0x3FB6] =	sst s0;
	s0 =	simm.s32 @!p2 $0x0  }
0x16: {  	s3 =	sld [smem:$0x3FDB];
	s0 =	simm.s32 @p2 $0x1  }
0x17: {  	s4 =	simm.s32 $0x1BF5;
	[smem:$0x3FB8] =	sst s0  }
0x18: {  	s0 =	sld [smem:$0x3F9B];
	_ =	swait.ge [sflag:s4], $0x0  }
0x19: {  	s7 =	sld [smem:$0x3F9C]  }
0x1a: {  	s8 =	sadd.s32 $0xFFFFE003, lr  }
0x1b: {  	s9 =	sadd.s32 $0xFFFFFEF7, lr;
	s5 =	simm.s32 $0xFFFFFFFF;
	p2 =	slt.u32 s8, $0xFFFFF086  }
0x1c: {  	p1 =	slt.u32 s9, $0xF7A;
	s5 =	simm.s32 @!p2 $0x0  }
0x1d: {  	s5 =	simm.s32 @p1 $0x1;
	p0 =	seq.s32 s7, s2  }
0x1e: {  	s7 =	smul.u32 @!p0 $0xF7A, s2;
	p2 =	seq.s32 @!p0 s5, $0x0  }
0x1f: {  	s9 =	smul.u32 $0xF7A, s1;
	s8 =	simm.s32 @!p0 $0x1BF5;
	p2 =	por !p2, p0  }
0x20: {  	[sflag:s8] =	ssyncset.s32 @!p0 $0xFFFFF086;
	s6 =	sadd.s32 @!p0 s3, s7;
	s7 =	simm.s32 @!p0 $0x108  }
0x21: {  	s3 =	sadd.s32 s3, s9;
	s6 =	sadd.s32 @!p0 $0x88, s6;
	s7 =	simm.s32 @p2 $0x1082  }
0x22: {  	[simem:s7], [sflag:s8] =	dma.local @!p0 [hbm:s6], $0xF7A  }
0x23: {  	s9 =	sor.u32 $0xD0000000, s2;
	s6 =	simm.s32 $0x108;
	_ =	swait.ge @!p0 [sflag:s8], $0x0  }
0x24: {  	s3 =	sadd.s32 $0x88, s3;
	s6 =	simm.s32 @!p1 $0x1082;
	[sflag:s4] =	ssyncset.s32 $0xFFFFF086  }
0x25: {  	[simem:s6], [sflag:s4] =	dma.local [hbm:s3], $0xF7A  }
0x26: {  	[smem:$0x3F9C] =	sst s1;
	(tag) =	ssettag s2;
	_ =	strace s9  }
0x27: {  	s1 =	sld [smem:$0x3FAC]  }
0x28: {  	s2 =	sld [smem:$0x3FAD]  }
0x29: {  	s4 =	sld [smem:$0x3FAF]  }
0x2a: {  	p0 =	seq.s32 s5, $0x0;
	s5 =	sld [smem:$0x3FB0]  }
0x2b: {  	s6 =	sld [smem:$0x3FB1]  }
0x2c: {  	s7 =	sld [smem:$0x3FB2]  }
0x2d: {  	s3 =	simm.s32 $0x108;
	s8 =	sld [smem:$0x3FB3]  }
0x2e: {  	s3 =	simm.s32 @!p0 $0x1082;
	s9 =	sld [smem:$0x3FB4]  }
0x2f: {  	lr =	sadd.s32 s0, s3;
	s0 =	sld [smem:$0x3FAB]  }
0x30: {  	s3 =	sld [smem:$0x3FAE]  }
0x31: {  	[smem:$0x3FB7] =	sst s10  }
0x32: {  	s10 =	sld [smem:$0x3FB5];
	_ =	sdelay $0x3  }
0x33: {  	p0 =	seq.s32 s10, $0x1;
	s10 =	sld [smem:$0x3FB7];
	_ =	sdelay $0x3  }
0x34: {  	[smem:$0x3FB7] =	sst s10  }
0x35: {  	s10 =	sld [smem:$0x3FB6];
	_ =	sdelay $0x3  }
0x36: {  	p1 =	seq.s32 s10, $0x1;
	s10 =	sld [smem:$0x3FB7];
	_ =	sdelay $0x3  }
0x37: {  	[smem:$0x3FB7] =	sst s10  }
0x38: {  	s10 =	sld [smem:$0x3FB8]  }
0x39: {  	_ = 	snop;
	(pc) =	sbr.ind lr, $3  }
0x3a: {  	_ = 	snop  }
0x3b: {  	_ = 	snop  }
0x3c: {  	p2 =	seq.s32 s10, $0x1;
	s10 =	sld [smem:$0x3FB7]  }
0x3d: {  	_ =	shalt  }
0x3e: {  	_ =	shalt  }
0x3f: {  	_ =	shalt  }
0x40: {  	_ =	shalt  }
0x41: {  	_ =	shalt  }
0x42: {  	_ =	shalt  }
0x43: {  	_ =	shalt  }
0x44: {  	_ =	shalt  }
0x45: {  	_ =	shalt  }
0x46: {  	_ =	shalt  }
0x47: {  	_ =	shalt  }
0x48: {  	_ =	shalt  }
0x49: {  	_ =	shalt  }
0x4a: {  	_ =	shalt  }
0x4b: {  	_ =	shalt  }
0x4c: {  	_ =	shalt  }
0x4d: {  	_ =	shalt  }
0x4e: {  	_ =	shalt  }
0x4f: {  	_ =	shalt  }
0x50: {  	_ =	shalt  }
0x51: {  	_ =	shalt  }
0x52: {  	_ =	shalt  }
0x53: {  	_ =	shalt  }
0x54: {  	_ =	shalt  }
0x55: {  	_ =	shalt  }
0x56: {  	_ =	shalt  }
0x57: {  	_ =	shalt  }
0x58: {  	_ =	shalt  }
0x59: {  	_ =	shalt  }
0x5a: {  	_ =	shalt  }
0x5b: {  	_ =	shalt  }
0x5c: {  	_ =	shalt  }
0x5d: {  	_ =	shalt  }
0x5e: {  	_ =	shalt  }
0x5f: {  	_ =	shalt  }
0x60: {  	_ =	shalt  }
0x61: {  	_ =	shalt  }
0x62: {  	_ =	shalt  }
0x63: {  	_ =	shalt  }
0x64: {  	_ =	shalt  }
0x65: {  	_ =	shalt  }
0x66: {  	_ =	shalt  }
0x67: {  	_ =	shalt  }
0x68: {  	_ =	shalt  }
0x69: {  	_ =	shalt  }
0x6a: {  	_ =	shalt  }
0x6b: {  	_ =	shalt  }
0x6c: {  	_ =	shalt  }
0x6d: {  	_ =	shalt  }
0x6e: {  	_ =	shalt  }
0x6f: {  	_ =	shalt  }
0x70: {  	_ =	shalt  }
0x71: {  	_ =	shalt  }
0x72: {  	_ =	shalt  }
0x73: {  	_ =	shalt  }
0x74: {  	_ =	shalt  }
0x75: {  	_ =	shalt  }
0x76: {  	_ =	shalt  }
0x77: {  	_ =	shalt  }
0x78: {  	_ =	shalt  }
0x79: {  	_ =	shalt  }
0x7a: {  	_ =	shalt  }
0x7b: {  	_ =	shalt  }
0x7c: {  	_ =	shalt  }
0x7d: {  	_ =	shalt  }
0x7e: {  	_ =	shalt  }
0x7f: {  	_ =	shalt  }
0x80: {  	_ =	shalt  }
0x81: {  	_ =	shalt  }
0x82: {  	_ =	shalt  }
0x83: {  	_ =	shalt  }
0x84: {  	_ =	shalt  }
0x85: {  	_ =	shalt  }
0x86: {  	_ =	shalt  }
0x87: {  	_ =	shalt  }
.Lfunc_end0:
.L_simem_size_0:
called_computation_lowered:
.L_overlay_start_0:
0x88: {  	s2 =	sld [smem:$0x3FD9]  }
0x89: {  	s3 =	sld [smem:$0x3FFE];
	_ =	sdelay $0x1  }
0x8a: {  	s1 =	srdreg.scid  }
0x8b: {  	s0 =	sand.u32 $0x1, s1  }
0x8c: {  	s17 =	sshll.u32 s0, $0xA;
	s2 =	sadd.s32 s3, s2  }
0x8d: {  	s2 =	sadd.s32 s2, s17  }
0x8e: {  	[smem:$0x3FC3] =	sst s2  }
0x8f: {  	_ = 	snop  }
0x90: {  	s2 =	sld [smem:$0x3FC9];
	(tm) =	ssettm $0x1  }
0x91: {  	s18 =	sld [smem:$0x3FFB];
	_ =	sdelay $0x3  }
0x92: {  	_ =	strace s18  }
0x93: {  	s3 =	sld [smem:$0x3FFC];
	_ =	sdelay $0x3  }
0x94: {  	_ =	strace s3  }
0x95: {  	s3 =	sld [smem:$0x3FFD];
	_ =	sdelay $0x3  }
0x96: {  	_ =	strace s3  }
0x97: {  	_ =	strace $0x8FFFFFFF  }
0x98: {  	s19 =	sld [smem:$0x3FDB];
	_ =	sdelay $0x1  }
0x99: {  	s4 =	simm.s32 $_scs_section_size  }
0x9a: {  	s5 =	simm.s32 $_size__tile_overlayer_lowered;
	s6 =	simm.s32 $_tile_overlayer_lowered  }
0x9b: {  	s22 =	simm.s32 $0x1BFF;
	s21 =	sshll.u32 s6, $0x1;
	s3 =	sadd.s32 s4, s19  }
0x9c: {  	s7 =	simm.s32 $0x0;
	s20 =	sshll.u32 s5, $0x1;
	s5 =	sadd.s32 s21, s3  }
0x9d: {  	[timem:s7], [sflag:s22] =	dma.local [hbm:s5], s20  }
0x9e: {  	_ =	swait.ge [sflag:s22], s20  }
0x9f: {  	s4 =	ssub.s32 $0x0, s20;
	[sflag:s22] =	ssyncset.done $0x0  }
0xa0: {  	[sflag:s22] =	ssyncadd.s32 s4;
	_ =	sdelay $0x1  }
0xa1: {  	s23 =	simm.s32 $0x1B8B  }
0xa2: {  	_ =	swait.ge [sflag:s23], $0x1  }
0xa3: {  	[sflag:s23] =	ssyncset.done $0x0  }
0xa4: {  	s25 =	simm.s32 $0x1B8E;
	s24 =	sld [smem:$0x3FFE];
	[sflag:s23] =	ssyncadd.s32 $0xFFFFFFFF  }
0xa5: {  	s26 =	simm.s32 $execute0_lowered;
	[smem:$0x3FD2] =	sst s25  }
0xa6: {  	s5 =	sshll.u32 s26, $0x1;
	_ =	strace $0x80000046;
	[dreg:$0x1] =	wrdreg $0xFFFFFFFF  }
0xa7: {  	s28 =	simm.s32 $_size_execute0_lowered;
	s3 =	sadd.s32 s3, s5;
	[dreg:$0x0] =	wrdreg $0x0  }
0xa8: {  	s5 =	sshll.u32 s28, $0x1;
	[dreg:$0x2] =	wrdreg s3  }
0xa9: {  	[dreg:$0x3] =	wrdreg s5  }
0xaa: {  	[dreg:$0x4] =	wrdreg $0xC0  }
0xab: {  	_ =	task [dreg:s7], $0x5FFFF  }
0xac: {  	[dreg:$0x1] =	wrdreg $0xFFFFFFFF  }
0xad: {  	[dreg:$0x0] =	wrdreg $0x60  }
0xae: {  	[dreg:$0x2] =	wrdreg s2  }
0xaf: {  	[dreg:$0x3] =	wrdreg s24  }
0xb0: {  	[dreg:$0x4] =	wrdreg $0x79A00  }
0xb1: {  	[dreg:$0x5] =	wrdreg $0x9  }
0xb2: {  	_ =	task.clear_ibuf [dreg:s7], $0x6FFFF;
	_ =	strace $0x90000046  }
0xb3: {  	s29 =	simm.s32 $0x9;
	_ =	strace $0x80000048  }
0xb4: {  	_ =	swait.ge [sflag:s29], $0x1  }
0xb5: {  	[sflag:s29] =	ssyncadd.s32 $0xFFFFFFFF  }
0xb6: {  	_ =	strace $0x90000048  }
0xb7: {  	_ =	sfence  }
0xb8: {  	s30 =	sld [smem:$0x0];
	_ =	sdelay $0x2  }
0xb9: {  	s31 =	sshll.u32 s1, $0xD;
	s1 =	sshrl.u32 s1, $0x2  }
0xba: {  	s3 =	sand.u32 $0x4000, s31;
	s1 =	sadd.s32 s1, s30  }
0xbb: {  	s0 =	sor.u32 s3, s0;
	s1 =	sshll.u32 s1, $0x11  }
0xbc: {  	s0 =	sor.u32 s1, s0  }
0xbd: {  	s0 =	sadd.s32 $0x8F2B, s0  }
0xbe: {  	[sflag:s0] =	ssyncadd.remote.s32 $0x1  }
0xbf: {  	_ =	sfence.sel $0xFFFF  }
0xc0: {  	[dreg:$0x0] =	wrdreg $0xFFFFFFFF;
	(pc) =	sbr.abs _section_cstart, $3  }
0xc1: {  	[dreg:$0x1] =	wrdreg $0xFFFFFFFF  }
0xc2: {  	_ =	task.clear_ibuf [dreg:s7], $0x2FFFF;
	_ =	strace $0x9FFFFFFF  }
0xc3: {  	(tm) =	ssettm $0x7FFFFFFF  }
tec
execute0_lowered:
.L_overlay_start_1:
0x0: {  	(tag) =	ssettag $0x1  }
0x1: {  	v0 =	vimm.s32 $0xFEA540  }
0x2: {  	v1 =	vimm.s32 $0x24924924;
	v2 =	vimm.s32 $0x77766655;
	vm0 =	vcmask $0x2F00  }
0x3: {  	vm1 =	vcmask $0x3B30;
	vm2 =	vcmask $0x1F00;
	v5 =	vimm.s32 $0x9080808  }
0x4: {  	vm5 =	vcmask $0xF00;
	vm3 =	vcmask $0x2F20;
	v0 =	vunpack.c.l.s2.s4 v0  }
0x5: {  	v6 =	vimm.s32 $0x49249249;
	v8 =	vimm.s32 $0xCFCFCFCE;
	v9 =	vimm.s32 $0xDCCCBBBA  }
0x6: {  	v10 =	vimm.s32 $0xC9C8C8C8;
	vm6 =	vcmask $0x1F10;
	v0 =	vunpack.c.l.s4.s8 v0  }
0x7: {  	vm4 =	vcmask $0x3730;
	v11 =	vimm.s32 $0xCDCCCCCC;
	v1 =	vunpack.c.l.s2.s4 v1  }
0x8: {  	v13 =	vimm.s32 $0xDDDCDCDC;
	v14 =	vimm.s32 $0xEEEEEDED;
	v0 =	vunpack.c.0.s8.s32 v0  }
0x9: {  	v16 =	vimm.s32 $0xEFEFEFEE;
	v2 =	vunpack.c.l.s4.s8 v2;
	v1 =	vunpack.c.l.s4.s8 v1  }
0xa: {  	v17 =	vimm.s32 $0xEDECECEC;
	vm12 =	vcmask $0xB00;
	v0 =	vand.u32 $0x3, v0  }
0xb: {  	v4 =	vunpack.c.0.s8.s32 v2;
	v1 =	vunpack.c.0.s8.s32 v1;
	v3 =	vnsel vm0, $0x5, v0  }
0xc: {  	vm7 =	vcmask $0x1310;
	vm8 =	vcmask $0x1714;
	v2 =	vsel vm1, $0x4, v3  }
0xd: {  	v3 =	vand.u32 $0x3, v1;
	v1 =	vand.u32 $0xF, v4;
	v4 =	vimm.s32 $0xCECECDCD  }
0xe: {  	vm13 =	vcmask $0x170C;
	vm9 =	vcmask $0x1B18;
	v7 =	vunpack.c.0.s8.s32 v4  }
0xf: {  	v8 =	vunpack.c.0.s8.s32 v8;
	v9 =	vunpack.c.l.s4.s8 v9;
	v4 =	vunpack.c.0.s8.s32 v5  }
0x10: {  	v10 =	vunpack.c.0.s8.s32 v10;
	v1 =	vnsel vm2, $0xA, v1;
	v5 =	vnsel vm5, $0xFFFFFFCA, v7  }
0x11: {  	v15 =	vunpack.c.0.s8.s32 v9;
	v1 =	vsel vm3, v4, v1;
	v4 =	vsel vm6, v8, v5  }
0x12: {  	v8 =	vimm.s32 $0xE0E0D0D;
	v5 =	vsel vm3, v10, v4;
	v4 =	vsel vm4, $0x9, v1  }
0x13: {  	v1 =	vand.u32 $0xF, v15;
	v8 =	vunpack.c.0.s8.s32 v8;
	v10 =	vimm.s32 $0x92492492  }
0x14: {  	v9 =	vimm.s32 $0xCBCBCBCA;
	v1 =	vnsel vm2, $0xF, v1;
	v10 =	vunpack.c.l.s2.s4 v10  }
0x15: {  	vm10 =	vcmask $0x1F1C;
	v9 =	vunpack.c.0.s8.s32 v9;
	v1 =	vsel vm3, v8, v1  }
0x16: {  	s0 =	rddreg [dreg:$0x0];
	v8 =	vunpack.c.0.s8.s32 v11;
	v11 =	vimm.s32 $0xDEDEDDDD;
	v10 =	vunpack.c.l.s4.s8 v10  }
0x17: {  	s15 =	rddreg [dreg:$0x1];
	s1 =	srdreg.scid;
	v9 =	vnsel vm5, $0xFFFFFFCF, v9;
	vm0 =	vcmask $0x3330;
	v11 =	vunpack.c.0.s8.s32 v11  }
0x18: {  	s16 =	stileid.u32;
	s3 =	rddreg [dreg:$0x2];
	s4 =	simm.s32 $0x0;
	v8 =	vsel vm6, v8, v9;
	v9 =	vimm.s32 $0xDFDFDFDE;
	v10 =	vunpack.c.0.s8.s32 v10  }
0x19: {  	s2 =	sand.u32 $0x1, s1;
	[smem:$0x7FF] =	sst s4;
	s8 =	smul.u32 $0x3E800, s16;
	v8 =	vsel vm3, v7, v8;
	v12 =	vunpack.c.0.s8.s32 v9;
	v7 =	vsel vm0, $0xE, v1  }
0x1a: {  	s23 =	sshll.u32 s16, $0x1;
	s5 =	sadd.s32 $0x2DCC00, s15;
	s10 =	smul.u32 $0x6400, s16;
	v1 =	vnsel vm5, $0xFFFFFFDA, v11;
	v9 =	vand.u32 $0x3, v10;
	v10 =	vimm.s32 $0xDBDBDBDA  }
0x1b: {  	s6 =	sadd.s32 $0x1E8800, s15;
	s7 =	sadd.s32 $0xF4400, s15;
	s20 =	smul.u32 $0x640, s16;
	v1 =	vsel vm6, v12, v1;
	v12 =	vimm.s32 $0xD9D8D8D8;
	v10 =	vunpack.c.0.s8.s32 v10  }
0x1c: {  	vm14 =	vcmask $0x2318;
	v13 =	vunpack.c.0.s8.s32 v13;
	s1 =	sor.u32 s2, s23;
	s9 =	smul.u32 $0x64000, s2;
	s2 =	ssub.s32 $0x2, s2;
	v12 =	vunpack.c.0.s8.s32 v12  }
0x1d: {  	vm11 =	vcmask $0x2320;
	v14 =	vunpack.c.0.s8.s32 v14;
	p0 =	sgt.u32 s16, $0x3;
	_ =	strace $0x80000047;
	s11 =	sshrl.u32 s2, $0x1;
	v10 =	vnsel vm5, $0xFFFFFFDF, v10  }
0x1e: {  	s8 =	sshrl.u32 s8, $0x2;
	s9 =	sadd.s32 s10, s9;
	s2 =	ssub.s32 s2, s11;
	v1 =	vsel vm3, v12, v1;
	v12 =	vsel vm6, v13, v10;
	v13 =	vunpack.c.0.s8.s32 v16  }
0x1f: {  	s17 =	sadd.s32 s8, s3;
	s10 =	smul.u32 $0x190, s16;
	s24 =	sshrl.u32 s9, $0x3;
	v10 =	vsel vm4, $0xFFFFFFD9, v1;
	v1 =	vsel vm3, v11, v12;
	v12 =	vnsel vm5, $0xFFFFFFEA, v14  }
0x20: {  	s25 =	sor.u32 $0x180, s9;
	s16 =	sadd.s32 $0x9C40, s17;
	[dreg:$0x4] =	wrdreg s17;
	v11 =	vsel vm0, $0xFFFFFFDE, v1;
	v1 =	vsel vm6, v13, v12;
	v12 =	vimm.s32 $0xFFFEEEDD  }
0x21: {  	s26 =	sor.u32 $0x200, s9;
	s14 =	sadd.s32 s5, s10;
	[smem:$0x7F6] =	sst s16;
	v16 =	vimm.s32 $0xEBEBEBEA;
	v13 =	vimm.s32 $0xE9E8E8E8;
	v12 =	vunpack.c.l.s4.s8 v12  }
0x22: {  	vm15 =	vcmask $0x700;
	s13 =	sor.u32 $0x300, s9;
	s30 =	sadd.s32 s6, s10;
	[dreg:$0x6] =	wrdreg s14;
	v16 =	vunpack.c.0.s8.s32 v16;
	v13 =	vunpack.c.0.s8.s32 v13  }
0x23: {  	v17 =	vunpack.c.0.s8.s32 v17;
	s18 =	sadd.s32 s0, s24;
	s19 =	sadd.s32 s7, s10;
	[dreg:$0x7] =	wrdreg s30;
	v18 =	vunpack.c.0.s8.s32 v12;
	v12 =	vimm.s32 $0xF9F8F8F8  }
0x24: {  	s24 =	sshrl.u32 s13, $0x3;
	s13 =	sadd.s32 s15, s10;
	[dreg:$0x8] =	wrdreg s19;
	v1 =	vsel vm3, v13, v1;
	v13 =	vnsel vm5, $0xFFFFFFEF, v16;
	v16 =	vunpack.c.0.s8.s32 v12  }
0x25: {  	s12 =	sor.u32 $0x280, s9;
	s8 =	sshrl.u32 s25, $0x3;
	[dreg:$0x11] =	wrdreg s13;
	v12 =	vsel vm4, $0xFFFFFFE9, v1;
	v1 =	vsel vm6, v17, v13;
	v13 =	vnsel vm2, $0xFFFFFFFA, v18  }
0x26: {  	s11 =	sshrl.u32 s26, $0x3;
	s8 =	sadd.s32 s0, s8;
	[dreg:$0x5] =	wrdreg s18;
	v1 =	vsel vm3, v14, v1;
	v14 =	vsel vm3, v16, v13;
	v16 =	vimm.s32 $0xFEFEFDFD  }
0x27: {  	v62 =	vimm.s32 $0xC7A;
	s23 =	sshrl.u32 s12, $0x3;
	s21 =	sadd.s32 s0, s11;
	[dreg:$0x9] =	wrdreg s8;
	v13 =	vsel vm0, $0xFFFFFFEE, v1;
	v1 =	vunpack.c.0.s8.s32 v16  }
0x28: {  	s1 =	smul.u32 $0xC, s1;
	s11 =	sadd.s32 s0, s23;
	[dreg:$0xa] =	wrdreg s21;
	v15 =	vnsel vm2, $0xFFFFFFFF, v15;
	vm2 =	vcmask $0x300;
	v16 =	vimm.s32 $0xC28  }
0x29: {  	s25 =	sadd.s32 s0, s24;
	[dreg:$0xb] =	wrdreg s11;
	v16 =	vsel vm2, $0xC00, v16;
	v1 =	vsel vm3, v1, v15;
	vm3 =	vcmask $0x704  }
0x2a: {  	s1 =	sadd.s32 s1, s15;
	s13 =	sadd.s32 $0x6D60, s17;
	[dreg:$0xc] =	wrdreg s25;
	vm5 =	vcmask $0xB08;
	v15 =	vsel vm0, $0xFFFFFFFE, v1;
	v1 =	vsel vm3, $0xC01, v16  }
0x2b: {  	v63 =	vimm.s32 $0x18F;
	s30 =	sadd.s32 $0x400, s9;
	s14 =	sadd.s32 $0x7D00, s17;
	[smem:$0x7F3] =	sst s13;
	vm6 =	vcmask $0xF0C;
	v1 =	vsel vm5, $0xC02, v1  }
0x2c: {  	v6 =	vunpack.c.l.s2.s4 v6;
	s11 =	sshrl.u32 s30, $0x3;
	s30 =	sadd.s32 $0x3D1000, s1;
	[smem:$0x7F4] =	sst s14;
	v5 =	vsel vm4, $0xFFFFFFC9, v5;
	v1 =	vsel vm6, $0xC08, v1  }
0x2d: {  	s1 =	smax.u32 s2, $0x1;
	[dreg:$0x18] =	wrdreg s30;
	v18 =	vsel vm2, $0xC52, v62;
	v14 =	vsel vm4, $0xFFFFFFF9, v14;
	v1 =	vsel vm7, $0xC09, v1  }
0x2e: {  	s28 =	simm.s32 $0x77B0;
	s2 =	sadd.s32 $0xFA0, s17;
	[dreg:$0x19] =	wrdreg s1;
	vm4 =	vcmask $0x2F24;
	v16 =	vimm.s32 $0x185;
	v1 =	vsel vm8, $0xC0A, v1  }
0x2f: {  	s21 =	sadd.s32 $0x1900, s10;
	s10 =	sadd.s32 $0x3E80, s17;
	[dreg:$0x1a] =	wrdreg s2;
	v18 =	vsel vm3, $0xC58, v18;
	v16 =	vsel vm12, $0x180, v16;
	v1 =	vsel vm9, $0xC10, v1  }
0x30: {  	s22 =	sadd.s32 $0x500, s9;
	s12 =	sadd.s32 s11, s0;
	[dreg:$0x1d] =	wrdreg s10;
	vm12 =	vcmask $0x2724;
	v18 =	vsel vm5, $0xC59, v18;
	v1 =	vsel vm10, $0xC11, v1  }
0x31: {  	s8 =	sshrl.u32 s22, $0x3;
	s22 =	sadd.s32 s5, s21;
	[dreg:$0xf] =	wrdreg s12;
	v16 =	vsel vm13, $0x181, v16;
	vm13 =	vcmask $0x2B28;
	v1 =	vsel vm11, $0xC12, v1  }
0x32: {  	s29 =	simm.s32 $0x3;
	s23 =	sadd.s32 s6, s21;
	[dreg:$0x13] =	wrdreg s22;
	v18 =	vsel vm6, $0xC5A, v18;
	v16 =	vsel vm14, $0x182, v16;
	v1 =	vsel vm12, $0xC18, v1  }
0x33: {  	s26 =	sadd.s32 $0x480, s9;
	s24 =	sadd.s32 s7, s21;
	[dreg:$0x14] =	wrdreg s23;
	vm14 =	vcmask $0x2F2C;
	v16 =	vsel vm4, $0x183, v16;
	v1 =	vsel vm13, $0xC19, v1  }
0x34: {  	s19 =	sadd.s32 s8, s0;
	s25 =	sadd.s32 s15, s21;
	[dreg:$0x15] =	wrdreg s24;
	v18 =	vsel vm7, $0xC60, v18;
	v16 =	vsel vm1, $0x184, v16;
	v1 =	vsel vm14, $0xC1A, v1  }
0x35: {  	s8 =	sshrl.u32 s26, $0x3;
	s26 =	sadd.s32 s21, s3;
	[dreg:$0x16] =	wrdreg s25;
	vm1 =	vcmask $0x3734;
	[tilespmem:$0x1FFA0] =	vst v16;
	v16 =	vimm.s32 $0xC51;
	v1 =	vsel vm0, $0xC20, v1  }
0x36: {  	s20 =	sshrl.u32 s20, $0x2;
	s11 =	sadd.s32 $0x4E20, s17;
	[dreg:$0x17] =	wrdreg s26;
	vm4 =	vcmask $0x3B38;
	v16 =	vsel vm2, $0xC29, v16;
	v1 =	vsel vm1, $0xC21, v1  }
0x37: {  	s16 =	simm.s32 $0x1EA0;
	s21 =	sadd.s32 $0xABE0, s17;
	[dreg:$0x1e] =	wrdreg s11;
	v18 =	vsel vm8, $0xC61, v18;
	v16 =	vsel vm3, $0xC2A, v16;
	v1 =	vsel vm4, $0xC22, v1  }
0x38: {  	v6 =	vunpack.c.l.s4.s8 v6;
	s9 =	sor.u32 $0x380, s9;
	s30 =	sadd.s32 $0x20, s18;
	[smem:$0x7F7] =	sst s21;
	v18 =	vsel vm9, $0xC62, v18;
	[tilespmem:$0x1FFB0] =	vst v1;
	v1 =	vsel vm5, $0xC30, v16  }
0x39: {  	s9 =	sshrl.u32 s9, $0x3;
	s13 =	simm.s32 $0x200;
	[smem:$0x7FD] =	sst s30;
	v18 =	vsel vm10, $0xC68, v18;
	v16 =	vimm.s32 $0x18A;
	v1 =	vsel vm6, $0xC31, v1  }
0x3a: {  	s31 =	sadd.s32 s8, s0;
	s0 =	sadd.s32 s9, s0;
	[dreg:$0xd] =	wrdreg s19;
	v16 =	vsel vm15, $0x185, v16;
	vm15 =	vcmask $0x1308;
	v1 =	vsel vm7, $0xC32, v1  }
0x3b: {  	s14 =	simm.s32 $0x2;
	s8 =	sadd.s32 $0x1F40, s17;
	[dreg:$0x10] =	wrdreg s0;
	v16 =	vsel vm15, $0x186, v16;
	vm15 =	vcmask $0x1F14;
	v1 =	vsel vm8, $0xC38, v1  }
0x3c: {  	s2 =	simm.s32 $0x80;
	s9 =	sadd.s32 $0x2EE0, s17;
	[dreg:$0x1b] =	wrdreg s8;
	vm7 =	vcmask $0x2B20;
	v16 =	vsel vm15, $0x187, v16;
	v1 =	vsel vm9, $0xC39, v1  }
0x3d: {  	s10 =	simm.s32 $0x100;
	s12 =	sadd.s32 $0x5DC0, s17;
	[dreg:$0x1c] =	wrdreg s9;
	v16 =	vsel vm7, $0x188, v16;
	vm9 =	vcmask $0x372C;
	v1 =	vsel vm10, $0xC3A, v1  }
0x3e: {  	s22 =	sadd.s32 $0xBB80, s17;
	s23 =	sadd.s32 $0xCB20, s17;
	[dreg:$0x1f] =	wrdreg s12;
	vm15 =	vcmask $0x3328;
	v16 =	vsel vm9, $0x189, v16;
	v1 =	vsel vm11, $0xC40, v1  }
0x3f: {  	s1 =	simm.s32 $0x0;
	s24 =	sadd.s32 $0xDAC0, s17;
	[smem:$0x7F8] =	sst s22;
	[tilespmem:$0x1FFC0] =	vst v16;
	v16 =	vsel vm11, $0xC69, v18;
	v18 =	vsel vm2, $0x18A, v63;
	v1 =	vsel vm12, $0xC41, v1  }
0x40: {  	s25 =	sadd.s32 $0xEA60, s17;
	s26 =	sadd.s32 $0x10, s18;
	[smem:$0x7F9] =	sst s23;
	v16 =	vsel vm12, $0xC6A, v16;
	vm12 =	vcmask $0xF04;
	v1 =	vsel vm13, $0xC42, v1  }
0x41: {  	s11 =	simm.s32 $0x1;
	s21 =	simm.s32 $0x2B20;
	[smem:$0x7FA] =	sst s24;
	v16 =	vsel vm13, $0xC70, v16;
	v18 =	vsel vm12, $0x18B, v18;
	v1 =	vsel vm14, $0xC48, v1  }
0x42: {  	s0 =	sadd.s32 s20, s3;
	s20 =	smov.u32 s15;
	[smem:$0x7FB] =	sst s25;
	vm13 =	vcmask $0x1B10;
	v16 =	vsel vm14, $0xC71, v16;
	v1 =	vsel vm0, $0xC49, v1  }
0x43: {  	s15 =	sadd.s32 $0x8CA0, s17;
	[smem:$0x7FC] =	sst s26;
	s17 =	simm.s32 $0x5;
	v18 =	vsel vm13, $0x18C, v18;
	vm14 =	vcmask $0x271C;
	v1 =	vsel vm1, $0xC4A, v1  }
0x44: {  	s12 =	simm.s32 $0x180;
	s22 =	simm.s32 $0x37A0;
	s23 =	simm.s32 $0x7620;
	v16 =	vsel vm0, $0xC72, v16;
	v18 =	vsel vm14, $0x18D, v18;
	v1 =	vsel vm4, $0xC50, v1  }
0x45: {  	v6 =	vunpack.c.0.s8.s32 v6;
	s9 =	simm.s32 $0x4420;
	s24 =	simm.s32 $0x50A0;
	[dreg:$0xe] =	wrdreg s31;
	v16 =	vsel vm1, $0xC78, v16;
	[tilespmem:$0x1FFD0] =	vst v1;
	v1 =	vsel vm15, $0x18E, v18  }
0x46: {  	s25 =	simm.s32 $0x5D20;
	s26 =	simm.s32 $0x69A0;
	[dreg:$0x12] =	wrdreg s0;
	[tilespmem:$0x1FFE0] =	vst v1;
	v1 =	vsel vm4, $0xC79, v16  }
0x47: {  	v6 =	vand.u32 $0x3, v6;
	v0 =	vimm.f32 $0.0e+00;
	s8 =	simm.s32 $0x4;
	[smem:$0x7F5] =	sst s15;
	s15 =	simm.s32 $0x1220;
	v8 =	vsel vm0, $0xFFFFFFCE, v8;
	[tilespmem:$0x1FFF0] =	vst v1  }
.LBB2_1:
0x48: {  	[smem:$0x7F2] =	sst s1;
	s0 =	simm.s32 $0x40;
	s1 =	simm.s32 $0x0  }
.LBB2_2:
0x49: {  	p1 =	sne.s32 s0, $0x3E40;
	[tilespmem:s1+$0x280] =	vst v0;
	s1 =	smov.u32 s0;
	s0 =	sadd.s32 $0x40, s0  }
.Ltmp0:
0x4a: {  	(pc) =	sbr.rel @p1 .LBB2_2-.Ltmp0, $2  }
0x4b: {  	_ =	sdelay $0x2  }
0x4c: {  	s1 =	sshra.s32 s1, $0x2  }
0x4d: {  	[tilespmem:s1+$0x280] =	vst v0;
	s0 =	rddreg [dreg:$0x4];
	s1 =	simm.s32 $0x280  }
0x4e: {  	[spmem:s0] =	stream.linear.scatter [tilespmem:s1], [sflag:$0x5], $0xFA0, $0x38;
	[tilespmem:$0x173A0] =	vst v63  }
0x4f: {  	_ =	swait.ge [sflag:s17], $0xFA0  }
0x50: {  	[sflag:s17] =	ssyncset.done $0x0  }
0x51: {  	s18 =	rddreg [dreg:$0x1a];
	[sflag:s17] =	ssyncadd.s32 $0xFFFFF060  }
0x52: {  	[spmem:s18] =	stream.linear.scatter [tilespmem:s1], [sflag:$0x5], $0xFA0, $0x38;
	[tilespmem:$0x173A0] =	vst v63  }
0x53: {  	_ =	swait.ge [sflag:s17], $0xFA0  }
0x54: {  	[sflag:s17] =	ssyncset.done $0x0  }
0x55: {  	s30 =	rddreg [dreg:$0x1b];
	[sflag:s17] =	ssyncadd.s32 $0xFFFFF060  }
0x56: {  	[spmem:s30] =	stream.linear.scatter [tilespmem:s1], [sflag:$0x5], $0xFA0, $0x38;
	[tilespmem:$0x173A0] =	vst v63  }
0x57: {  	_ =	swait.ge [sflag:s17], $0xFA0  }
0x58: {  	[sflag:s17] =	ssyncset.done $0x0  }
0x59: {  	s18 =	rddreg [dreg:$0x1c];
	[sflag:s17] =	ssyncadd.s32 $0xFFFFF060  }
0x5a: {  	[spmem:s18] =	stream.linear.scatter [tilespmem:s1], [sflag:$0x5], $0xFA0, $0x38;
	[tilespmem:$0x173A0] =	vst v63  }
0x5b: {  	_ =	swait.ge [sflag:s17], $0xFA0  }
0x5c: {  	[sflag:s17] =	ssyncset.done $0x0  }
0x5d: {  	s30 =	rddreg [dreg:$0x1d];
	[sflag:s17] =	ssyncadd.s32 $0xFFFFF060  }
0x5e: {  	[spmem:s30] =	stream.linear.scatter [tilespmem:s1], [sflag:$0x5], $0xFA0, $0x38;
	[tilespmem:$0x173A0] =	vst v63  }
0x5f: {  	_ =	swait.ge [sflag:s17], $0xFA0  }
0x60: {  	[sflag:s17] =	ssyncset.done $0x0  }
0x61: {  	s18 =	rddreg [dreg:$0x1e];
	[sflag:s17] =	ssyncadd.s32 $0xFFFFF060  }
0x62: {  	[spmem:s18] =	stream.linear.scatter [tilespmem:s1], [sflag:$0x5], $0xFA0, $0x38;
	[tilespmem:$0x173A0] =	vst v63  }
0x63: {  	_ =	swait.ge [sflag:s17], $0xFA0  }
0x64: {  	[sflag:s17] =	ssyncset.done $0x0  }
0x65: {  	s30 =	rddreg [dreg:$0x1f];
	[sflag:s17] =	ssyncadd.s32 $0xFFFFF060  }
0x66: {  	[spmem:s30] =	stream.linear.scatter [tilespmem:s1], [sflag:$0x5], $0xFA0, $0x38;
	[tilespmem:$0x173A0] =	vst v63  }
0x67: {  	_ =	swait.ge [sflag:s17], $0xFA0  }
0x68: {  	s18 =	sld [smem:$0x7F3]  }
0x69: {  	[sflag:s17] =	ssyncset.done $0x0  }
0x6a: {  	[sflag:s17] =	ssyncadd.s32 $0xFFFFF060  }
0x6b: {  	[spmem:s18] =	stream.linear.scatter [tilespmem:s1], [sflag:$0x5], $0xFA0, $0x38;
	[tilespmem:$0x173A0] =	vst v63  }
0x6c: {  	_ =	swait.ge [sflag:s17], $0xFA0  }
0x6d: {  	s30 =	sld [smem:$0x7F4]  }
0x6e: {  	[sflag:s17] =	ssyncset.done $0x0  }
0x6f: {  	[sflag:s17] =	ssyncadd.s32 $0xFFFFF060  }
0x70: {  	[spmem:s30] =	stream.linear.scatter [tilespmem:s1], [sflag:$0x5], $0xFA0, $0x38;
	[tilespmem:$0x173A0] =	vst v63  }
0x71: {  	_ =	swait.ge [sflag:s17], $0xFA0  }
0x72: {  	s18 =	sld [smem:$0x7F5]  }
0x73: {  	[sflag:s17] =	ssyncset.done $0x0  }
0x74: {  	[sflag:s17] =	ssyncadd.s32 $0xFFFFF060  }
0x75: {  	[spmem:s18] =	stream.linear.scatter [tilespmem:s1], [sflag:$0x5], $0xFA0, $0x38;
	[tilespmem:$0x173A0] =	vst v63  }
0x76: {  	_ =	swait.ge [sflag:s17], $0xFA0  }
0x77: {  	s30 =	sld [smem:$0x7F6]  }
0x78: {  	[sflag:s17] =	ssyncset.done $0x0  }
0x79: {  	[sflag:s17] =	ssyncadd.s32 $0xFFFFF060  }
0x7a: {  	[spmem:s30] =	stream.linear.scatter [tilespmem:s1], [sflag:$0x5], $0xFA0, $0x38;
	[tilespmem:$0x173A0] =	vst v63  }
0x7b: {  	_ =	swait.ge [sflag:s17], $0xFA0  }
0x7c: {  	s18 =	sld [smem:$0x7F7]  }
0x7d: {  	[sflag:s17] =	ssyncset.done $0x0  }
0x7e: {  	[sflag:s17] =	ssyncadd.s32 $0xFFFFF060  }
0x7f: {  	[spmem:s18] =	stream.linear.scatter [tilespmem:s1], [sflag:$0x5], $0xFA0, $0x38;
	[tilespmem:$0x173A0] =	vst v63  }
0x80: {  	_ =	swait.ge [sflag:s17], $0xFA0  }
0x81: {  	s30 =	sld [smem:$0x7F8]  }
0x82: {  	[sflag:s17] =	ssyncset.done $0x0  }
0x83: {  	[sflag:s17] =	ssyncadd.s32 $0xFFFFF060  }
0x84: {  	[spmem:s30] =	stream.linear.scatter [tilespmem:s1], [sflag:$0x5], $0xFA0, $0x38;
	[tilespmem:$0x173A0] =	vst v63  }
0x85: {  	_ =	swait.ge [sflag:s17], $0xFA0  }
0x86: {  	s18 =	sld [smem:$0x7F9]  }
0x87: {  	[sflag:s17] =	ssyncset.done $0x0  }
0x88: {  	[sflag:s17] =	ssyncadd.s32 $0xFFFFF060  }
0x89: {  	[spmem:s18] =	stream.linear.scatter [tilespmem:s1], [sflag:$0x5], $0xFA0, $0x38;
	[tilespmem:$0x173A0] =	vst v63  }
0x8a: {  	_ =	swait.ge [sflag:s17], $0xFA0  }
0x8b: {  	s30 =	sld [smem:$0x7FA]  }
0x8c: {  	[sflag:s17] =	ssyncset.done $0x0  }
0x8d: {  	[sflag:s17] =	ssyncadd.s32 $0xFFFFF060  }
0x8e: {  	[spmem:s30] =	stream.linear.scatter [tilespmem:s1], [sflag:$0x5], $0xFA0, $0x38;
	[tilespmem:$0x173A0] =	vst v63  }
0x8f: {  	_ =	swait.ge [sflag:s17], $0xFA0  }
0x90: {  	s18 =	sld [smem:$0x7FB]  }
0x91: {  	[sflag:s17] =	ssyncset.done $0x0  }
0x92: {  	[sflag:s17] =	ssyncadd.s32 $0xFFFFF060  }
0x93: {  	[spmem:s18] =	stream.linear.scatter [tilespmem:s1], [sflag:$0x5], $0xFA0, $0x38;
	[tilespmem:$0x173A0] =	vst v63  }
0x94: {  	_ =	swait.ge [sflag:s17], $0xFA0  }
0x95: {  	[sflag:s17] =	ssyncset.done $0x0  }
0x96: {  	v0 =	vimm.f32 $1.000000000e+00;
	[sflag:s17] =	ssyncadd.s32 $0xFFFFF060  }
0x97: {  	[tilespmem:$0x200] =	vst v0  }
0x98: {  	[tilespmem:$0x210] =	vst v0  }
0x99: {  	[tilespmem:$0x220] =	vst v0  }
0x9a: {  	[tilespmem:$0x230] =	vst v0  }
0x9b: {  	[tilespmem:$0x240] =	vst v0  }
0x9c: {  	[tilespmem:$0x250] =	vst v0  }
0x9d: {  	[tilespmem:$0x260] =	vst v0  }
0x9e: {  	[tilespmem:$0x270] =	vst v0  }
0x9f: {  	[bflag:$0x0] =	sbarrier.arrive $0xFFFF  }
0xa0: {  	s30 =	rddreg [dreg:$0x5]  }
0xa1: {  	s0 =	simm.s32 $0x0;
	s17 =	sld [smem:$0x7FC]  }
0xa2: {  	[tilespmem:s0], [sflag:$0x1] =	stream.linear.gather [hbm4b:s30+s0], $0x80, $0x38;
	[tilespmem:$0x173A0] =	vst v63  }
0xa3: {  	s18 =	sld [smem:$0x7FD]  }
0xa4: {  	[tilespmem:s2], [sflag:$0x1] =	stream.linear.gather [hbm4b:s17+s0], $0x80, $0x38;
	[tilespmem:$0x173A0] =	vst v63  }
0xa5: {  	_ = 	snop  }
0xa6: {  	[tilespmem:s10], [sflag:$0x1] =	stream.linear.gather [hbm4b:s18+s0], $0x80, $0x38;
	[tilespmem:$0x173A0] =	vst v63  }
0xa7: {  	_ =	swait.ge [sflag:s11], $0x80  }
0xa8: {  	[sflag:s11] =	ssyncset.done $0x0  }
0xa9: {  	s30 =	rddreg [dreg:$0x9];
	[sflag:s11] =	ssyncadd.s32 $0xFFFFFF80  }
0xaa: {  	[tilespmem:s12], [sflag:$0x1] =	stream.linear.gather [hbm4b:s30+s0], $0x80, $0x38;
	[tilespmem:$0x173A0] =	vst v63  }
0xab: {  	_ = 	snop  }
0xac: {  	[spmem:s3] =	stream.indirect.scatter.add.f32 [tilespmem:s13], [sflag:$0x2], $0x1, s0, s2, $0xb8;
	[tilespmem:$0x173A0] =	vst v63  }
0xad: {  	_ =	swait.ge [sflag:s11], $0x80  }
0xae: {  	[sflag:s11] =	ssyncset.done $0x0  }
0xaf: {  	[sflag:s11] =	ssyncadd.s32 $0xFFFFFF80  }
0xb0: {  	_ =	swait.ge [sflag:s14], $0x80  }
0xb1: {  	[sflag:s14] =	ssyncset.done $0x0  }
0xb2: {  	s17 =	rddreg [dreg:$0xa];
	[sflag:s14] =	ssyncadd.s32 $0xFFFFFF80  }
0xb3: {  	[tilespmem:s0], [sflag:$0x1] =	stream.linear.gather [hbm4b:s17+s0], $0x80, $0x38;
	[tilespmem:$0x173A0] =	vst v63  }
0xb4: {  	_ = 	snop  }
0xb5: {  	[spmem:s3] =	stream.indirect.scatter.add.f32 [tilespmem:s13], [sflag:$0x2], $0x1, s2, s2, $0xb8;
	[tilespmem:$0x173A0] =	vst v63  }
0xb6: {  	_ =	swait.ge [sflag:s11], $0x80  }
0xb7: {  	[sflag:s11] =	ssyncset.done $0x0  }
0xb8: {  	[sflag:s11] =	ssyncadd.s32 $0xFFFFFF80  }
0xb9: {  	_ =	swait.ge [sflag:s14], $0x80  }
0xba: {  	[sflag:s14] =	ssyncset.done $0x0  }
0xbb: {  	s18 =	rddreg [dreg:$0xb];
	[sflag:s14] =	ssyncadd.s32 $0xFFFFFF80  }
0xbc: {  	[tilespmem:s2], [sflag:$0x1] =	stream.linear.gather [hbm4b:s18+s0], $0x80, $0x38;
	[tilespmem:$0x173A0] =	vst v63  }
0xbd: {  	_ = 	snop  }
0xbe: {  	[spmem:s3] =	stream.indirect.scatter.add.f32 [tilespmem:s13], [sflag:$0x2], $0x1, s10, s2, $0xb8;
	[tilespmem:$0x173A0] =	vst v63  }
0xbf: {  	_ =	swait.ge [sflag:s11], $0x80  }
0xc0: {  	[sflag:s11] =	ssyncset.done $0x0  }
0xc1: {  	[sflag:s11] =	ssyncadd.s32 $0xFFFFFF80  }
0xc2: {  	_ =	swait.ge [sflag:s14], $0x80  }
0xc3: {  	[sflag:s14] =	ssyncset.done $0x0  }
0xc4: {  	s30 =	rddreg [dreg:$0xc];
	[sflag:s14] =	ssyncadd.s32 $0xFFFFFF80  }
0xc5: {  	[tilespmem:s10], [sflag:$0x1] =	stream.linear.gather [hbm4b:s30+s0], $0x80, $0x38;
	[tilespmem:$0x173A0] =	vst v63  }
0xc6: {  	s18 =	rddreg [dreg:$0xf]  }
0xc7: {  	[spmem:s3] =	stream.indirect.scatter.add.f32 [tilespmem:s13], [sflag:$0x2], $0x1, s12, s2, $0xb8;
	[tilespmem:$0x173A0] =	vst v63  }
.LBB2_4:
0xc8: {  	_ =	swait.ge [sflag:s11], $0x80  }
0xc9: {  	[sflag:s11] =	ssyncset.done $0x0  }
0xca: {  	[sflag:s11] =	ssyncadd.s32 $0xFFFFFF80  }
0xcb: {  	_ =	swait.ge [sflag:s14], $0x80  }
0xcc: {  	[sflag:s14] =	ssyncset.done $0x0;
	s1 =	rddreg [dreg:$0x10]  }
0xcd: {  	[sflag:s14] =	ssyncadd.s32 $0xFFFFFF80;
	s1 =	sadd.s32 s0, s1  }
0xce: {  	[tilespmem:s12], [sflag:$0x1] =	stream.linear.gather [hbm4b:s1+s4], $0x80, $0x38;
	[tilespmem:$0x173A0] =	vst v63  }
0xcf: {  	_ = 	snop  }
0xd0: {  	[spmem:s3] =	stream.indirect.scatter.add.f32 [tilespmem:s13], [sflag:$0x2], $0x1, s4, s2, $0xb8;
	[tilespmem:$0x173A0] =	vst v63  }
0xd1: {  	_ =	swait.ge [sflag:s11], $0x80  }
0xd2: {  	[sflag:s11] =	ssyncset.done $0x0  }
0xd3: {  	[sflag:s11] =	ssyncadd.s32 $0xFFFFFF80  }
0xd4: {  	_ =	swait.ge [sflag:s14], $0x80  }
0xd5: {  	p1 =	seq.s32 s0, $0xC00;
	[sflag:s14] =	ssyncset.done $0x0  }
0xd6: {  	s17 =	simm.s32 @p1 $0x200;
	s1 =	simm.s32 @p1 $0x80;
	[sflag:s14] =	ssyncadd.s32 $0xFFFFFF80  }
0xd7: {  	[spmem:s3] =	stream.indirect.scatter.add.f32 @p1 [tilespmem:s17], [sflag:$0x2], $0x1, s1, s1, $0xb8;
	[tilespmem:$0x173A0] =	vst v63  }
0xd8: {  	s1 =	simm.s32 @p1 $0x1  }
0xd9: {  	_ =	swait.ge @p1 [sflag:s1], $0x80  }
0xda: {  	[sflag:s1] =	ssyncset.done @p1 $0x0  }
0xdb: {  	[sflag:s1] =	ssyncadd.s32 @p1 $0xFFFFFF80;
	s1 =	simm.s32 @p1 $0x2  }
0xdc: {  	_ =	swait.ge @p1 [sflag:s1], $0x80  }
0xdd: {  	[sflag:s1] =	ssyncset.done @p1 $0x0  }
0xde: {  	s17 =	simm.s32 @!p1 $0x0;
	[sflag:s1] =	ssyncadd.s32 @p1 $0xFFFFFF80;
	s1 =	sadd.s32 @!p1 s0, s18  }
0xdf: {  	[tilespmem:s17], [sflag:$0x1] =	stream.linear.gather @!p1 [hbm4b:s1+s17], $0x80, $0x38;
	[tilespmem:$0x173A0] =	vst v63  }
0xe0: {  	s30 =	simm.s32 @!p1 $0x200;
	s1 =	simm.s32 @!p1 $0x80  }
0xe1: {  	[spmem:s3] =	stream.indirect.scatter.add.f32 @!p1 [tilespmem:s30], [sflag:$0x2], $0x1, s1, s1, $0xb8;
	[tilespmem:$0x173A0] =	vst v63  }
0xe2: {  	s30 =	simm.s32 @!p1 $0x1  }
0xe3: {  	_ =	swait.ge @!p1 [sflag:s30], $0x80  }
0xe4: {  	[sflag:s30] =	ssyncset.done @!p1 $0x0  }
0xe5: {  	[sflag:s30] =	ssyncadd.s32 @!p1 $0xFFFFFF80;
	s30 =	simm.s32 @!p1 $0x2  }
0xe6: {  	_ =	swait.ge @!p1 [sflag:s30], $0x80  }
0xe7: {  	[sflag:s30] =	ssyncset.done @!p1 $0x0  }
0xe8: {  	[sflag:s30] =	ssyncadd.s32 @!p1 $0xFFFFFF80;
	s30 =	sadd.s32 @!p1 s0, s31  }
0xe9: {  	[tilespmem:s1], [sflag:$0x1] =	stream.linear.gather @!p1 [hbm4b:s30+s17], $0x80, $0x38;
	[tilespmem:$0x173A0] =	vst v63  }
0xea: {  	_ = 	snop  }
0xeb: {  	[spmem:s3] =	stream.indirect.scatter.add.f32 [tilespmem:s13], [sflag:$0x2], $0x1, s10, s2, $0xb8;
	[tilespmem:$0x173A0] =	vst v63  }
0xec: {  	_ =	swait.ge [sflag:s11], $0x80  }
.Ltmp1:
0xed: {  	[sflag:s11] =	ssyncset.done $0x0;
	(pc) =	sbr.rel @p1 .LBB2_6-.Ltmp1, $4  }
0xee: {  	[sflag:s11] =	ssyncadd.s32 $0xFFFFFF80  }
0xef: {  	_ =	swait.ge [sflag:s14], $0x80  }
0xf0: {  	[sflag:s14] =	ssyncset.done $0x0  }
0xf1: {  	[sflag:s14] =	ssyncadd.s32 $0xFFFFFF80  }
.Ltmp2:
0xf2: {  	(pc) =	sbr.rel .LBB2_4-.Ltmp2, $4  }
0xf3: {  	s1 =	sadd.s32 s0, s19  }
0xf4: {  	[tilespmem:s10], [sflag:$0x1] =	stream.linear.gather [hbm4b:s1+s4], $0x80, $0x38;
	[tilespmem:$0x173A0] =	vst v63  }
0xf5: {  	s0 =	sadd.s32 $0x40, s0  }
0xf6: {  	[spmem:s3] =	stream.indirect.scatter.add.f32 [tilespmem:s13], [sflag:$0x2], $0x1, s12, s2, $0xb8;
	[tilespmem:$0x173A0] =	vst v63  }
.LBB2_6:
0xf7: {  	[spmem:s3] =	stream.indirect.scatter.add.f32 [tilespmem:s13], [sflag:$0x2], $0x1, s12, s2, $0xb8;
	[tilespmem:$0x173A0] =	vst v63  }
0xf8: {  	_ =	swait.ge [sflag:s14], $0x80  }
0xf9: {  	[sflag:s14] =	ssyncset.done $0x0  }
0xfa: {  	[sflag:s14] =	ssyncadd.s32 $0xFFFFFF80  }
0xfb: {  	[bflag:$0x0] =	sbarrier.arrive $0xFFFF  }
0xfc: {  	s30 =	simm.s32 $0x0;
	s0 =	rddreg [dreg:$0x6]  }
0xfd: {  	[tilespmem:s15], [sflag:$0x3] =	stream.linear.gather [hbm4b:s0+s30], $0xC80, $0x38;
	[tilespmem:$0x173A0] =	vst v63  }
0xfe: {  	s17 =	rddreg [dreg:$0x7]  }
0xff: {  	[tilespmem:s16], [sflag:$0x3] =	stream.linear.gather [hbm4b:s17+s30], $0xC80, $0x38;
	[tilespmem:$0x173A0] =	vst v63  }
0x100: {  	s18 =	rddreg [dreg:$0x8]  }
0x101: {  	[tilespmem:s21], [sflag:$0x3] =	stream.linear.gather [hbm4b:s18+s30], $0xC80, $0x38;
	[tilespmem:$0x173A0] =	vst v63  }
0x102: {  	s19 =	rddreg [dreg:$0x11]  }
0x103: {  	[tilespmem:s22], [sflag:$0x3] =	stream.linear.gather [hbm4b:s19+s30], $0xC80, $0x38;
	[tilespmem:$0x173A0] =	vst v63  }
0x104: {  	s31 =	rddreg [dreg:$0x12]  }
0x105: {  	[tilespmem:s23], [sflag:$0x4] =	stream.linear.gather [spmem:s31], $0x190, $0x38;
	[tilespmem:$0x173A0] =	vst v63  }
0x106: {  	s1 =	rddreg [dreg:$0x13]  }
0x107: {  	[tilespmem:s9], [sflag:$0x3] =	stream.linear.gather [hbm4b:s1+s30], $0xC80, $0x38;
	[tilespmem:$0x173A0] =	vst v63  }
0x108: {  	s17 =	rddreg [dreg:$0x14]  }
0x109: {  	[tilespmem:s24], [sflag:$0x3] =	stream.linear.gather [hbm4b:s17+s30], $0xC80, $0x38;
	[tilespmem:$0x173A0] =	vst v63  }
0x10a: {  	s18 =	rddreg [dreg:$0x15]  }
0x10b: {  	[tilespmem:s25], [sflag:$0x3] =	stream.linear.gather [hbm4b:s18+s30], $0xC80, $0x38;
	[tilespmem:$0x173A0] =	vst v63  }
0x10c: {  	s19 =	rddreg [dreg:$0x16]  }
0x10d: {  	[tilespmem:s26], [sflag:$0x3] =	stream.linear.gather [hbm4b:s19+s30], $0xC80, $0x38;
	[tilespmem:$0x173A0] =	vst v63  }
0x10e: {  	v22 =	vimm.f32 $0.0e+00;
	v31 =	vimm.f32 $0.0e+00;
	v63 =	vimm.f32 $0.0e+00;
	s31 =	rddreg [dreg:$0x17]  }
0x10f: {  	v62 =	vimm.f32 $0.0e+00;
	v30 =	vimm.f32 $0.0e+00;
	v61 =	vimm.f32 $0.0e+00;
	[tilespmem:s28], [sflag:$0x4] =	stream.linear.gather [spmem:s31], $0x190, $0x38;
	[tilespmem:$0x173A0] =	vst v63  }
.LBB2_7:
0x110: {  	_ =	swait.ge [sflag:s29], $0xC80  }
0x111: {  	[sflag:s29] =	ssyncset.done $0x0  }
0x112: {  	[sflag:s29] =	ssyncadd.s32 $0xFFFFF380  }
0x113: {  	_ =	swait.ge [sflag:s29], $0xC80  }
0x114: {  	[sflag:s29] =	ssyncset.done $0x0  }
0x115: {  	[sflag:s29] =	ssyncadd.s32 $0xFFFFF380  }
0x116: {  	_ =	swait.ge [sflag:s29], $0xC80  }
0x117: {  	[sflag:s29] =	ssyncset.done $0x0  }
0x118: {  	[sflag:s29] =	ssyncadd.s32 $0xFFFFF380  }
0x119: {  	s17 =	simm.s32 $0x0;
	_ =	swait.ge [sflag:s29], $0xC80  }
0x11a: {  	v24 =	vor.u32 s17, v2;
	[sflag:s29] =	ssyncset.done $0x0  }
0x11b: {  	s0 =	simm.s32 $0x30;
	s1 =	simm.s32 $0x10;
	[sflag:s29] =	ssyncadd.s32 $0xFFFFF380  }
0x11c: {  	v1 =	vor.u32 s0, v4;
	v16 =	vor.u32 s1, v2;
	_ =	swait.ge [sflag:s8], $0x190  }
0x11d: {  	s31 =	simm.s32 $0x20;
	v18 =	vand.u32 v14, v1;
	[sflag:s8] =	ssyncset.done $0x0  }
0x11e: {  	v20 =	vor.u32 s0, v2;
	v23 =	vor.u32 s17, v4;
	v34 =	vor.u32 s31, v4;
	[sflag:s8] =	ssyncadd.s32 $0xFFFFFE70  }
0x11f: {  	v25 =	vshll.u32 v24, $0x3;
	v27 =	vand.u32 v5, v23;
	v38 =	vld.idx.msk [tilespmem:v24+s23+$0x0], $0xffff;
	v24 =	vshll.u32 v34, $0x3  }
0x120: {  	v39 =	vor.u32 v6, v24  }
0x121: {  	v25 =	vor.u32 v3, v25;
	v44 =	vld.idx.msk [tilespmem:v16+s23+$0x0], $0xffff  }
0x122: {  	v50 =	vld.idx.msk [tilespmem:v18+s23+$0x0], $0xffff  }
0x123: {  	v35 =	vand.u32 v12, v34;
	v18 =	vor.u32 s1, v4;
	v46 =	vld.idx.msk [tilespmem:v20+s23+$0x0], $0xffff  }
0x124: {  	v20 =	vshll.u32 v20, $0x3;
	v34 =	vld.idx.msk [tilespmem:v27+s23+$0x0], $0xffff;
	v37 =	vand.u32 v10, v18  }
0x125: {  	v20 =	vor.u32 v3, v20;
	v0 =	vld.idx.msk [tilespmem:v39+s16+$0x0], $0xffff  }
0x126: {  	v27 =	vld.idx.msk [tilespmem:v25+s16+$0x0], $0xffff  }
0x127: {  	v40 =	vld.idx.msk [tilespmem:v25+s21+$0x0], $0xffff  }
0x128: {  	v42 =	vld.idx.msk [tilespmem:v35+s23+$0x0], $0xffff  }
0x129: {  	v37 =	vld.idx.msk [tilespmem:v37+s23+$0x0], $0xffff  }
0x12a: {  	v41 =	vld.idx.msk [tilespmem:v20+s22+$0x0], $0xffff;
	[tilespmem:$0x1FF80] =	vst v0  }
0x12b: {  	v1 =	vshll.u32 v1, $0x3;
	v0 =	vld.idx.msk [tilespmem:v20+s15+$0x0], $0xffff  }
0x12c: {  	v1 =	vor.u32 v6, v1;
	_ =	sdelay $0x3  }
0x12d: {  	v60 =	vor.u32 s31, v2;
	[tilespmem:$0x1FF70] =	vst v0  }
0x12e: {  	v24 =	vshll.u32 v60, $0x3;
	v0 =	vld.idx.msk [tilespmem:v1+s15+$0x0], $0xffff  }
0x12f: {  	v43 =	vor.u32 v3, v24  }
0x130: {  	v45 =	vor.u32 s31, v7  }
0x131: {  	v24 =	vshll.u32 v45, $0x3  }
0x132: {  	v48 =	vor.u32 v9, v24;
	v47 =	vld.idx.msk [tilespmem:v20+s16+$0x0], $0xffff  }
0x133: {  	v49 =	vld.idx.msk [tilespmem:v39+s21+$0x0], $0xffff;
	[tilespmem:$0x1FF90] =	vst v0  }
0x134: {  	v16 =	vshll.u32 v16, $0x3;
	v51 =	vld.idx.msk [tilespmem:v43+s21+$0x0], $0xffff  }
0x135: {  	v16 =	vor.u32 v3, v16;
	v52 =	vld.idx.msk [tilespmem:v39+s15+$0x0], $0xffff  }
0x136: {  	v53 =	vld.idx.msk [tilespmem:v43+s15+$0x0], $0xffff  }
0x137: {  	v54 =	vld.idx.msk [tilespmem:v48+s16+$0x0], $0xffff  }
0x138: {  	v23 =	vshll.u32 v23, $0x3;
	v24 =	vld.idx.msk [tilespmem:v48+s15+$0x0], $0xffff  }
0x139: {  	v23 =	vor.u32 v6, v23;
	v55 =	vld.idx.msk [tilespmem:v25+s15+$0x0], $0xffff  }
0x13a: {  	v56 =	vor.u32 s17, v7;
	v57 =	vld.idx.msk [tilespmem:v16+s21+$0x0], $0xffff  }
0x13b: {  	v58 =	vshll.u32 v56, $0x3;
	v59 =	vld.idx.msk [tilespmem:v16+s15+$0x0], $0xffff  }
0x13c: {  	v58 =	vor.u32 v9, v58;
	v60 =	vld.idx.msk [tilespmem:v60+s23+$0x0], $0xffff  }
0x13d: {  	v35 =	vld.idx.msk [tilespmem:v48+s22+$0x0], $0xffff  }
0x13e: {  	v32 =	vmov v30;
	v30 =	vmov v61;
	v61 =	vld.idx.msk [tilespmem:v23+s22+$0x0], $0xffff  }
0x13f: {  	v33 =	vmov v62;
	v56 =	vand.u32 v8, v56;
	v62 =	vld.idx.msk [tilespmem:v23+s15+$0x0], $0xffff  }
0x140: {  	v36 =	vmov v63;
	v63 =	vld.idx.msk [tilespmem:v23+s16+$0x0], $0xffff  }
0x141: {  	v17 =	vld.idx.msk [tilespmem:v58+s22+$0x0], $0xffff  }
0x142: {  	v19 =	vld.idx.msk [tilespmem:v16+s22+$0x0], $0xffff  }
0x143: {  	v18 =	vshll.u32 v18, $0x3;
	v23 =	vld.idx.msk [tilespmem:v23+s21+$0x0], $0xffff  }
0x144: {  	v18 =	vor.u32 v6, v18;
	v56 =	vld.idx.msk [tilespmem:v56+s23+$0x0], $0xffff  }
0x145: {  	v21 =	vld.idx.msk [tilespmem:v58+s16+$0x0], $0xffff  }
0x146: {  	v0 =	vld.idx.msk [tilespmem:v58+s21+$0x0], $0xffff  }
0x147: {  	v26 =	vor.u32 s1, v7;
	v58 =	vld.idx.msk [tilespmem:v58+s15+$0x0], $0xffff  }
0x148: {  	v28 =	vshll.u32 v26, $0x3;
	v25 =	vld.idx.msk [tilespmem:v25+s22+$0x0], $0xffff  }
0x149: {  	v28 =	vor.u32 v9, v28;
	v29 =	vld.idx.msk [tilespmem:v18+s15+$0x0], $0xffff  }
0x14a: {  	v16 =	vld.idx.msk [tilespmem:v16+s16+$0x0], $0xffff  }
0x14b: {  	v41 =	vadd.f32 v41, v47;
	v20 =	vld.idx.msk [tilespmem:v20+s21+$0x0], $0xffff  }
0x14c: {  	v47 =	vadd.f32 v49, v52;
	v49 =	vld.idx.msk [tilespmem:v18+s22+$0x0], $0xffff;
	v40 =	vadd.f32 v40, v55  }
0x14d: {  	v61 =	vadd.f32 v61, v63;
	v17 =	vadd.f32 v17, v21;
	v21 =	vld.idx.msk [tilespmem:v18+s16+$0x0], $0xffff  }
0x14e: {  	v63 =	vadd.f32 v25, v27;
	v27 =	vadd.f32 v35, v54;
	v54 =	vld.idx.msk [tilespmem:v28+s15+$0x0], $0xffff  }
0x14f: {  	v62 =	vadd.f32 v23, v62;
	v23 =	vmul.f32 v41, v46;
	v16 =	vadd.f32 v19, v16;
	v19 =	vld.idx.msk [tilespmem:v1+s21+$0x0], $0xffff  }
0x150: {  	v0 =	vadd.f32 v0, v58;
	v40 =	vmul.f32 v40, v38;
	v41 =	vmul.f32 v61, v34;
	v61 =	vld.idx.msk [tilespmem:v18+s21+$0x0], $0xffff  }
0x151: {  	v17 =	vmul.f32 v17, v56;
	v18 =	vmul.f32 v62, v34;
	v34 =	vld.idx.msk [tilespmem:v39+s22+$0x0], $0xffff  }
0x152: {  	v0 =	vmul.f32 v0, v56;
	v39 =	vand.u32 v13, v45;
	v45 =	vld.idx.msk [tilespmem:v43+s22+$0x0], $0xffff;
	v56 =	vadd.f32 v57, v59  }
0x153: {  	v43 =	vld.idx.msk [tilespmem:v43+s16+$0x0], $0xffff;
	v25 =	vadd.f32 v17, v31;
	v31 =	vmul.f32 v63, v38  }
0x154: {  	v57 =	vld.idx.msk [tilespmem:v1+s16+$0x0], $0xffff;
	v17 =	vadd.f32 v40, v30;
	v30 =	vadd.f32 v0, v33;
	v0 =	vmul.f32 v56, v44  }
0x155: {  	v58 =	vadd.f32 v51, v53;
	v1 =	vld.idx.msk [tilespmem:v1+s22+$0x0], $0xffff;
	v16 =	vmul.f32 v16, v44;
	v31 =	vadd.f32 v31, v36  }
0x156: {  	v26 =	vand.u32 v11, v26;
	v21 =	vadd.f32 v49, v21;
	v0 =	vadd.f32 v0, v17;
	v17 =	vld [tilespmem:$0x1FF80]  }
0x157: {  	v38 =	vor.u32 s0, v7;
	v29 =	vadd.f32 v61, v29;
	v35 =	vadd.f32 v16, v31;
	v16 =	vld [tilespmem:$0x1FF90]  }
0x158: {  	v22 =	vadd.f32 v41, v22;
	v62 =	vshll.u32 v38, $0x3;
	v21 =	vmul.f32 v21, v37;
	v61 =	vld [tilespmem:$0x1FF70]  }
0x159: {  	v59 =	vld.idx.msk [tilespmem:v28+s21+$0x0], $0xffff;
	v63 =	vadd.f32 v18, v32;
	v18 =	vor.u32 v9, v62;
	v29 =	vmul.f32 v29, v37  }
0x15a: {  	v40 =	vld.idx.msk [tilespmem:v28+s22+$0x0], $0xffff;
	v62 =	vmul.f32 v58, v60;
	v1 =	vadd.f32 v1, v57;
	v21 =	vadd.f32 v21, v22  }
0x15b: {  	v41 =	vld.idx.msk [tilespmem:v48+s21+$0x0], $0xffff;
	v17 =	vadd.f32 v34, v17;
	v63 =	vadd.f32 v29, v63  }
0x15c: {  	v47 =	vmul.f32 v47, v42;
	v37 =	vld.idx.msk [tilespmem:v28+s16+$0x0], $0xffff;
	v29 =	vadd.f32 v62, v0;
	v16 =	vadd.f32 v19, v16  }
0x15d: {  	v33 =	vld.idx.msk [tilespmem:v26+s23+$0x0], $0xffff;
	v32 =	vmul.f32 v1, v50;
	v0 =	vadd.f32 v45, v43;
	v20 =	vadd.f32 v20, v61  }
0x15e: {  	v34 =	vld.idx.msk [tilespmem:v39+s23+$0x0], $0xffff;
	v17 =	vmul.f32 v17, v42;
	v19 =	vadd.f32 v47, v63;
	v16 =	vmul.f32 v16, v50  }
0x15f: {  	v1 =	vand.u32 v15, v38;
	v36 =	vld.idx.msk [tilespmem:v18+s16+$0x0], $0xffff;
	v39 =	vadd.f32 v59, v54;
	v43 =	vmul.f32 v0, v60  }
0x160: {  	s31 =	simm.s32 $0x70;
	s1 =	simm.s32 $0x0;
	v42 =	vld.idx.msk [tilespmem:v18+s22+$0x0], $0xffff;
	v28 =	vmul.f32 v20, v46;
	v31 =	vadd.f32 v17, v21;
	v22 =	vadd.f32 v16, v19  }
.LBB2_8:
0x161: {  	s17 =	sadd.s32 $0xFFFFFFD0, s31;
	s0 =	sadd.s32 $0xFFFFFFE0, s31;
	s18 =	sadd.s32 $0xFFFFFFF0, s31;
	v0 =	vor.u32 s31, v2;
	v16 =	vor.u32 s31, v4;
	v17 =	vadd.f32 v40, v37;
	v19 =	vld.idx.msk [tilespmem:v18+s15+$0x0], $0xffff  }
0x162: {  	s1 =	sadd.s32 $0x4, s1;
	v24 =	vadd.f32 v41, v24;
	v20 =	vor.u32 s17, v4;
	v21 =	vor.u32 s17, v7  }
0x163: {  	v37 =	vor.u32 s17, v2;
	v26 =	vor.u32 s0, v2;
	p1 =	slt.u32 s1, $0x14;
	v27 =	vmul.f32 v27, v34  }
0x164: {  	v41 =	vor.u32 s0, v4;
	v44 =	vand.u32 v14, v16;
	v40 =	vshll.u32 v21, $0x3;
	v18 =	vld.idx.msk [tilespmem:v18+s21+$0x0], $0xffff  }
0x165: {  	v43 =	vadd.f32 v43, v35;
	v38 =	vshll.u32 v37, $0x3;
	v45 =	vshll.u32 v26, $0x3  }
0x166: {  	v47 =	vor.u32 s18, v2;
	v46 =	vand.u32 v5, v20;
	v24 =	vmul.f32 v24, v34  }
0x167: {  	v20 =	vshll.u32 v20, $0x3;
	v48 =	vor.u32 v3, v38;
	v34 =	vmul.f32 v39, v33;
	v1 =	vld.idx.msk [tilespmem:v1+s23+$0x0], $0xffff  }
0x168: {  	v16 =	vshll.u32 v16, $0x3;
	v20 =	vor.u32 v6, v20;
	v39 =	vadd.f32 v42, v36;
	v35 =	vld.idx.msk [tilespmem:v26+s23+$0x0], $0xffff  }
0x169: {  	v38 =	vor.u32 s18, v7;
	v36 =	vor.u32 s18, v4;
	v30 =	vadd.f32 v34, v30;
	v26 =	vld.idx.msk [tilespmem:v44+s23+$0x0], $0xffff  }
0x16a: {  	v17 =	vmul.f32 v17, v33;
	v42 =	vand.u32 v10, v41;
	v44 =	vand.u32 v12, v36;
	v34 =	vld.idx.msk [tilespmem:v0+s23+$0x0], $0xffff  }
0x16b: {  	v33 =	vadd.f32 v23, v43;
	v36 =	vshll.u32 v36, $0x3;
	v0 =	vshll.u32 v0, $0x3;
	v49 =	vld.idx.msk [tilespmem:v37+s23+$0x0], $0xffff  }
0x16c: {  	v40 =	vor.u32 v9, v40;
	v0 =	vor.u32 v3, v0;
	v37 =	vor.u32 v6, v16;
	v43 =	vld.idx.msk [tilespmem:v46+s23+$0x0], $0xffff  }
0x16d: {  	v18 =	vadd.f32 v18, v19;
	v50 =	vor.u32 v6, v36;
	v16 =	vadd.f32 v24, v30;
	v46 =	vld.idx.msk [tilespmem:v48+s16+$0x0], $0xffff  }
0x16e: {  	v23 =	vshll.u32 v47, $0x3;
	v17 =	vadd.f32 v17, v25;
	v24 =	vshll.u32 v38, $0x3;
	v19 =	vld.idx.msk [tilespmem:v48+s21+$0x0], $0xffff  }
0x16f: {  	v30 =	vor.u32 v3, v23;
	v18 =	vmul.f32 v18, v1;
	v23 =	vmul.f32 v39, v1;
	v36 =	vld.idx.msk [tilespmem:v44+s23+$0x0], $0xffff  }
0x170: {  	v31 =	vadd.f32 v32, v31;
	v21 =	vand.u32 v8, v21;
	v17 =	vadd.f32 v27, v17;
	v1 =	vld.idx.msk [tilespmem:v42+s23+$0x0], $0xffff  }
0x171: {  	v28 =	vadd.f32 v28, v29;
	v32 =	vor.u32 s0, v7;
	v29 =	vadd.f32 v18, v16;
	v25 =	vld.idx.msk [tilespmem:v0+s22+$0x0], $0xffff  }
0x172: {  	v39 =	vshll.u32 v32, $0x3;
	v18 =	vor.u32 v3, v45;
	v17 =	vadd.f32 v23, v17;
	v42 =	vld.idx.msk [tilespmem:v50+s16+$0x0], $0xffff  }
0x173: {  	v44 =	vld.idx.msk [tilespmem:v0+s15+$0x0], $0xffff  }
0x174: {  	v23 =	vshll.u32 v41, $0x3;
	v16 =	vor.u32 v9, v24;
	v24 =	vld.idx.msk [tilespmem:v0+s16+$0x0], $0xffff  }
0x175: {  	v41 =	vor.u32 v6, v23;
	v27 =	vld.idx.msk [tilespmem:v50+s21+$0x0], $0xffff  }
0x176: {  	v45 =	vld.idx.msk [tilespmem:v37+s15+$0x0], $0xffff  }
0x177: {  	v51 =	vld.idx.msk [tilespmem:v30+s21+$0x0], $0xffff  }
0x178: {  	v52 =	vld.idx.msk [tilespmem:v50+s15+$0x0], $0xffff  }
0x179: {  	v53 =	vld.idx.msk [tilespmem:v30+s15+$0x0], $0xffff  }
0x17a: {  	v23 =	vadd.f32 v25, v24;
	v54 =	vld.idx.msk [tilespmem:v16+s16+$0x0], $0xffff  }
0x17b: {  	v24 =	vld.idx.msk [tilespmem:v16+s15+$0x0], $0xffff  }
0x17c: {  	v23 =	vmul.f32 v23, v34;
	v25 =	vld.idx.msk [tilespmem:v48+s15+$0x0], $0xffff  }
0x17d: {  	v55 =	vld.idx.msk [tilespmem:v18+s21+$0x0], $0xffff  }
0x17e: {  	v27 =	vadd.f32 v27, v52;
	v56 =	vld.idx.msk [tilespmem:v18+s15+$0x0], $0xffff  }
0x17f: {  	v47 =	vld.idx.msk [tilespmem:v47+s23+$0x0], $0xffff  }
0x180: {  	v52 =	vmul.f32 v27, v36;
	v27 =	vld.idx.msk [tilespmem:v16+s22+$0x0], $0xffff  }
0x181: {  	v57 =	vld.idx.msk [tilespmem:v20+s22+$0x0], $0xffff  }
0x182: {  	v19 =	vadd.f32 v19, v25;
	v25 =	vld.idx.msk [tilespmem:v20+s15+$0x0], $0xffff  }
0x183: {  	v58 =	vld.idx.msk [tilespmem:v20+s16+$0x0], $0xffff  }
0x184: {  	v19 =	vmul.f32 v19, v49;
	v59 =	vld.idx.msk [tilespmem:v40+s22+$0x0], $0xffff  }
0x185: {  	v60 =	vld.idx.msk [tilespmem:v18+s22+$0x0], $0xffff  }
0x186: {  	v27 =	vadd.f32 v27, v54;
	v20 =	vld.idx.msk [tilespmem:v20+s21+$0x0], $0xffff  }
0x187: {  	v21 =	vld.idx.msk [tilespmem:v21+s23+$0x0], $0xffff  }
0x188: {  	v54 =	vld.idx.msk [tilespmem:v40+s16+$0x0], $0xffff  }
0x189: {  	v57 =	vadd.f32 v57, v58;
	v58 =	vld.idx.msk [tilespmem:v40+s21+$0x0], $0xffff  }
0x18a: {  	v40 =	vld.idx.msk [tilespmem:v40+s15+$0x0], $0xffff  }
0x18b: {  	v57 =	vmul.f32 v57, v43;
	v48 =	vld.idx.msk [tilespmem:v48+s22+$0x0], $0xffff  }
0x18c: {  	v20 =	vadd.f32 v20, v25;
	v61 =	vld.idx.msk [tilespmem:v41+s15+$0x0], $0xffff  }
0x18d: {  	v39 =	vor.u32 v9, v39;
	v62 =	vld.idx.msk [tilespmem:v41+s22+$0x0], $0xffff  }
0x18e: {  	v20 =	vmul.f32 v20, v43;
	v25 =	vadd.f32 v59, v54;
	v18 =	vld.idx.msk [tilespmem:v18+s16+$0x0], $0xffff  }
0x18f: {  	v43 =	vld.idx.msk [tilespmem:v41+s16+$0x0], $0xffff  }
0x190: {  	v40 =	vadd.f32 v58, v40;
	v25 =	vmul.f32 v25, v21;
	v0 =	vld.idx.msk [tilespmem:v0+s21+$0x0], $0xffff  }
0x191: {  	v46 =	vadd.f32 v48, v46;
	v41 =	vld.idx.msk [tilespmem:v41+s21+$0x0], $0xffff  }
0x192: {  	v21 =	vmul.f32 v40, v21;
	v25 =	vadd.f32 v25, v17;
	v17 =	vld.idx.msk [tilespmem:v39+s15+$0x0], $0xffff  }
0x193: {  	v32 =	vand.u32 v11, v32;
	v19 =	vadd.f32 v19, v28;
	v28 =	vmul.f32 v46, v49;
	v40 =	vld.idx.msk [tilespmem:v50+s22+$0x0], $0xffff  }
0x194: {  	v38 =	vand.u32 v13, v38;
	v48 =	vor.u32 s31, v7;
	v18 =	vadd.f32 v60, v18;
	v46 =	vld.idx.msk [tilespmem:v37+s21+$0x0], $0xffff  }
0x195: {  	v20 =	vadd.f32 v20, v22;
	v49 =	vshll.u32 v48, $0x3;
	v22 =	vadd.f32 v62, v43;
	v43 =	vld.idx.msk [tilespmem:v30+s22+$0x0], $0xffff  }
0x196: {  	v50 =	vadd.f32 v55, v56;
	v54 =	vmul.f32 v18, v35;
	v18 =	vor.u32 v9, v49;
	v55 =	vld.idx.msk [tilespmem:v30+s16+$0x0], $0xffff  }
0x197: {  	v31 =	vadd.f32 v57, v31;
	v41 =	vadd.f32 v41, v61;
	v22 =	vmul.f32 v22, v1;
	v49 =	vld.idx.msk [tilespmem:v37+s16+$0x0], $0xffff  }
0x198: {  	v30 =	vadd.f32 v21, v29;
	v21 =	vmul.f32 v50, v35;
	v29 =	vadd.f32 v51, v53;
	v50 =	vld.idx.msk [tilespmem:v37+s22+$0x0], $0xffff  }
0x199: {  	v33 =	vadd.f32 v28, v33;
	v0 =	vadd.f32 v0, v44;
	v1 =	vmul.f32 v41, v1;
	v51 =	vld.idx.msk [tilespmem:v39+s21+$0x0], $0xffff  }
0x19a: {  	v19 =	vadd.f32 v21, v19;
	v21 =	vmul.f32 v29, v47;
	v29 =	vadd.f32 v40, v42;
	v37 =	vld.idx.msk [tilespmem:v39+s16+$0x0], $0xffff  }
0x19b: {  	v28 =	vmul.f32 v0, v34;
	v1 =	vadd.f32 v1, v20;
	v20 =	vadd.f32 v22, v31;
	v40 =	vld.idx.msk [tilespmem:v39+s22+$0x0], $0xffff  }
.Ltmp3:
0x19c: {  	v35 =	vadd.f32 v54, v33;
	v0 =	vmul.f32 v29, v36;
	v41 =	vld.idx.msk [tilespmem:v16+s21+$0x0], $0xffff;
	v16 =	vadd.f32 v46, v45;
	(pc) =	sbr.rel @p1 .LBB2_8-.Ltmp3, $4  }
0x19d: {  	v29 =	vadd.f32 v21, v19;
	v19 =	vadd.f32 v43, v55;
	v34 =	vld.idx.msk [tilespmem:v38+s23+$0x0], $0xffff  }
0x19e: {  	v1 =	vadd.f32 v52, v1;
	v21 =	vadd.f32 v50, v49;
	v16 =	vmul.f32 v16, v26;
	v36 =	vld.idx.msk [tilespmem:v18+s16+$0x0], $0xffff  }
0x19f: {  	v31 =	vadd.f32 v0, v20;
	v43 =	vmul.f32 v19, v47;
	v39 =	vadd.f32 v51, v17;
	v33 =	vld.idx.msk [tilespmem:v32+s23+$0x0], $0xffff  }
0x1a0: {  	s31 =	sadd.s32 $0x40, s31;
	v32 =	vmul.f32 v21, v26;
	v22 =	vadd.f32 v16, v1;
	v1 =	vand.u32 v15, v48;
	v42 =	vld.idx.msk [tilespmem:v18+s22+$0x0], $0xffff  }
0x1a1: {  	_ =	sdelay $0x3  }
0x1a2: {  	v0 =	vld.idx.msk [tilespmem:v18+s15+$0x0], $0xffff;
	_ =	sdelay $0x4  }
0x1a3: {  	[tilespmem:$0x1FE20] =	vst v0  }
0x1a4: {  	v0 =	vld.idx.msk [tilespmem:v18+s21+$0x0], $0xffff;
	_ =	sdelay $0x4  }
0x1a5: {  	[tilespmem:$0x1FE30] =	vst v0;
	v0 =	vld [tilespmem:$0x1FFA0];
	_ =	sdelay $0x7  }
0x1a6: {  	v56 =	vld.idx.msk [tilespmem:v0+s23+$0x0], $0xffff  }
0x1a7: {  	v0 =	vld [tilespmem:$0x1FFB0];
	_ =	sdelay $0x6  }
0x1a8: {  	v50 =	vld.idx.msk [tilespmem:v1+s23+$0x0], $0xffff  }
0x1a9: {  	v1 =	vld.idx.msk [tilespmem:v0+s15+$0x0], $0xffff;
	_ =	sdelay $0x4  }
0x1aa: {  	[tilespmem:$0x1FE40] =	vst v1;
	v1 =	vld.idx.msk [tilespmem:v0+s21+$0x0], $0xffff;
	_ =	sdelay $0x4  }
0x1ab: {  	[tilespmem:$0x1FE50] =	vst v1;
	v1 =	vld.idx.msk [tilespmem:v0+s16+$0x0], $0xffff  }
0x1ac: {  	v0 =	vld.idx.msk [tilespmem:v0+s22+$0x0], $0xffff;
	_ =	sdelay $0x4  }
0x1ad: {  	[tilespmem:$0x1FE70] =	vst v0;
	v0 =	vld [tilespmem:$0x1FFC0];
	_ =	sdelay $0x7  }
0x1ae: {  	v59 =	vld.idx.msk [tilespmem:v0+s23+$0x0], $0xffff  }
0x1af: {  	v0 =	vld [tilespmem:$0x1FFD0];
	_ =	sdelay $0x7  }
0x1b0: {  	[tilespmem:$0x1FE60] =	vst v1;
	v1 =	vld.idx.msk [tilespmem:v0+s15+$0x0], $0xffff;
	_ =	sdelay $0x4  }
0x1b1: {  	[tilespmem:$0x1FE80] =	vst v1;
	v1 =	vld.idx.msk [tilespmem:v0+s21+$0x0], $0xffff;
	_ =	sdelay $0x4  }
0x1b2: {  	[tilespmem:$0x1FE90] =	vst v1;
	v1 =	vld.idx.msk [tilespmem:v0+s16+$0x0], $0xffff  }
0x1b3: {  	v0 =	vld.idx.msk [tilespmem:v0+s22+$0x0], $0xffff;
	_ =	sdelay $0x4  }
0x1b4: {  	[tilespmem:$0x1FEB0] =	vst v0;
	v0 =	vld [tilespmem:$0x1FFE0];
	_ =	sdelay $0x7  }
0x1b5: {  	v57 =	vld.idx.msk [tilespmem:v0+s23+$0x0], $0xffff  }
0x1b6: {  	v0 =	vld [tilespmem:$0x1FFF0];
	_ =	sdelay $0x7  }
0x1b7: {  	[tilespmem:$0x1FEA0] =	vst v1;
	v1 =	vld.idx.msk [tilespmem:v0+s15+$0x0], $0xffff;
	_ =	sdelay $0x3  }
0x1b8: {  	s0 =	sshll.u32 s30, $0x5;
	s1 =	stileid.u32  }
0x1b9: {  	s1 =	sor.u32 s1, s0;
	[tilespmem:$0x1FEC0] =	vst v1;
	v1 =	vld.idx.msk [tilespmem:v0+s21+$0x0], $0xffff  }
0x1ba: {  	p1 =	sgt.u32 s1, $0x9A3  }
0x1bb: {  	s0 =	sadd.s32 @!p1 $0x20, s1  }
0x1bc: {  	s17 =	smul.u32 @!p1 $0x190, s0;
	_ =	sdelay $0x1  }
0x1bd: {  	s31 =	simm.s32 @!p1 $0x0;
	s19 =	simm.s32 @!p1 $0x1220;
	s18 =	sadd.s32 @!p1 s5, s17;
	[tilespmem:$0x1FED0] =	vst v1;
	v1 =	vld.idx.msk [tilespmem:v0+s16+$0x0], $0xffff  }
0x1be: {  	v0 =	vld.idx.msk [tilespmem:v0+s22+$0x0], $0xffff;
	[tilespmem:s19], [sflag:$0x3] =	stream.linear.gather @!p1 [hbm4b:s18+s31], $0xC80, $0x38  }
0x1bf: {  	s18 =	sadd.s32 @!p1 s6, s17;
	s19 =	simm.s32 @!p1 $0x1EA0  }
0x1c0: {  	[tilespmem:s19], [sflag:$0x3] =	stream.linear.gather @!p1 [hbm4b:s18+s31], $0xC80, $0x38;
	[tilespmem:$0x173A0] =	vst v63  }
0x1c1: {  	s0 =	smul.u32 @!p1 $0x640, s0;
	s18 =	sadd.s32 @!p1 s7, s17;
	s19 =	simm.s32 @!p1 $0x2B20  }
0x1c2: {  	[tilespmem:s19], [sflag:$0x3] =	stream.linear.gather @!p1 [hbm4b:s18+s31], $0xC80, $0x38;
	[tilespmem:$0x173A0] =	vst v63  }
0x1c3: {  	s0 =	sshra.s32 @!p1 s0, $0x2;
	s17 =	sadd.s32 @!p1 s20, s17;
	s18 =	simm.s32 @!p1 $0x37A0;
	[tilespmem:$0x1FEE0] =	vst v1  }
0x1c4: {  	[tilespmem:s18], [sflag:$0x3] =	stream.linear.gather @!p1 [hbm4b:s17+s31], $0xC80, $0x38;
	[tilespmem:$0x173A0] =	vst v63  }
0x1c5: {  	s0 =	sadd.s32 @!p1 s0, s3;
	[tilespmem:$0x1FEF0] =	vst v0;
	s17 =	simm.s32 @!p1 $0x7620  }
0x1c6: {  	[tilespmem:s17], [sflag:$0x4] =	stream.linear.gather @!p1 [spmem:s0], $0x190, $0x38;
	[tilespmem:$0x173A0] =	vst v63  }
0x1c7: {  	_ =	swait.ge [sflag:s29], $0xC80  }
0x1c8: {  	[sflag:s29] =	ssyncset.done $0x0  }
0x1c9: {  	[sflag:s29] =	ssyncadd.s32 $0xFFFFF380  }
0x1ca: {  	_ =	swait.ge [sflag:s29], $0xC80  }
0x1cb: {  	[sflag:s29] =	ssyncset.done $0x0  }
0x1cc: {  	[sflag:s29] =	ssyncadd.s32 $0xFFFFF380  }
0x1cd: {  	_ =	swait.ge [sflag:s29], $0xC80  }
0x1ce: {  	[sflag:s29] =	ssyncset.done $0x0  }
0x1cf: {  	s0 =	simm.s32 $0x30;
	[sflag:s29] =	ssyncadd.s32 $0xFFFFF380  }
0x1d0: {  	v18 =	vor.u32 s0, v4;
	_ =	swait.ge [sflag:s29], $0xC80  }
0x1d1: {  	v20 =	vand.u32 v14, v18;
	[sflag:s29] =	ssyncset.done $0x0  }
0x1d2: {  	[sflag:s29] =	ssyncadd.s32 $0xFFFFF380  }
0x1d3: {  	_ =	swait.ge [sflag:s8], $0x190  }
0x1d4: {  	s17 =	simm.s32 $0x0;
	[sflag:s8] =	ssyncset.done $0x0  }
0x1d5: {  	s31 =	simm.s32 $0x10;
	v45 =	vor.u32 s17, v2;
	[sflag:s8] =	ssyncadd.s32 $0xFFFFFE70  }
0x1d6: {  	v19 =	vor.u32 s31, v2;
	v38 =	vshll.u32 v45, $0x3;
	v0 =	vld.idx.msk [tilespmem:v20+s28+$0x0], $0xffff  }
0x1d7: {  	v63 =	vor.u32 v3, v38;
	_ =	sdelay $0x2  }
0x1d8: {  	v21 =	vor.u32 s0, v2  }
0x1d9: {  	v26 =	vor.u32 s17, v4;
	v54 =	vld.idx.msk [tilespmem:v19+s28+$0x0], $0xffff;
	[tilespmem:$0x1FF60] =	vst v0  }
0x1da: {  	v49 =	vand.u32 v5, v26;
	v16 =	vld.idx.msk [tilespmem:v63+s24+$0x0], $0xffff;
	_ =	sdelay $0x1  }
0x1db: {  	s19 =	simm.s32 $0x20  }
0x1dc: {  	v58 =	vor.u32 s19, v4;
	v38 =	vor.u32 s31, v4;
	v62 =	vld.idx.msk [tilespmem:v21+s28+$0x0], $0xffff  }
0x1dd: {  	v61 =	vshll.u32 v58, $0x3;
	v0 =	vand.u32 v10, v38;
	v46 =	vld.idx.msk [tilespmem:v45+s28+$0x0], $0xffff  }
0x1de: {  	v49 =	vld.idx.msk [tilespmem:v49+s28+$0x0], $0xffff;
	[tilespmem:$0x1FF00] =	vst v16;
	v16 =	vor.u32 v6, v61;
	_ =	sdelay $0x2  }
0x1df: {  	v20 =	vand.u32 v12, v58;
	v21 =	vshll.u32 v21, $0x3  }
0x1e0: {  	v37 =	vadd.f32 v40, v37;
	v40 =	vor.u32 s17, v7;
	v1 =	vor.u32 v3, v21;
	v47 =	vld.idx.msk [tilespmem:v0+s28+$0x0], $0xffff  }
0x1e1: {  	v35 =	vadd.f32 v43, v35;
	v43 =	vshll.u32 v40, $0x3;
	v0 =	vld.idx.msk [tilespmem:v16+s24+$0x0], $0xffff  }
0x1e2: {  	v39 =	vmul.f32 v39, v33;
	v33 =	vmul.f32 v37, v33;
	v37 =	vor.u32 v9, v43;
	v43 =	vld [tilespmem:$0x1FE30]  }
0x1e3: {  	v61 =	vld.idx.msk [tilespmem:v63+s25+$0x0], $0xffff  }
0x1e4: {  	v60 =	vld.idx.msk [tilespmem:v20+s28+$0x0], $0xffff  }
0x1e5: {  	v18 =	vshll.u32 v18, $0x3;
	v53 =	vld.idx.msk [tilespmem:v1+s26+$0x0], $0xffff  }
0x1e6: {  	v20 =	vor.u32 v6, v18;
	v18 =	vld [tilespmem:$0x1FE20];
	[tilespmem:$0x1FF40] =	vst v0  }
0x1e7: {  	v0 =	vld.idx.msk [tilespmem:v1+s9+$0x0], $0xffff;
	_ =	sdelay $0x1  }
0x1e8: {  	v24 =	vadd.f32 v41, v24;
	_ =	sdelay $0x1  }
0x1e9: {  	v24 =	vmul.f32 v24, v34  }
0x1ea: {  	v30 =	vadd.f32 v39, v30;
	v21 =	vor.u32 s19, v2;
	v39 =	vadd.f32 v43, v18;
	[tilespmem:$0x1FF30] =	vst v0  }
0x1eb: {  	v52 =	vshll.u32 v21, $0x3;
	v0 =	vld.idx.msk [tilespmem:v20+s9+$0x0], $0xffff  }
0x1ec: {  	v24 =	vadd.f32 v24, v30;
	v17 =	vor.u32 v3, v52;
	v30 =	vmul.f32 v39, v50  }
0x1ed: {  	v18 =	vld [tilespmem:$0x1FE40]  }
0x1ee: {  	v24 =	vadd.f32 v30, v24;
	v30 =	vld [tilespmem:$0x1FE50]  }
0x1ef: {  	v48 =	vld.idx.msk [tilespmem:v1+s24+$0x0], $0xffff  }
0x1f0: {  	v51 =	vld.idx.msk [tilespmem:v16+s25+$0x0], $0xffff;
	[tilespmem:$0x1FF50] =	vst v0  }
0x1f1: {  	v0 =	vld.idx.msk [tilespmem:v17+s25+$0x0], $0xffff;
	_ =	sdelay $0x2  }
0x1f2: {  	v27 =	vmul.f32 v27, v34;
	v34 =	vand.u32 v8, v40;
	v40 =	vld [tilespmem:$0x1FE70];
	v45 =	vor.u32 s19, v7  }
0x1f3: {  	v55 =	vshll.u32 v45, $0x3;
	v30 =	vadd.f32 v30, v18;
	v18 =	vld [tilespmem:$0x1FE60]  }
0x1f4: {  	v58 =	vor.u32 v9, v55;
	v55 =	vld.idx.msk [tilespmem:v21+s28+$0x0], $0xffff;
	[tilespmem:$0x1FF10] =	vst v0  }
0x1f5: {  	v36 =	vadd.f32 v42, v36;
	v25 =	vadd.f32 v33, v25;
	v0 =	vld.idx.msk [tilespmem:v17+s9+$0x0], $0xffff;
	_ =	sdelay $0x1  }
0x1f6: {  	v25 =	vadd.f32 v27, v25;
	v36 =	vmul.f32 v36, v50  }
0x1f7: {  	v50 =	vld [tilespmem:$0x1FE90]  }
0x1f8: {  	v25 =	vadd.f32 v36, v25;
	v26 =	vshll.u32 v26, $0x3;
	v36 =	vadd.f32 v40, v18;
	v18 =	vld [tilespmem:$0x1FE80]  }
0x1f9: {  	v44 =	vld.idx.msk [tilespmem:v16+s9+$0x0], $0xffff;
	[tilespmem:$0x1FF20] =	vst v0;
	v0 =	vor.u32 v6, v26;
	_ =	sdelay $0x3  }
0x1fa: {  	v39 =	vadd.f32 v50, v18;
	v50 =	vld [tilespmem:$0x1FEB0]  }
0x1fb: {  	v33 =	vld.idx.msk [tilespmem:v0+s26+$0x0], $0xffff  }
0x1fc: {  	v23 =	vadd.f32 v23, v35;
	v35 =	vld.idx.msk [tilespmem:v0+s9+$0x0], $0xffff  }
0x1fd: {  	v27 =	vadd.f32 v32, v31;
	v31 =	vld.idx.msk [tilespmem:v0+s24+$0x0], $0xffff  }
0x1fe: {  	v18 =	vld.idx.msk [tilespmem:v0+s25+$0x0], $0xffff  }
0x1ff: {  	v19 =	vshll.u32 v19, $0x3;
	v0 =	vld [tilespmem:$0x1FEA0]  }
0x200: {  	v19 =	vor.u32 v3, v19;
	v30 =	vmul.f32 v30, v56;
	v36 =	vmul.f32 v36, v56;
	v56 =	vld [tilespmem:$0x1FED0]  }
0x201: {  	v21 =	vld.idx.msk [tilespmem:v58+s24+$0x0], $0xffff  }
0x202: {  	v26 =	vld.idx.msk [tilespmem:v58+s9+$0x0], $0xffff  }
0x203: {  	v41 =	vld.idx.msk [tilespmem:v63+s9+$0x0], $0xffff  }
0x204: {  	v40 =	vadd.f32 v50, v0;
	v0 =	vld [tilespmem:$0x1FEC0]  }
0x205: {  	v52 =	vld.idx.msk [tilespmem:v19+s25+$0x0], $0xffff  }
0x206: {  	v42 =	vld.idx.msk [tilespmem:v19+s9+$0x0], $0xffff  }
0x207: {  	v43 =	vld.idx.msk [tilespmem:v58+s26+$0x0], $0xffff  }
0x208: {  	v28 =	vadd.f32 v28, v29;
	v29 =	vld.idx.msk [tilespmem:v37+s26+$0x0], $0xffff  }
0x209: {  	v50 =	vadd.f32 v56, v0;
	v0 =	vld [tilespmem:$0x1FEE0]  }
0x20a: {  	v56 =	vld [tilespmem:$0x1FEF0]  }
0x20b: {  	v28 =	vadd.f32 v30, v28;
	v30 =	vmul.f32 v39, v59;
	v32 =	vld.idx.msk [tilespmem:v19+s26+$0x0], $0xffff  }
0x20c: {  	v34 =	vld.idx.msk [tilespmem:v34+s28+$0x0], $0xffff  }
0x20d: {  	v22 =	vadd.f32 v30, v22;
	v30 =	vld.idx.msk [tilespmem:v63+s26+$0x0], $0xffff  }
0x20e: {  	v38 =	vshll.u32 v38, $0x3;
	v39 =	vmul.f32 v40, v59;
	v40 =	vld.idx.msk [tilespmem:v37+s25+$0x0], $0xffff  }
0x20f: {  	v38 =	vor.u32 v6, v38;
	v56 =	vadd.f32 v56, v0;
	v0 =	vld.idx.msk [tilespmem:v37+s24+$0x0], $0xffff  }
0x210: {  	v41 =	vadd.f32 v61, v41;
	v37 =	vld.idx.msk [tilespmem:v37+s9+$0x0], $0xffff  }
0x211: {  	v23 =	vadd.f32 v36, v23;
	v19 =	vld.idx.msk [tilespmem:v19+s24+$0x0], $0xffff;
	v59 =	vmul.f32 v50, v57;
	v56 =	vmul.f32 v56, v57  }
0x212: {  	v63 =	vmul.f32 v41, v46;
	v41 =	vld [tilespmem:$0x1FF00];
	v27 =	vadd.f32 v39, v27;
	v39 =	vor.u32 s31, v7  }
0x213: {  	v1 =	vld.idx.msk [tilespmem:v1+s25+$0x0], $0xffff;
	v36 =	vadd.f32 v59, v24;
	v24 =	vadd.f32 v56, v25;
	v25 =	vshll.u32 v39, $0x3  }
0x214: {  	v0 =	vadd.f32 v29, v0;
	v29 =	vor.u32 v9, v25;
	v25 =	vadd.f32 v43, v21;
	v21 =	vld.idx.msk [tilespmem:v38+s9+$0x0], $0xffff  }
0x215: {  	v61 =	vadd.f32 v40, v37;
	v40 =	vld.idx.msk [tilespmem:v38+s25+$0x0], $0xffff  }
0x216: {  	v16 =	vld.idx.msk [tilespmem:v16+s26+$0x0], $0xffff;
	v18 =	vadd.f32 v18, v35;
	v31 =	vadd.f32 v33, v31;
	v0 =	vmul.f32 v0, v34  }
0x217: {  	v44 =	vadd.f32 v51, v44;
	v51 =	vld [tilespmem:$0x1FF20];
	v30 =	vadd.f32 v30, v41  }
0x218: {  	v59 =	vld.idx.msk [tilespmem:v38+s24+$0x0], $0xffff;
	v24 =	vadd.f32 v0, v24;
	v0 =	vmul.f32 v18, v49;
	v18 =	vmul.f32 v31, v49  }
0x219: {  	v19 =	vadd.f32 v32, v19;
	v57 =	vld.idx.msk [tilespmem:v38+s26+$0x0], $0xffff;
	v43 =	vmul.f32 v30, v46;
	v46 =	vadd.f32 v52, v42  }
0x21a: {  	v50 =	vld [tilespmem:$0x1FF10];
	v31 =	vmul.f32 v61, v34;
	v27 =	vadd.f32 v18, v27;
	v18 =	vadd.f32 v40, v21  }
0x21b: {  	v19 =	vmul.f32 v19, v54;
	v56 =	vld.idx.msk [tilespmem:v20+s24+$0x0], $0xffff  }
0x21c: {  	v30 =	vadd.f32 v31, v36;
	v31 =	vmul.f32 v46, v54;
	v54 =	vmul.f32 v18, v47;
	v18 =	vld [tilespmem:$0x1FF30]  }
0x21d: {  	v52 =	vadd.f32 v43, v23;
	v23 =	vld [tilespmem:$0x1FF40]  }
0x21e: {  	v49 =	vld.idx.msk [tilespmem:v20+s25+$0x0], $0xffff;
	v0 =	vadd.f32 v0, v22;
	v22 =	vadd.f32 v57, v59  }
0x21f: {  	v38 =	vld.idx.msk [tilespmem:v29+s9+$0x0], $0xffff  }
0x220: {  	v28 =	vadd.f32 v63, v28;
	v61 =	vld.idx.msk [tilespmem:v29+s25+$0x0], $0xffff;
	v22 =	vmul.f32 v22, v47  }
0x221: {  	v33 =	vadd.f32 v50, v51;
	v21 =	vld.idx.msk [tilespmem:v17+s26+$0x0], $0xffff;
	v1 =	vadd.f32 v1, v18  }
0x222: {  	v59 =	vld.idx.msk [tilespmem:v20+s26+$0x0], $0xffff;
	v20 =	vadd.f32 v31, v28;
	v22 =	vadd.f32 v22, v27  }
0x223: {  	v27 =	vmul.f32 v33, v55;
	v28 =	vmul.f32 v1, v62;
	v1 =	vadd.f32 v19, v52;
	v19 =	vld [tilespmem:$0x1FF50]  }
0x224: {  	v48 =	vadd.f32 v53, v48;
	v53 =	vor.u32 s0, v7;
	v39 =	vand.u32 v11, v39;
	v17 =	vld.idx.msk [tilespmem:v17+s24+$0x0], $0xffff  }
0x225: {  	v57 =	vand.u32 v13, v45;
	v31 =	vadd.f32 v27, v20;
	v27 =	vld [tilespmem:$0x1FF60];
	v18 =	vshll.u32 v53, $0x3  }
0x226: {  	v32 =	vld.idx.msk [tilespmem:v29+s24+$0x0], $0xffff;
	v18 =	vor.u32 v9, v18  }
0x227: {  	v35 =	vld.idx.msk [tilespmem:v29+s26+$0x0], $0xffff;
	v16 =	vadd.f32 v16, v23;
	v23 =	vmul.f32 v48, v62  }
0x228: {  	v29 =	vld.idx.msk [tilespmem:v58+s25+$0x0], $0xffff;
	v0 =	vadd.f32 v54, v0;
	v62 =	vmul.f32 v44, v60;
	v19 =	vadd.f32 v49, v19  }
0x229: {  	v63 =	vmul.f32 v16, v60;
	v33 =	vld.idx.msk [tilespmem:v39+s28+$0x0], $0xffff;
	v17 =	vadd.f32 v21, v17  }
0x22a: {  	v21 =	vadd.f32 v59, v56;
	v20 =	vld.idx.msk [tilespmem:v57+s28+$0x0], $0xffff;
	v0 =	vadd.f32 v62, v0;
	v19 =	vmul.f32 v19, v27  }
0x22b: {  	v34 =	vadd.f32 v61, v38;
	v39 =	vand.u32 v15, v53;
	v36 =	vadd.f32 v63, v22;
	v16 =	vld.idx.msk [tilespmem:v18+s24+$0x0], $0xffff  }
0x22c: {  	s0 =	simm.s32 $0x70;
	s31 =	simm.s32 $0x0;
	v37 =	vmul.f32 v17, v55;
	v38 =	vmul.f32 v21, v27;
	v27 =	vld.idx.msk [tilespmem:v18+s26+$0x0], $0xffff;
	v22 =	vadd.f32 v19, v0  }
.LBB2_10:
0x22d: {  	s18 =	sadd.s32 $0xFFFFFFD0, s0;
	s17 =	sadd.s32 $0xFFFFFFE0, s0;
	s19 =	sadd.s32 $0xFFFFFFF0, s0;
	v0 =	vor.u32 s0, v2;
	v17 =	vor.u32 s0, v4;
	v19 =	vadd.f32 v35, v32;
	v21 =	vld.idx.msk [tilespmem:v18+s9+$0x0], $0xffff  }
0x22e: {  	s31 =	sadd.s32 $0x4, s31;
	v26 =	vadd.f32 v29, v26;
	v32 =	vor.u32 s18, v4;
	v40 =	vor.u32 s18, v7  }
0x22f: {  	v35 =	vor.u32 s18, v2;
	v29 =	vor.u32 s17, v2;
	p1 =	slt.u32 s31, $0x14;
	v25 =	vmul.f32 v25, v20  }
0x230: {  	v42 =	vor.u32 s17, v4;
	v43 =	vand.u32 v14, v17;
	v41 =	vshll.u32 v40, $0x3;
	v18 =	vld.idx.msk [tilespmem:v18+s25+$0x0], $0xffff  }
0x231: {  	v1 =	vadd.f32 v37, v1;
	v44 =	vshll.u32 v35, $0x3;
	v45 =	vshll.u32 v29, $0x3  }
0x232: {  	v47 =	vor.u32 s19, v2;
	v46 =	vand.u32 v5, v32;
	v20 =	vmul.f32 v26, v20  }
0x233: {  	v26 =	vshll.u32 v32, $0x3;
	v44 =	vor.u32 v3, v44;
	v34 =	vmul.f32 v34, v33;
	v39 =	vld.idx.msk [tilespmem:v39+s28+$0x0], $0xffff  }
0x234: {  	v17 =	vshll.u32 v17, $0x3;
	v48 =	vor.u32 v6, v26;
	v16 =	vadd.f32 v27, v16;
	v32 =	vld.idx.msk [tilespmem:v29+s28+$0x0], $0xffff  }
0x235: {  	v37 =	vor.u32 s19, v7;
	v26 =	vor.u32 s19, v4;
	v30 =	vadd.f32 v34, v30;
	v27 =	vld.idx.msk [tilespmem:v43+s28+$0x0], $0xffff  }
0x236: {  	v19 =	vmul.f32 v19, v33;
	v34 =	vand.u32 v12, v26;
	v43 =	vand.u32 v10, v42;
	v29 =	vld.idx.msk [tilespmem:v0+s28+$0x0], $0xffff  }
0x237: {  	v33 =	vadd.f32 v23, v1;
	v26 =	vshll.u32 v26, $0x3;
	v0 =	vshll.u32 v0, $0x3;
	v49 =	vld.idx.msk [tilespmem:v35+s28+$0x0], $0xffff  }
0x238: {  	v41 =	vor.u32 v9, v41;
	v0 =	vor.u32 v3, v0;
	v35 =	vor.u32 v6, v17;
	v46 =	vld.idx.msk [tilespmem:v46+s28+$0x0], $0xffff  }
0x239: {  	v50 =	vor.u32 v6, v26;
	v20 =	vadd.f32 v20, v30;
	v1 =	vadd.f32 v18, v21;
	v17 =	vld.idx.msk [tilespmem:v44+s24+$0x0], $0xffff  }
0x23a: {  	v23 =	vshll.u32 v37, $0x3;
	v19 =	vadd.f32 v19, v24;
	v21 =	vshll.u32 v47, $0x3;
	v18 =	vld.idx.msk [tilespmem:v44+s25+$0x0], $0xffff  }
0x23b: {  	v21 =	vor.u32 v3, v21;
	v24 =	vmul.f32 v1, v39;
	v16 =	vmul.f32 v16, v39;
	v34 =	vld.idx.msk [tilespmem:v34+s28+$0x0], $0xffff  }
0x23c: {  	v36 =	vadd.f32 v38, v36;
	v30 =	vand.u32 v8, v40;
	v19 =	vadd.f32 v25, v19;
	v1 =	vld.idx.msk [tilespmem:v43+s28+$0x0], $0xffff  }
0x23d: {  	v28 =	vadd.f32 v28, v31;
	v38 =	vor.u32 s17, v7;
	v20 =	vadd.f32 v24, v20;
	v25 =	vld.idx.msk [tilespmem:v0+s26+$0x0], $0xffff  }
0x23e: {  	v31 =	vshll.u32 v38, $0x3;
	v24 =	vor.u32 v3, v45;
	v19 =	vadd.f32 v16, v19;
	v39 =	vld.idx.msk [tilespmem:v50+s24+$0x0], $0xffff  }
0x23f: {  	v40 =	vld.idx.msk [tilespmem:v0+s9+$0x0], $0xffff  }
0x240: {  	v26 =	vshll.u32 v42, $0x3;
	v16 =	vor.u32 v9, v23;
	v23 =	vld.idx.msk [tilespmem:v0+s24+$0x0], $0xffff  }
0x241: {  	v42 =	vor.u32 v6, v26;
	v43 =	vld.idx.msk [tilespmem:v50+s25+$0x0], $0xffff  }
0x242: {  	v45 =	vld.idx.msk [tilespmem:v35+s9+$0x0], $0xffff  }
0x243: {  	v51 =	vld.idx.msk [tilespmem:v21+s25+$0x0], $0xffff  }
0x244: {  	v52 =	vld.idx.msk [tilespmem:v50+s9+$0x0], $0xffff  }
0x245: {  	v53 =	vld.idx.msk [tilespmem:v21+s9+$0x0], $0xffff  }
0x246: {  	v23 =	vadd.f32 v25, v23;
	v54 =	vld.idx.msk [tilespmem:v16+s24+$0x0], $0xffff  }
0x247: {  	v26 =	vld.idx.msk [tilespmem:v16+s9+$0x0], $0xffff  }
0x248: {  	v23 =	vmul.f32 v23, v29;
	v25 =	vld.idx.msk [tilespmem:v44+s9+$0x0], $0xffff  }
0x249: {  	v55 =	vld.idx.msk [tilespmem:v24+s25+$0x0], $0xffff  }
0x24a: {  	v43 =	vadd.f32 v43, v52;
	v56 =	vld.idx.msk [tilespmem:v24+s9+$0x0], $0xffff  }
0x24b: {  	v47 =	vld.idx.msk [tilespmem:v47+s28+$0x0], $0xffff  }
0x24c: {  	v43 =	vmul.f32 v43, v34;
	v52 =	vld.idx.msk [tilespmem:v16+s26+$0x0], $0xffff  }
0x24d: {  	v57 =	vld.idx.msk [tilespmem:v48+s26+$0x0], $0xffff  }
0x24e: {  	v18 =	vadd.f32 v18, v25;
	v58 =	vld.idx.msk [tilespmem:v48+s9+$0x0], $0xffff  }
0x24f: {  	v59 =	vld.idx.msk [tilespmem:v48+s24+$0x0], $0xffff  }
0x250: {  	v18 =	vmul.f32 v18, v49;
	v60 =	vld.idx.msk [tilespmem:v41+s26+$0x0], $0xffff  }
0x251: {  	v61 =	vld.idx.msk [tilespmem:v24+s26+$0x0], $0xffff  }
0x252: {  	v25 =	vadd.f32 v52, v54;
	v48 =	vld.idx.msk [tilespmem:v48+s25+$0x0], $0xffff  }
0x253: {  	v30 =	vld.idx.msk [tilespmem:v30+s28+$0x0], $0xffff  }
0x254: {  	v52 =	vld.idx.msk [tilespmem:v41+s24+$0x0], $0xffff  }
0x255: {  	v54 =	vadd.f32 v57, v59;
	v57 =	vld.idx.msk [tilespmem:v41+s25+$0x0], $0xffff  }
0x256: {  	v41 =	vld.idx.msk [tilespmem:v41+s9+$0x0], $0xffff  }
0x257: {  	v54 =	vmul.f32 v54, v46;
	v44 =	vld.idx.msk [tilespmem:v44+s26+$0x0], $0xffff  }
0x258: {  	v48 =	vadd.f32 v48, v58;
	v58 =	vld.idx.msk [tilespmem:v42+s9+$0x0], $0xffff  }
0x259: {  	v31 =	vor.u32 v9, v31;
	v59 =	vld.idx.msk [tilespmem:v42+s26+$0x0], $0xffff  }
0x25a: {  	v46 =	vmul.f32 v48, v46;
	v48 =	vadd.f32 v60, v52;
	v52 =	vld.idx.msk [tilespmem:v24+s24+$0x0], $0xffff  }
0x25b: {  	v60 =	vld.idx.msk [tilespmem:v42+s24+$0x0], $0xffff  }
0x25c: {  	v24 =	vadd.f32 v57, v41;
	v41 =	vmul.f32 v48, v30;
	v0 =	vld.idx.msk [tilespmem:v0+s25+$0x0], $0xffff  }
0x25d: {  	v17 =	vadd.f32 v44, v17;
	v42 =	vld.idx.msk [tilespmem:v42+s25+$0x0], $0xffff  }
0x25e: {  	v30 =	vmul.f32 v24, v30;
	v24 =	vadd.f32 v41, v19;
	v19 =	vld.idx.msk [tilespmem:v31+s9+$0x0], $0xffff  }
0x25f: {  	v38 =	vand.u32 v11, v38;
	v28 =	vadd.f32 v18, v28;
	v17 =	vmul.f32 v17, v49;
	v41 =	vld.idx.msk [tilespmem:v50+s26+$0x0], $0xffff  }
0x260: {  	v37 =	vand.u32 v13, v37;
	v48 =	vor.u32 s0, v7;
	v18 =	vadd.f32 v61, v52;
	v44 =	vld.idx.msk [tilespmem:v35+s25+$0x0], $0xffff  }
0x261: {  	v22 =	vadd.f32 v46, v22;
	v50 =	vshll.u32 v48, $0x3;
	v46 =	vadd.f32 v59, v60;
	v49 =	vld.idx.msk [tilespmem:v21+s26+$0x0], $0xffff  }
0x262: {  	v52 =	vadd.f32 v55, v56;
	v55 =	vmul.f32 v18, v32;
	v18 =	vor.u32 v9, v50;
	v21 =	vld.idx.msk [tilespmem:v21+s24+$0x0], $0xffff  }
0x263: {  	v36 =	vadd.f32 v54, v36;
	v42 =	vadd.f32 v42, v58;
	v46 =	vmul.f32 v46, v1;
	v50 =	vld.idx.msk [tilespmem:v35+s24+$0x0], $0xffff  }
0x264: {  	v51 =	vadd.f32 v51, v53;
	v30 =	vadd.f32 v30, v20;
	v20 =	vmul.f32 v52, v32;
	v52 =	vld.idx.msk [tilespmem:v35+s26+$0x0], $0xffff  }
0x265: {  	v17 =	vadd.f32 v17, v33;
	v0 =	vadd.f32 v0, v40;
	v1 =	vmul.f32 v42, v1;
	v42 =	vld.idx.msk [tilespmem:v31+s25+$0x0], $0xffff  }
0x266: {  	v33 =	vmul.f32 v51, v47;
	v20 =	vadd.f32 v20, v28;
	v39 =	vadd.f32 v41, v39;
	v32 =	vld.idx.msk [tilespmem:v31+s24+$0x0], $0xffff  }
0x267: {  	v28 =	vmul.f32 v0, v29;
	v36 =	vadd.f32 v46, v36;
	v22 =	vadd.f32 v1, v22;
	v35 =	vld.idx.msk [tilespmem:v31+s26+$0x0], $0xffff  }
.Ltmp4:
0x268: {  	v1 =	vadd.f32 v55, v17;
	v0 =	vmul.f32 v39, v34;
	v29 =	vld.idx.msk [tilespmem:v16+s25+$0x0], $0xffff;
	v16 =	vadd.f32 v44, v45;
	(pc) =	sbr.rel @p1 .LBB2_10-.Ltmp4, $4  }
0x269: {  	v31 =	vadd.f32 v33, v20;
	v17 =	vadd.f32 v49, v21;
	v20 =	vld.idx.msk [tilespmem:v37+s28+$0x0], $0xffff  }
0x26a: {  	v21 =	vadd.f32 v43, v22;
	v39 =	vadd.f32 v52, v50;
	v22 =	vmul.f32 v16, v27;
	v16 =	vld.idx.msk [tilespmem:v18+s24+$0x0], $0xffff  }
0x26b: {  	v36 =	vadd.f32 v0, v36;
	v37 =	vmul.f32 v17, v47;
	v34 =	vadd.f32 v42, v19;
	v33 =	vld.idx.msk [tilespmem:v38+s28+$0x0], $0xffff  }
0x26c: {  	s0 =	sadd.s32 $0x40, s0;
	v38 =	vmul.f32 v39, v27;
	v39 =	vand.u32 v15, v48;
	v22 =	vadd.f32 v22, v21;
	v27 =	vld.idx.msk [tilespmem:v18+s26+$0x0], $0xffff  }
0x26d: {  	_ =	sdelay $0x3  }
0x26e: {  	v0 =	vld.idx.msk [tilespmem:v18+s9+$0x0], $0xffff  }
0x26f: {  	v19 =	vld [tilespmem:$0x1FFA0]  }
0x270: {  	v41 =	vld [tilespmem:$0x1FFB0]  }
0x271: {  	v17 =	vld.idx.msk [tilespmem:v18+s25+$0x0], $0xffff  }
0x272: {  	v52 =	vld.idx.msk [tilespmem:v39+s28+$0x0], $0xffff  }
0x273: {  	v42 =	vld [tilespmem:$0x1FFC0]  }
0x274: {  	v46 =	vld [tilespmem:$0x1FFD0]  }
0x275: {  	v47 =	vld [tilespmem:$0x1FFE0]  }
0x276: {  	v50 =	vld [tilespmem:$0x1FFF0]  }
0x277: {  	v19 =	vld.idx.msk [tilespmem:v19+s28+$0x0], $0xffff  }
0x278: {  	v21 =	vld.idx.msk [tilespmem:v41+s9+$0x0], $0xffff  }
0x279: {  	v53 =	vld.idx.msk [tilespmem:v41+s25+$0x0], $0xffff  }
0x27a: {  	v40 =	vld.idx.msk [tilespmem:v41+s24+$0x0], $0xffff  }
0x27b: {  	v41 =	vld.idx.msk [tilespmem:v41+s26+$0x0], $0xffff  }
0x27c: {  	v42 =	vld.idx.msk [tilespmem:v42+s28+$0x0], $0xffff  }
0x27d: {  	v43 =	vld.idx.msk [tilespmem:v46+s9+$0x0], $0xffff  }
0x27e: {  	v44 =	vld.idx.msk [tilespmem:v46+s25+$0x0], $0xffff  }
0x27f: {  	v45 =	vld.idx.msk [tilespmem:v46+s24+$0x0], $0xffff  }
0x280: {  	p1 =	sgt.u32 s1, $0x993;
	v46 =	vld.idx.msk [tilespmem:v46+s26+$0x0], $0xffff  }
0x281: {  	s0 =	sadd.s32 @!p1 $0x30, s1;
	v47 =	vld.idx.msk [tilespmem:v47+s28+$0x0], $0xffff  }
0x282: {  	s1 =	smul.u32 @!p1 $0x190, s0;
	v48 =	vld.idx.msk [tilespmem:v50+s9+$0x0], $0xffff  }
0x283: {  	v54 =	vld.idx.msk [tilespmem:v50+s25+$0x0], $0xffff  }
0x284: {  	s18 =	simm.s32 @!p1 $0x0;
	s19 =	simm.s32 @!p1 $0x4420;
	s17 =	sadd.s32 @!p1 s5, s1;
	v49 =	vld.idx.msk [tilespmem:v50+s24+$0x0], $0xffff  }
0x285: {  	v32 =	vadd.f32 v35, v32;
	v55 =	vld.idx.msk [tilespmem:v50+s26+$0x0], $0xffff;
	[tilespmem:s19], [sflag:$0x3] =	stream.linear.gather @!p1 [hbm4b:s17+s18], $0xC80, $0x38  }
0x286: {  	v26 =	vadd.f32 v29, v26;
	v1 =	vadd.f32 v37, v1;
	v34 =	vmul.f32 v34, v33;
	s17 =	sadd.s32 @!p1 s6, s1;
	s19 =	simm.s32 @!p1 $0x50A0  }
0x287: {  	v25 =	vmul.f32 v25, v20;
	v56 =	vadd.f32 v38, v36;
	v29 =	vmul.f32 v32, v33;
	[tilespmem:s19], [sflag:$0x3] =	stream.linear.gather @!p1 [hbm4b:s17+s18], $0xC80, $0x38;
	[tilespmem:$0x173A0] =	vst v63  }
0x288: {  	v20 =	vmul.f32 v26, v20;
	s0 =	smul.u32 @!p1 $0x640, s0;
	v30 =	vadd.f32 v34, v30;
	v0 =	vadd.f32 v17, v0;
	s17 =	sadd.s32 @!p1 s7, s1;
	s19 =	simm.s32 @!p1 $0x5D20  }
0x289: {  	v16 =	vadd.f32 v27, v16;
	v17 =	vadd.f32 v29, v24;
	[tilespmem:s19], [sflag:$0x3] =	stream.linear.gather @!p1 [hbm4b:s17+s18], $0xC80, $0x38;
	[tilespmem:$0x173A0] =	vst v63  }
0x28a: {  	v1 =	vadd.f32 v23, v1;
	s0 =	sshra.s32 @!p1 s0, $0x2;
	v20 =	vadd.f32 v20, v30;
	v0 =	vmul.f32 v0, v52;
	s1 =	sadd.s32 @!p1 s20, s1;
	s17 =	simm.s32 @!p1 $0x69A0  }
0x28b: {  	v23 =	vadd.f32 v28, v31;
	v16 =	vmul.f32 v16, v52;
	v17 =	vadd.f32 v25, v17;
	[tilespmem:s17], [sflag:$0x3] =	stream.linear.gather @!p1 [hbm4b:s1+s18], $0xC80, $0x38;
	[tilespmem:$0x173A0] =	vst v63  }
0x28c: {  	s30 =	sadd.s32 $0x1, s30;
	s0 =	sadd.s32 @!p1 s0, s3;
	v0 =	vadd.f32 v0, v20;
	v20 =	vadd.f32 v53, v21;
	s1 =	simm.s32 @!p1 $0x77B0  }
0x28d: {  	v16 =	vadd.f32 v16, v17;
	v17 =	vadd.f32 v41, v40;
	[tilespmem:s1], [sflag:$0x4] =	stream.linear.gather @!p1 [spmem:s0], $0x190, $0x38;
	[tilespmem:$0x173A0] =	vst v63  }
0x28e: {  	v21 =	vadd.f32 v44, v43;
	v57 =	vadd.f32 v46, v45;
	v20 =	vmul.f32 v20, v19;
	p1 =	sne.s32 s30, $0x4E  }
.Ltmp5:
0x28f: {  	v58 =	vadd.f32 v54, v48;
	v59 =	vadd.f32 v55, v49;
	v17 =	vmul.f32 v17, v19;
	(pc) =	sbr.rel @p1 .LBB2_7-.Ltmp5, $4  }
0x290: {  	v61 =	vadd.f32 v20, v23;
	v20 =	vmul.f32 v21, v42;
	v21 =	vmul.f32 v57, v42  }
0x291: {  	v63 =	vadd.f32 v17, v1;
	v1 =	vmul.f32 v58, v47;
	v17 =	vmul.f32 v59, v47  }
0x292: {  	v30 =	vadd.f32 v20, v22;
	v22 =	vadd.f32 v21, v56  }
0x293: {  	v62 =	vadd.f32 v1, v0;
	v31 =	vadd.f32 v17, v16  }
0x294: {  	s1 =	simm.s32 @!p0 $0x3  }
0x295: {  	_ =	swait.ge @!p0 [sflag:s1], $0xC80  }
0x296: {  	[sflag:s1] =	ssyncset.done @!p0 $0x0  }
0x297: {  	[sflag:s1] =	ssyncadd.s32 @!p0 $0xFFFFF380  }
0x298: {  	_ =	swait.ge @!p0 [sflag:s1], $0xC80  }
0x299: {  	[sflag:s1] =	ssyncset.done @!p0 $0x0  }
0x29a: {  	[sflag:s1] =	ssyncadd.s32 @!p0 $0xFFFFF380  }
0x29b: {  	_ =	swait.ge @!p0 [sflag:s1], $0xC80  }
0x29c: {  	[sflag:s1] =	ssyncset.done @!p0 $0x0  }
0x29d: {  	[sflag:s1] =	ssyncadd.s32 @!p0 $0xFFFFF380  }
0x29e: {  	s17 =	simm.s32 $0x0;
	_ =	swait.ge @!p0 [sflag:s1], $0xC80  }
0x29f: {  	s0 =	simm.s32 $0x20;
	v0 =	vor.u32 s17, v2;
	v1 =	vor.u32 s17, v4;
	[sflag:s1] =	ssyncset.done @!p0 $0x0  }
0x2a0: {  	s18 =	simm.s32 $0x30;
	v17 =	vor.u32 s0, v7;
	v16 =	vand.u32 v5, v1;
	[sflag:s1] =	ssyncadd.s32 @!p0 $0xFFFFF380;
	s1 =	simm.s32 @!p0 $0x4  }
0x2a1: {  	v18 =	vor.u32 s18, v2;
	v19 =	vshll.u32 v17, $0x3;
	_ =	swait.ge @!p0 [sflag:s1], $0x190  }
0x2a2: {  	v19 =	vor.u32 v9, v19;
	[sflag:s1] =	ssyncset.done @!p0 $0x0  }
0x2a3: {  	v20 =	vshll.u32 v0, $0x3;
	[sflag:s1] =	ssyncadd.s32 @!p0 $0xFFFFFE70  }
0x2a4: {  	v21 =	vor.u32 s18, v7;
	v23 =	vor.u32 s0, v4;
	v20 =	vor.u32 v3, v20;
	v0 =	vld.idx.msk [tilespmem:v0+s23+$0x0], $0xffff  }
0x2a5: {  	v24 =	vand.u32 v15, v21;
	v25 =	vshll.u32 v23, $0x3;
	v16 =	vld.idx.msk [tilespmem:v16+s23+$0x0], $0xffff  }
0x2a6: {  	v26 =	vor.u32 v6, v25;
	v27 =	vld.idx.msk [tilespmem:v18+s23+$0x0], $0xffff  }
0x2a7: {  	v17 =	vand.u32 v13, v17;
	v28 =	vld.idx.msk [tilespmem:v19+s21+$0x0], $0xffff  }
0x2a8: {  	v25 =	vor.u32 s18, v4;
	v29 =	vld.idx.msk [tilespmem:v19+s22+$0x0], $0xffff  }
0x2a9: {  	v32 =	vshll.u32 v25, $0x3;
	v34 =	vand.u32 v14, v25;
	v33 =	vld.idx.msk [tilespmem:v20+s22+$0x0], $0xffff  }
0x2aa: {  	v25 =	vor.u32 v6, v32;
	v37 =	vld.idx.msk [tilespmem:v24+s23+$0x0], $0xffff  }
0x2ab: {  	v23 =	vand.u32 v12, v23;
	v35 =	vld.idx.msk [tilespmem:v26+s16+$0x0], $0xffff  }
0x2ac: {  	v1 =	vshll.u32 v1, $0x3;
	v17 =	vld.idx.msk [tilespmem:v17+s23+$0x0], $0xffff  }
0x2ad: {  	v1 =	vor.u32 v6, v1;
	v39 =	vld.idx.msk [tilespmem:v19+s16+$0x0], $0xffff  }
0x2ae: {  	v40 =	vld.idx.msk [tilespmem:v34+s23+$0x0], $0xffff  }
0x2af: {  	v24 =	vld.idx.msk [tilespmem:v25+s15+$0x0], $0xffff  }
0x2b0: {  	v38 =	vld.idx.msk [tilespmem:v23+s23+$0x0], $0xffff  }
0x2b1: {  	v23 =	vld.idx.msk [tilespmem:v20+s16+$0x0], $0xffff  }
0x2b2: {  	v36 =	vld.idx.msk [tilespmem:v1+s15+$0x0], $0xffff  }
0x2b3: {  	v41 =	vld.idx.msk [tilespmem:v26+s21+$0x0], $0xffff  }
0x2b4: {  	s31 =	simm.s32 $0x10;
	v58 =	vor.u32 s17, v7;
	v42 =	vld.idx.msk [tilespmem:v26+s22+$0x0], $0xffff  }
0x2b5: {  	v46 =	vor.u32 s31, v7;
	v32 =	vand.u32 v8, v58;
	v26 =	vld.idx.msk [tilespmem:v26+s15+$0x0], $0xffff  }
0x2b6: {  	v45 =	vor.u32 s31, v2;
	v47 =	vshll.u32 v46, $0x3;
	v43 =	vld.idx.msk [tilespmem:v1+s22+$0x0], $0xffff  }
0x2b7: {  	v50 =	vshll.u32 v45, $0x3;
	v47 =	vor.u32 v9, v47;
	v44 =	vld.idx.msk [tilespmem:v1+s21+$0x0], $0xffff  }
0x2b8: {  	v50 =	vor.u32 v3, v50;
	v1 =	vld.idx.msk [tilespmem:v1+s16+$0x0], $0xffff  }
0x2b9: {  	v48 =	vld.idx.msk [tilespmem:v20+s21+$0x0], $0xffff  }
0x2ba: {  	v60 =	vor.u32 s31, v4;
	v52 =	vld.idx.msk [tilespmem:v32+s23+$0x0], $0xffff  }
0x2bb: {  	v55 =	vand.u32 v10, v60;
	v45 =	vld.idx.msk [tilespmem:v45+s23+$0x0], $0xffff  }
0x2bc: {  	v46 =	vand.u32 v11, v46;
	v56 =	vld.idx.msk [tilespmem:v47+s15+$0x0], $0xffff  }
0x2bd: {  	v59 =	vshll.u32 v58, $0x3;
	v58 =	vld.idx.msk [tilespmem:v50+s22+$0x0], $0xffff  }
0x2be: {  	v34 =	vor.u32 v9, v59;
	v59 =	vld.idx.msk [tilespmem:v47+s21+$0x0], $0xffff  }
0x2bf: {  	v32 =	vld.idx.msk [tilespmem:v50+s15+$0x0], $0xffff  }
0x2c0: {  	v55 =	vld.idx.msk [tilespmem:v55+s23+$0x0], $0xffff  }
0x2c1: {  	v46 =	vld.idx.msk [tilespmem:v46+s23+$0x0], $0xffff  }
0x2c2: {  	v54 =	vshll.u32 v60, $0x3;
	v20 =	vld.idx.msk [tilespmem:v20+s15+$0x0], $0xffff  }
0x2c3: {  	v54 =	vor.u32 v6, v54;
	v19 =	vld.idx.msk [tilespmem:v19+s15+$0x0], $0xffff  }
0x2c4: {  	s1 =	simm.f32 @!p0 $1.000000000e+00;
	v53 =	vld.idx.msk [tilespmem:v34+s22+$0x0], $0xffff  }
0x2c5: {  	v21 =	vshll.u32 v21, $0x3;
	s1 =	simm.f32 @p0 $0.0e+00;
	v57 =	vld.idx.msk [tilespmem:v34+s16+$0x0], $0xffff;
	v33 =	vadd.f32 v33, v23;
	v60 =	vadd.f32 v42, v35  }
0x2c6: {  	v49 =	vld.idx.msk [tilespmem:v34+s21+$0x0], $0xffff;
	v23 =	vmov s1;
	v26 =	vadd.f32 v41, v26;
	v1 =	vadd.f32 v43, v1  }
0x2c7: {  	v51 =	vld.idx.msk [tilespmem:v34+s15+$0x0], $0xffff;
	v43 =	vor.u32 s0, v2;
	v36 =	vadd.f32 v44, v36;
	v20 =	vadd.f32 v48, v20  }
0x2c8: {  	v34 =	vld.idx.msk [tilespmem:v54+s16+$0x0], $0xffff;
	v29 =	vadd.f32 v29, v39;
	v0 =	vmul.f32 v0, v23;
	v16 =	vmul.f32 v16, v23  }
0x2c9: {  	v41 =	vld.idx.msk [tilespmem:v54+s21+$0x0], $0xffff;
	v19 =	vadd.f32 v28, v19;
	v52 =	vmul.f32 v52, v23;
	v17 =	vmul.f32 v17, v23  }
0x2ca: {  	v42 =	vld.idx.msk [tilespmem:v54+s15+$0x0], $0xffff;
	v27 =	vmul.f32 v27, v23;
	v35 =	vadd.f32 v53, v57;
	v57 =	vshll.u32 v43, $0x3  }
0x2cb: {  	v39 =	vld.idx.msk [tilespmem:v50+s21+$0x0], $0xffff;
	v28 =	vmul.f32 v40, v23;
	v48 =	vmul.f32 v29, v17;
	v44 =	vor.u32 v3, v57  }
0x2cc: {  	v53 =	vmul.f32 v33, v0;
	v49 =	vadd.f32 v49, v51;
	v51 =	vld.idx.msk [tilespmem:v47+s22+$0x0], $0xffff;
	v33 =	vmul.f32 v45, v23  }
0x2cd: {  	v18 =	vshll.u32 v18, $0x3;
	v45 =	vmul.f32 v36, v16;
	v36 =	vmul.f32 v1, v16;
	v1 =	vld.idx.msk [tilespmem:v47+s16+$0x0], $0xffff  }
0x2ce: {  	v59 =	vadd.f32 v59, v56;
	v57 =	vmul.f32 v35, v52;
	v16 =	vmul.f32 v49, v52;
	v49 =	vld.idx.msk [tilespmem:v50+s16+$0x0], $0xffff  }
0x2cf: {  	v47 =	vadd.f32 v45, v30;
	v30 =	vmul.f32 v37, v23;
	v37 =	vor.u32 v9, v21;
	v45 =	vld.idx.msk [tilespmem:v54+s22+$0x0], $0xffff  }
0x2d0: {  	v17 =	vmul.f32 v19, v17;
	v42 =	vadd.f32 v41, v42;
	v35 =	vmul.f32 v55, v23;
	v55 =	vld.idx.msk [tilespmem:v44+s16+$0x0], $0xffff  }
0x2d1: {  	v41 =	vor.u32 v3, v18;
	v18 =	vadd.f32 v57, v31;
	v57 =	vmul.f32 v46, v23;
	v31 =	vld.idx.msk [tilespmem:v44+s22+$0x0], $0xffff  }
0x2d2: {  	v0 =	vmul.f32 v20, v0;
	v21 =	vmul.f32 v42, v35;
	v1 =	vadd.f32 v51, v1;
	v42 =	vld.idx.msk [tilespmem:v44+s15+$0x0], $0xffff  }
0x2d3: {  	v52 =	vmul.f32 v38, v23;
	v16 =	vadd.f32 v16, v62;
	v46 =	vld.idx.msk [tilespmem:v44+s21+$0x0], $0xffff;
	v20 =	vmul.f32 v59, v57  }
0x2d4: {  	v38 =	vadd.f32 v53, v63;
	v47 =	vadd.f32 v21, v47;
	v1 =	vmul.f32 v1, v57;
	v44 =	vld.idx.msk [tilespmem:v37+s21+$0x0], $0xffff  }
0x2d5: {  	v26 =	vmul.f32 v26, v52;
	v29 =	vadd.f32 v58, v49;
	v63 =	vadd.f32 v20, v16;
	v16 =	vld.idx.msk [tilespmem:v43+s23+$0x0], $0xffff  }
0x2d6: {  	v20 =	vadd.f32 v0, v61;
	v43 =	vmul.f32 v60, v52;
	v49 =	vadd.f32 v1, v18;
	v1 =	vld.idx.msk [tilespmem:v37+s16+$0x0], $0xffff  }
0x2d7: {  	s30 =	simm.s32 $0x70;
	s1 =	simm.s32 $0x0;
	v29 =	vmul.f32 v29, v33;
	v18 =	vld.idx.msk [tilespmem:v37+s22+$0x0], $0xffff;
	v40 =	vadd.f32 v31, v55;
	v31 =	vadd.f32 v17, v63  }
.LBB2_13:
0x2d8: {  	s0 =	sadd.s32 $0xFFFFFFD0, s30;
	s17 =	sadd.s32 $0xFFFFFFF0, s30;
	v0 =	vor.u32 s30, v7;
	s1 =	sadd.s32 $0x4, s1;
	v17 =	vadd.f32 v46, v42;
	v19 =	vadd.f32 v48, v49;
	v21 =	vld.idx.msk [tilespmem:v37+s15+$0x0], $0xffff  }
0x2d9: {  	v34 =	vadd.f32 v45, v34;
	v37 =	vor.u32 s0, v2;
	v42 =	vor.u32 s0, v4;
	p1 =	slt.u32 s1, $0x14;
	v45 =	vld.idx.msk [tilespmem:v25+s16+$0x0], $0xffff  }
0x2da: {  	v47 =	vadd.f32 v26, v47;
	v48 =	vor.u32 s17, v4;
	v46 =	vand.u32 v5, v42;
	v49 =	vld.idx.msk [tilespmem:v25+s22+$0x0], $0xffff  }
0x2db: {  	v32 =	vadd.f32 v39, v32;
	v50 =	vor.u32 s0, v7;
	v51 =	vor.u32 s17, v7;
	v52 =	vld.idx.msk [tilespmem:v25+s21+$0x0], $0xffff  }
0x2dc: {  	v53 =	vor.u32 s30, v2;
	v39 =	vshll.u32 v50, $0x3;
	v25 =	vshll.u32 v37, $0x3;
	v54 =	vld.idx.msk [tilespmem:v41+s16+$0x0], $0xffff  }
0x2dd: {  	v26 =	vor.u32 s17, v2;
	v56 =	vand.u32 v15, v0;
	v55 =	vshll.u32 v51, $0x3;
	v57 =	vld.idx.msk [tilespmem:v41+s15+$0x0], $0xffff  }
0x2de: {  	v22 =	vadd.f32 v36, v22;
	v42 =	vshll.u32 v42, $0x3;
	v58 =	vld.idx.msk [tilespmem:v37+s23+$0x0], $0xffff;
	v37 =	vor.u32 v9, v55  }
0x2df: {  	v51 =	vand.u32 v13, v51;
	v32 =	vmul.f32 v32, v33;
	v36 =	vor.u32 v6, v42;
	v33 =	vld.idx.msk [tilespmem:v41+s22+$0x0], $0xffff  }
0x2e0: {  	v34 =	vmul.f32 v34, v35;
	v42 =	vor.u32 v3, v25;
	v25 =	vshll.u32 v48, $0x3;
	v41 =	vld.idx.msk [tilespmem:v41+s21+$0x0], $0xffff  }
0x2e1: {  	v59 =	vadd.f32 v29, v38;
	v35 =	vshll.u32 v26, $0x3;
	v55 =	vor.u32 v6, v25;
	v46 =	vld.idx.msk [tilespmem:v46+s23+$0x0], $0xffff  }
0x2e2: {  	v60 =	vor.u32 s30, v4;
	v20 =	vadd.f32 v32, v20;
	v32 =	vmul.f32 v16, v23;
	v38 =	vld.idx.msk [tilespmem:v53+s23+$0x0], $0xffff  }
0x2e3: {  	v50 =	vand.u32 v8, v50;
	v16 =	vshll.u32 v60, $0x3;
	v49 =	vadd.f32 v49, v45;
	v29 =	vld.idx.msk [tilespmem:v37+s21+$0x0], $0xffff  }
0x2e4: {  	v61 =	vor.u32 v9, v39;
	v22 =	vadd.f32 v34, v22;
	v25 =	vor.u32 v6, v16;
	v39 =	vld.idx.msk [tilespmem:v37+s22+$0x0], $0xffff  }
0x2e5: {  	s0 =	sadd.s32 $0xFFFFFFE0, s30;
	v48 =	vand.u32 v12, v48;
	v60 =	vand.u32 v14, v60;
	v33 =	vadd.f32 v33, v54;
	v34 =	vld.idx.msk [tilespmem:v42+s22+$0x0], $0xffff  }
0x2e6: {  	v62 =	vor.u32 s0, v4;
	v1 =	vadd.f32 v18, v1;
	v54 =	vor.u32 s0, v2;
	v16 =	vld.idx.msk [tilespmem:v56+s23+$0x0], $0xffff  }
0x2e7: {  	v21 =	vadd.f32 v44, v21;
	v18 =	vshll.u32 v54, $0x3;
	v56 =	vshll.u32 v62, $0x3;
	v63 =	vld.idx.msk [tilespmem:v55+s16+$0x0], $0xffff  }
0x2e8: {  	v44 =	vor.u32 v3, v18;
	v18 =	vadd.f32 v41, v57;
	v41 =	vmul.f32 v1, v30;
	v45 =	vld.idx.msk [tilespmem:v51+s23+$0x0], $0xffff  }
0x2e9: {  	v22 =	vadd.f32 v43, v22;
	v21 =	vmul.f32 v21, v30;
	v49 =	vmul.f32 v49, v28;
	v1 =	vld.idx.msk [tilespmem:v37+s16+$0x0], $0xffff  }
0x2ea: {  	v17 =	vmul.f32 v17, v32;
	v18 =	vmul.f32 v18, v27;
	v19 =	vadd.f32 v41, v19;
	v43 =	vld.idx.msk [tilespmem:v60+s23+$0x0], $0xffff  }
0x2eb: {  	v32 =	vmul.f32 v40, v32;
	v22 =	vadd.f32 v49, v22;
	v27 =	vmul.f32 v33, v27;
	v30 =	vld.idx.msk [tilespmem:v25+s15+$0x0], $0xffff  }
0x2ec: {  	v24 =	vadd.f32 v52, v24;
	v21 =	vadd.f32 v21, v31;
	v33 =	vand.u32 v10, v62;
	v40 =	vld.idx.msk [tilespmem:v48+s23+$0x0], $0xffff  }
0x2ed: {  	v0 =	vshll.u32 v0, $0x3;
	v17 =	vadd.f32 v17, v20;
	v48 =	vor.u32 v6, v56;
	v31 =	vld.idx.msk [tilespmem:v42+s16+$0x0], $0xffff  }
0x2ee: {  	v32 =	vadd.f32 v32, v59;
	v52 =	vmul.f32 v24, v28;
	v41 =	vshll.u32 v53, $0x3;
	v20 =	vld.idx.msk [tilespmem:v36+s15+$0x0], $0xffff  }
0x2ef: {  	v17 =	vadd.f32 v18, v17;
	v28 =	vld.idx.msk [tilespmem:v55+s21+$0x0], $0xffff  }
0x2f0: {  	v18 =	vor.u32 s0, v7;
	v51 =	vadd.f32 v27, v32;
	v27 =	vadd.f32 v52, v47;
	v49 =	vld.idx.msk [tilespmem:v55+s22+$0x0], $0xffff  }
0x2f1: {  	v47 =	vand.u32 v11, v18;
	v18 =	vshll.u32 v18, $0x3;
	v24 =	vmov v30;
	v32 =	vld.idx.msk [tilespmem:v55+s15+$0x0], $0xffff  }
0x2f2: {  	v18 =	vor.u32 v9, v18;
	v30 =	vld.idx.msk [tilespmem:v36+s22+$0x0], $0xffff  }
0x2f3: {  	v52 =	vmul.f32 v58, v23;
	v31 =	vadd.f32 v34, v31;
	v53 =	vld.idx.msk [tilespmem:v36+s21+$0x0], $0xffff  }
0x2f4: {  	v34 =	vld.idx.msk [tilespmem:v36+s16+$0x0], $0xffff  }
0x2f5: {  	v31 =	vmul.f32 v31, v52;
	v55 =	vld.idx.msk [tilespmem:v42+s21+$0x0], $0xffff  }
0x2f6: {  	v57 =	vadd.f32 v49, v63;
	v56 =	vld.idx.msk [tilespmem:v61+s21+$0x0], $0xffff  }
0x2f7: {  	v58 =	vadd.f32 v28, v32;
	v49 =	vld.idx.msk [tilespmem:v61+s15+$0x0], $0xffff  }
0x2f8: {  	v28 =	vld.idx.msk [tilespmem:v50+s23+$0x0], $0xffff  }
0x2f9: {  	v36 =	vld.idx.msk [tilespmem:v54+s23+$0x0], $0xffff  }
0x2fa: {  	v30 =	vadd.f32 v30, v34;
	v50 =	vld.idx.msk [tilespmem:v61+s22+$0x0], $0xffff  }
0x2fb: {  	v54 =	vld.idx.msk [tilespmem:v18+s15+$0x0], $0xffff  }
0x2fc: {  	v59 =	vld.idx.msk [tilespmem:v61+s16+$0x0], $0xffff  }
0x2fd: {  	v60 =	vld.idx.msk [tilespmem:v44+s22+$0x0], $0xffff  }
0x2fe: {  	v61 =	vld.idx.msk [tilespmem:v18+s21+$0x0], $0xffff  }
0x2ff: {  	v32 =	vld.idx.msk [tilespmem:v44+s15+$0x0], $0xffff  }
0x300: {  	v28 =	vmul.f32 v28, v23;
	v62 =	vld.idx.msk [tilespmem:v33+s23+$0x0], $0xffff  }
0x301: {  	v33 =	vmul.f32 v36, v23;
	v34 =	vld.idx.msk [tilespmem:v48+s16+$0x0], $0xffff  }
0x302: {  	v36 =	vadd.f32 v50, v59;
	v50 =	vld.idx.msk [tilespmem:v48+s21+$0x0], $0xffff  }
0x303: {  	v46 =	vmul.f32 v46, v23;
	v20 =	vadd.f32 v53, v20;
	v53 =	vld.idx.msk [tilespmem:v48+s15+$0x0], $0xffff  }
0x304: {  	v63 =	vor.u32 v3, v35;
	v59 =	vmul.f32 v36, v28;
	v47 =	vld.idx.msk [tilespmem:v47+s23+$0x0], $0xffff  }
0x305: {  	v20 =	vmul.f32 v20, v46;
	v36 =	vmul.f32 v30, v46;
	v30 =	vadd.f32 v56, v49;
	v46 =	vld.idx.msk [tilespmem:v18+s22+$0x0], $0xffff  }
0x306: {  	v35 =	vmul.f32 v62, v23;
	v42 =	vld.idx.msk [tilespmem:v42+s15+$0x0], $0xffff  }
0x307: {  	v20 =	vadd.f32 v20, v27;
	v28 =	vmul.f32 v30, v28;
	v18 =	vld.idx.msk [tilespmem:v18+s16+$0x0], $0xffff  }
0x308: {  	v56 =	vmul.f32 v40, v23;
	v40 =	vld.idx.msk [tilespmem:v37+s15+$0x0], $0xffff  }
0x309: {  	v27 =	vmul.f32 v38, v23;
	v50 =	vadd.f32 v50, v53;
	v49 =	vld.idx.msk [tilespmem:v44+s16+$0x0], $0xffff  }
0x30a: {  	v41 =	vor.u32 v3, v41;
	v30 =	vmul.f32 v16, v23;
	v37 =	vor.u32 v9, v0;
	v53 =	vld.idx.msk [tilespmem:v63+s16+$0x0], $0xffff  }
0x30b: {  	v38 =	vadd.f32 v31, v51;
	v0 =	vadd.f32 v59, v19;
	v19 =	vmul.f32 v50, v35;
	v31 =	vld.idx.msk [tilespmem:v63+s22+$0x0], $0xffff  }
0x30c: {  	v47 =	vmul.f32 v47, v23;
	v50 =	vadd.f32 v61, v54;
	v16 =	vadd.f32 v55, v42;
	v42 =	vld.idx.msk [tilespmem:v63+s15+$0x0], $0xffff  }
0x30d: {  	v1 =	vadd.f32 v39, v1;
	v51 =	vmul.f32 v45, v23;
	v18 =	vadd.f32 v46, v18;
	v46 =	vld.idx.msk [tilespmem:v63+s21+$0x0], $0xffff  }
0x30e: {  	v52 =	vmul.f32 v16, v52;
	v16 =	vadd.f32 v28, v21;
	v21 =	vmul.f32 v50, v47;
	v39 =	vld.idx.msk [tilespmem:v44+s21+$0x0], $0xffff  }
.Ltmp6:
0x30f: {  	v29 =	vadd.f32 v29, v40;
	v18 =	vmul.f32 v18, v47;
	v45 =	vld.idx.msk [tilespmem:v48+s22+$0x0], $0xffff;
	v48 =	vmul.f32 v1, v51;
	(pc) =	sbr.rel @p1 .LBB2_13-.Ltmp6, $4  }
0x310: {  	v28 =	vmul.f32 v43, v23;
	v40 =	vadd.f32 v60, v49;
	v21 =	vadd.f32 v21, v16;
	v16 =	vld.idx.msk [tilespmem:v26+s23+$0x0], $0xffff  }
0x311: {  	v47 =	vadd.f32 v19, v20;
	v49 =	vadd.f32 v18, v0;
	v0 =	vmul.f32 v29, v51;
	v1 =	vld.idx.msk [tilespmem:v37+s16+$0x0], $0xffff  }
0x312: {  	v20 =	vadd.f32 v52, v17;
	v29 =	vmul.f32 v40, v33;
	v26 =	vmul.f32 v58, v56;
	v44 =	vld.idx.msk [tilespmem:v37+s21+$0x0], $0xffff  }
0x313: {  	s30 =	sadd.s32 $0x40, s30;
	v43 =	vmul.f32 v57, v56;
	v40 =	vadd.f32 v31, v53;
	v31 =	vadd.f32 v0, v21;
	v18 =	vld.idx.msk [tilespmem:v37+s22+$0x0], $0xffff  }
0x314: {  	_ =	sdelay $0x3  }
0x315: {  	v0 =	vld.idx.msk [tilespmem:v37+s15+$0x0], $0xffff  }
0x316: {  	v17 =	vld.idx.msk [tilespmem:v25+s16+$0x0], $0xffff  }
0x317: {  	v61 =	vld.idx.msk [tilespmem:v41+s16+$0x0], $0xffff  }
0x318: {  	v62 =	vld.idx.msk [tilespmem:v41+s15+$0x0], $0xffff  }
0x319: {  	v50 =	vld.idx.msk [tilespmem:v41+s22+$0x0], $0xffff  }
0x31a: {  	v63 =	vld.idx.msk [tilespmem:v41+s21+$0x0], $0xffff  }
0x31b: {  	v51 =	vld [tilespmem:$0x1FFA0]  }
0x31c: {  	v53 =	vld [tilespmem:$0x1FFB0]  }
0x31d: {  	v19 =	vld.idx.msk [tilespmem:v25+s22+$0x0], $0xffff  }
0x31e: {  	v21 =	vld.idx.msk [tilespmem:v25+s21+$0x0], $0xffff  }
0x31f: {  	v57 =	vld [tilespmem:$0x1FFC0]  }
0x320: {  	v58 =	vld [tilespmem:$0x1FFD0]  }
0x321: {  	v60 =	vadd.f32 v50, v61;
	v61 =	vadd.f32 v63, v62;
	v62 =	vld [tilespmem:$0x1FFE0]  }
0x322: {  	v0 =	vadd.f32 v44, v0;
	v44 =	vld [tilespmem:$0x1FFF0]  }
0x323: {  	v51 =	vld.idx.msk [tilespmem:v51+s23+$0x0], $0xffff  }
0x324: {  	v52 =	vld.idx.msk [tilespmem:v53+s15+$0x0], $0xffff  }
0x325: {  	v32 =	vadd.f32 v39, v32;
	v56 =	vld.idx.msk [tilespmem:v53+s21+$0x0], $0xffff  }
0x326: {  	v42 =	vadd.f32 v46, v42;
	v46 =	vld.idx.msk [tilespmem:v53+s16+$0x0], $0xffff  }
0x327: {  	v32 =	vmul.f32 v32, v33;
	v33 =	vld.idx.msk [tilespmem:v53+s22+$0x0], $0xffff  }
0x328: {  	v34 =	vadd.f32 v45, v34;
	v22 =	vadd.f32 v36, v22;
	v36 =	vld.idx.msk [tilespmem:v57+s23+$0x0], $0xffff  }
0x329: {  	v48 =	vadd.f32 v48, v49;
	v20 =	vadd.f32 v32, v20;
	v32 =	vld.idx.msk [tilespmem:v58+s15+$0x0], $0xffff  }
0x32a: {  	v16 =	vmul.f32 v16, v23;
	v34 =	vmul.f32 v34, v35;
	v1 =	vadd.f32 v18, v1;
	v18 =	vld.idx.msk [tilespmem:v58+s21+$0x0], $0xffff  }
0x32b: {  	v26 =	vadd.f32 v26, v47;
	v29 =	vadd.f32 v29, v38;
	v25 =	vld.idx.msk [tilespmem:v58+s16+$0x0], $0xffff  }
0x32c: {  	v59 =	vadd.f32 v34, v22;
	v17 =	vadd.f32 v19, v17;
	v63 =	vmul.f32 v42, v16;
	v53 =	vld.idx.msk [tilespmem:v58+s22+$0x0], $0xffff  }
0x32d: {  	v16 =	vmul.f32 v40, v16;
	v21 =	vadd.f32 v21, v24;
	v1 =	vmul.f32 v1, v30;
	v35 =	vld.idx.msk [tilespmem:v62+s23+$0x0], $0xffff  }
0x32e: {  	v19 =	vadd.f32 v43, v59;
	v17 =	vmul.f32 v17, v28;
	v0 =	vmul.f32 v0, v30;
	v47 =	vld.idx.msk [tilespmem:v44+s15+$0x0], $0xffff  }
0x32f: {  	v50 =	vmul.f32 v61, v27;
	v22 =	vmul.f32 v60, v27;
	v20 =	vadd.f32 v63, v20;
	v49 =	vld.idx.msk [tilespmem:v44+s21+$0x0], $0xffff  }
0x330: {  	v16 =	vadd.f32 v16, v29;
	v21 =	vmul.f32 v21, v28;
	v0 =	vadd.f32 v0, v31;
	v54 =	vld.idx.msk [tilespmem:v44+s16+$0x0], $0xffff  }
0x331: {  	v20 =	vadd.f32 v50, v20;
	v55 =	vmul.f32 v51, v23;
	v56 =	vadd.f32 v56, v52;
	v57 =	vld.idx.msk [tilespmem:v44+s22+$0x0], $0xffff  }
0x332: {  	v16 =	vadd.f32 v22, v16;
	v58 =	vmul.f32 v36, v23;
	v18 =	vadd.f32 v18, v32  }
0x333: {  	v21 =	vadd.f32 v21, v26;
	v60 =	vadd.f32 v33, v46;
	v30 =	vmul.f32 v56, v55  }
0x334: {  	v18 =	vmul.f32 v18, v58;
	v59 =	vmul.f32 v35, v23;
	v24 =	vadd.f32 v49, v47  }
0x335: {  	v25 =	vadd.f32 v53, v25;
	v26 =	vmul.f32 v60, v55;
	v20 =	vadd.f32 v30, v20  }
0x336: {  	v18 =	vadd.f32 v18, v21;
	v61 =	vadd.f32 v57, v54;
	v24 =	vmul.f32 v24, v59  }
0x337: {  	v17 =	vadd.f32 v17, v19;
	v62 =	vmul.f32 v25, v58;
	v16 =	vadd.f32 v26, v16;
	[tilespmem:$0x7940] =	vst v20  }
0x338: {  	v1 =	vadd.f32 v1, v48;
	[tilespmem:$0x7950] =	vst v18;
	v63 =	vmul.f32 v61, v59;
	v0 =	vadd.f32 v24, v0  }
0x339: {  	v17 =	vadd.f32 v62, v17;
	[tilespmem:$0x7970] =	vst v16  }
0x33a: {  	[tilespmem:$0x7960] =	vst v0;
	v0 =	vadd.f32 v63, v1  }
0x33b: {  	[tilespmem:$0x7980] =	vst v17  }
0x33c: {  	s0 =	rddreg [dreg:$0x18];
	s1 =	simm.s32 $0x7940;
	s17 =	simm.s32 $0x5;
	[tilespmem:$0x7990] =	vst v0  }
0x33d: {  	[hbm4b:s0+s4] =	stream.linear.scatter [tilespmem:s1], [sflag:$0x5], $0x60, $0x38;
	[tilespmem:$0x173A0] =	vst v63  }
0x33e: {  	_ =	swait.ge [sflag:s17], $0x60  }
0x33f: {  	s19 =	sld [smem:$0x7F2];
	_ =	sdelay $0x2  }
0x340: {  	s30 =	rddreg [dreg:$0x19];
	s1 =	sadd.s32 $0x1, s19  }
0x341: {  	p1 =	sne.s32 s1, s30  }
.Ltmp7:
0x342: {  	_ = 	snop;
	(pc) =	sbr.rel @p1 .LBB2_1-.Ltmp7, $3  }
0x343: {  	_ =	sdelay $0x1  }
0x344: {  	[sflag:s17] =	ssyncset.done $0x0;
	s31 =	rddreg [dreg:$0xe]  }
0x345: {  	v0 =	vimm.f32 $0.0e+00;
	[sflag:s17] =	ssyncadd.s32 $0xFFFFFFA0;
	s19 =	rddreg [dreg:$0xd]  }
0x346: {  	_ =	sfence.sel $0x180000  }
0x347: {  	[bflag:$0x0] =	sbarrier.arrive $0xFFFF  }
0x348: {  	_ =	strace $0x90000047  }
0x349: {  	s0 =	stileid.u32;
	[bflag:$0x2] =	sbarrier.arrive $0xFFFF  }
0x34a: {  	p0 =	sne.s32 s0, $0x0;
	s0 =	rddreg [dreg:$0x3]  }
0x34b: {  	s0 =	sadd.s32 @!p0 $0x100000, s0  }
0x34c: {  	[sflag:s0] =	ssyncadd.tile.s32 @!p0 $0x1;
	_ =	shalt  }
.Lfunc_end2:
_tile_overlayer_lowered:
.L_overlay_start_2:
0x34d: {  	(tag) =	ssettag $0x2  }
0x34e: {  	s0 =	rddreg [dreg:$0x0];
	s2 =	stileid.u32  }
0x34f: {  	s1 =	rddreg [dreg:$0x1];
	p0 =	sne.s32 s2, $0x0  }
0x350: {  	s3 =	rddreg [dreg:$0x2];
	[bflag:$0x3] =	sbarrier.arrive $0xFFFF;
	s2 =	simm.s32 @!p0 $0x1C05  }
0x351: {  	[timem:s3], [sflag:s2] =	dma.local @!p0 [hbm:s0], s1  }
0x352: {  	s0 =	simm.s32 @!p0 $0x5  }
0x353: {  	_ =	swait.ge @!p0 [sflag:s0], s1  }
0x354: {  	s1 =	ssub.s32 @!p0 $0x0, s1;
	[sflag:s0] =	ssyncset.done @!p0 $0x0  }
0x355: {  	[sflag:s0] =	ssyncadd.s32 @!p0 s1  }
0x356: {  	[bflag:$0x3] =	sbarrier.arrive $0xFFFF  }
0x357: {  	_ =	shalt  }

</sc_bundles>
